<compile_context>
chip_gen: v7x
topology: tpu7x:2x2x1
jax: 0.10.2.dev20260603
libtpu: 0.0.44.dev20260713+nightly
codegen_flags: <defaults>
</compile_context>

<pallas_src>
import functools

import jax
import jax.numpy as jnp
from jax import lax
from jax.experimental import pallas as pl
from jax.experimental.pallas import tpu as pltpu
from jax.experimental.pallas import tpu_sc as plsc

_NUM_FIELDS = 26
_VOCAB = 100000
_EMB = 32
_BATCH = 16384

_NC = 2
_NS = 16
_NW = _NC * _NS
_L = 16
_FP = 4096
_NP = _BATCH // _FP
_H0 = 50048
_H1 = _VOCAB - _H0


def _body(feats_hbm, table_hbm, out_hbm, row0_v, row1_v, feats_v, acc_v,
          rsem0, rsem1, fsem0, fsem1):
    e = lax.axis_index("s") * _NC + lax.axis_index("c")
    zeros = jnp.zeros((_L,), jnp.float32)

    @pl.loop(0, _BATCH // _L, unroll=8)
    def _zb(i):
        acc_v[pl.ds(i * _L, _L)] = zeros

    rows = (row0_v, row1_v)
    rsems = (rsem0, rsem1)
    fsems = (fsem0, fsem1)

    def row_src(f, h):
        if h == 0:
            return table_hbm.at[f, e, pl.ds(0, _H0)]
        return table_hbm.at[f, e, pl.ds(_H0, _H1)]

    def start_row(f, h):
        pltpu.async_copy(row_src(f, h), rows[h], rsems[h])

    def wait_row(f, h):
        pltpu.make_async_copy(row_src(f, h), rows[h], rsems[h]).wait()

    def feats_src(f, q):
        return feats_hbm.at[f, pl.ds(q * _FP, _FP)]

    def start_feats(f, q, p):
        pltpu.async_copy(feats_src(f, q), feats_v.at[p], fsems[p])

    def wait_feats(f, q, p):
        pltpu.make_async_copy(feats_src(f, q), feats_v.at[p], fsems[p]).wait()

    def gather_pass(f, h):
        start_feats(f, 0, 0)
        for q0 in range(0, _NP, 2):
            for p in range(2):
                q = q0 + p
                wait_feats(f, q, p)
                if q < _NP - 1:
                    start_feats(f, q + 1, (p + 1) % 2)
                base = q * _FP

                @pl.loop(0, _FP // _L, unroll=8)
                def _jb(j):
                    idx = feats_v[p, pl.ds(j * _L, _L)]
                    if h == 0:
                        valid = idx < _H0
                        loc = jnp.minimum(idx, _H0 - 1)
                        v = plsc.load_gather(row0_v, [loc])
                    else:
                        valid = idx >= _H0
                        loc = jnp.maximum(idx - _H0, 0)
                        v = plsc.load_gather(row1_v, [loc])
                    v = jnp.where(valid, v, 0.0)
                    plsc.addupdate(acc_v.at[pl.ds(base + j * _L, _L)], v)

    start_row(jnp.int32(0), 0)

    @pl.loop(0, _NUM_FIELDS)
    def _main(f):
        wait_row(f, 0)
        start_row(f, 1)
        gather_pass(f, 0)
        wait_row(f, 1)

        @pl.when(f < _NUM_FIELDS - 1)
        def _pref():
            start_row(f + 1, 0)

        gather_pass(f, 1)

    pltpu.sync_copy(acc_v, out_hbm.at[e])


_embed_sum = functools.partial(
    pl.kernel,
    out_type=jax.ShapeDtypeStruct((_EMB, _BATCH), jnp.float32),
    mesh=plsc.VectorSubcoreMesh(core_axis_name="c", subcore_axis_name="s"),
    compiler_params=pltpu.CompilerParams(needs_layout_passes=False),
    scratch_types=[
        pltpu.VMEM((_H0,), jnp.float32),
        pltpu.VMEM((_H1,), jnp.float32),
        pltpu.VMEM((2, _FP), jnp.int32),
        pltpu.VMEM((_BATCH,), jnp.float32),
        pltpu.SemaphoreType.DMA,
        pltpu.SemaphoreType.DMA,
        pltpu.SemaphoreType.DMA,
        pltpu.SemaphoreType.DMA,
    ],
)(_body)


def kernel(categorical_feats, tables):
    feats_t = categorical_feats.astype(jnp.int32).T
    tables_t = tables.transpose(0, 2, 1)
    return _embed_sum(feats_t, tables_t).T

# --- scband reference (transcript-rebuilt; emitter-appended) ---
"""Pipeline reference for scband-categorical-embedding-9062380995367 (READ-ONLY COPY).

The authoritative reference and input builder live on the scoring server;
editing this copy changes nothing except your own understanding.
"""

import jax, jax.numpy as jnp
import numpy as np

NUM_FIELDS = 26
VOCAB = 100000
EMB_DIM = 32
BATCH = 16384

def setup_inputs(seed: int = 0) -> dict:
    key = jax.random.key(seed)
    k_idx, k_tab = jax.random.split(key)
    categorical_feats = jax.random.randint(k_idx, (BATCH, NUM_FIELDS), 0, VOCAB, dtype=jnp.int64)
    # one embedding table per field, stacked: [NUM_FIELDS, VOCAB, EMB_DIM]
    tables = jax.random.normal(k_tab, (NUM_FIELDS, VOCAB, EMB_DIM), dtype=jnp.float32) * 0.02
    return {"categorical_feats": categorical_feats, "tables": tables}

def reference(categorical_feats, tables):
    feats = categorical_feats.astype(jnp.int32)
    embeds = []
    for i in range(NUM_FIELDS):
        # per-field embedding lookup: gather rows of table i
        embeds.append(jnp.take(tables[i], feats[:, i], axis=0))
    # stack over fields then sum, matching torch.stack(embeds, 0).sum(0)
    return jnp.stack(embeds, axis=0).sum(axis=0)

if __name__ == "__main__":
    import jax
    _d = setup_inputs()
    print(jax.jit(kernel)(*tuple(_d.values())))

</pallas_src>

<mosaic_0001>
#map = affine_map<(d0, d1) -> (0, 0)>
#map1 = affine_map<(d0, d1) -> (0, 0, 0)>
module attributes {stable_mosaic.version = 14 : i64} {
  func.func @_body(%arg0: i32, %arg1: i32, %arg2: memref<26x16384xi32, #tpu.memory_space<hbm>>, %arg3: memref<26x32x100000xf32, #tpu.memory_space<hbm>>, %arg4: memref<32x16384xf32, #tpu.memory_space<hbm>>, %arg5: memref<50048xf32, #tpu.memory_space<vmem>>, %arg6: memref<49952xf32, #tpu.memory_space<vmem>>, %arg7: memref<2x4096xi32, #tpu.memory_space<vmem>>, %arg8: memref<16384xf32, #tpu.memory_space<vmem>>, %arg9: memref<!tpu.dma_semaphore, #tpu.memory_space<semaphore_mem>>, %arg10: memref<!tpu.dma_semaphore, #tpu.memory_space<semaphore_mem>>, %arg11: memref<!tpu.dma_semaphore, #tpu.memory_space<semaphore_mem>>, %arg12: memref<!tpu.dma_semaphore, #tpu.memory_space<semaphore_mem>>) attributes {dimension_semantics = [#tpu.dimension_semantics<core_parallel>, #tpu.dimension_semantics<subcore_parallel>], iteration_bounds = array<i64: 2, 16>, scalar_prefetch = 0 : i64, scratch_operands = 8 : i64, tpu.core_type = #tpu.core_type<sc_vector_subcore>, window_params = [{transform_indices = #map}, {transform_indices = #map1}, {transform_indices = #map}]} {
    %mul3A = arith.constant 2 : i32
    %mul3A_0 = arith.muli %arg1, %mul3A : i32
    %add3A = arith.addi %mul3A_0, %arg0 : i32
    %broadcast_in_dim3A = arith.constant 0.000000e+00 : f32
    %broadcast_in_dim3A_1 = vector.broadcast %broadcast_in_dim3A : f32 to vector<16xf32>
    %scan3A = arith.constant 0 : i32
    %scan3A_2 = arith.constant 1024 : i32
    %scan3A_3 = arith.addi %scan3A, %scan3A_2 : i32
    %scan3A_4 = arith.constant 8 : i32
    scf.for %scan3A_17 = %scan3A to %scan3A_3 step %scan3A_4  : i32 {
      %mul3A_18 = arith.constant 1 : i32
      %mul3A_19 = arith.muli %scan3A_17, %mul3A_18 : i32
      %add3A_20 = arith.constant 0 : i32
      %add3A_21 = arith.addi %add3A_20, %mul3A_19 : i32
      %mul3A_22 = arith.constant 16 : i32
      %mul3A_23 = arith.muli %add3A_21, %mul3A_22 : i32
      %swap3A = arith.index_cast %mul3A_23 : i32 to index
      %swap3A_24 = tpu.vector_load %arg8[%swap3A] {strides = array<i32>} : memref<16384xf32, #tpu.memory_space<vmem>>, vector<16xf32>,
      tpu.vector_store %arg8[%swap3A], %broadcast_in_dim3A_1 {strides = array<i32>} : memref<16384xf32, #tpu.memory_space<vmem>>, vector<16xf32>,
      %scan3A_25 = arith.constant 1 : i32
      %scan3A_26 = arith.addi %scan3A_17, %scan3A_25 : i32
      %mul3A_27 = arith.constant 1 : i32
      %mul3A_28 = arith.muli %scan3A_26, %mul3A_27 : i32
      %add3A_29 = arith.constant 0 : i32
      %add3A_30 = arith.addi %add3A_29, %mul3A_28 : i32
      %mul3A_31 = arith.constant 16 : i32
      %mul3A_32 = arith.muli %add3A_30, %mul3A_31 : i32
      %swap3A_33 = arith.index_cast %mul3A_32 : i32 to index
      %swap3A_34 = tpu.vector_load %arg8[%swap3A_33] {strides = array<i32>} : memref<16384xf32, #tpu.memory_space<vmem>>, vector<16xf32>,
      tpu.vector_store %arg8[%swap3A_33], %broadcast_in_dim3A_1 {strides = array<i32>} : memref<16384xf32, #tpu.memory_space<vmem>>, vector<16xf32>,
      %scan3A_35 = arith.constant 2 : i32
      %scan3A_36 = arith.addi %scan3A_17, %scan3A_35 : i32
      %mul3A_37 = arith.constant 1 : i32
      %mul3A_38 = arith.muli %scan3A_36, %mul3A_37 : i32
      %add3A_39 = arith.constant 0 : i32
      %add3A_40 = arith.addi %add3A_39, %mul3A_38 : i32
      %mul3A_41 = arith.constant 16 : i32
      %mul3A_42 = arith.muli %add3A_40, %mul3A_41 : i32
      %swap3A_43 = arith.index_cast %mul3A_42 : i32 to index
      %swap3A_44 = tpu.vector_load %arg8[%swap3A_43] {strides = array<i32>} : memref<16384xf32, #tpu.memory_space<vmem>>, vector<16xf32>,
      tpu.vector_store %arg8[%swap3A_43], %broadcast_in_dim3A_1 {strides = array<i32>} : memref<16384xf32, #tpu.memory_space<vmem>>, vector<16xf32>,
      %scan3A_45 = arith.constant 3 : i32
      %scan3A_46 = arith.addi %scan3A_17, %scan3A_45 : i32
      %mul3A_47 = arith.constant 1 : i32
      %mul3A_48 = arith.muli %scan3A_46, %mul3A_47 : i32
      %add3A_49 = arith.constant 0 : i32
      %add3A_50 = arith.addi %add3A_49, %mul3A_48 : i32
      %mul3A_51 = arith.constant 16 : i32
      %mul3A_52 = arith.muli %add3A_50, %mul3A_51 : i32
      %swap3A_53 = arith.index_cast %mul3A_52 : i32 to index
      %swap3A_54 = tpu.vector_load %arg8[%swap3A_53] {strides = array<i32>} : memref<16384xf32, #tpu.memory_space<vmem>>, vector<16xf32>,
      tpu.vector_store %arg8[%swap3A_53], %broadcast_in_dim3A_1 {strides = array<i32>} : memref<16384xf32, #tpu.memory_space<vmem>>, vector<16xf32>,
      %scan3A_55 = arith.constant 4 : i32
      %scan3A_56 = arith.addi %scan3A_17, %scan3A_55 : i32
      %mul3A_57 = arith.constant 1 : i32
      %mul3A_58 = arith.muli %scan3A_56, %mul3A_57 : i32
      %add3A_59 = arith.constant 0 : i32
      %add3A_60 = arith.addi %add3A_59, %mul3A_58 : i32
      %mul3A_61 = arith.constant 16 : i32
      %mul3A_62 = arith.muli %add3A_60, %mul3A_61 : i32
      %swap3A_63 = arith.index_cast %mul3A_62 : i32 to index
      %swap3A_64 = tpu.vector_load %arg8[%swap3A_63] {strides = array<i32>} : memref<16384xf32, #tpu.memory_space<vmem>>, vector<16xf32>,
      tpu.vector_store %arg8[%swap3A_63], %broadcast_in_dim3A_1 {strides = array<i32>} : memref<16384xf32, #tpu.memory_space<vmem>>, vector<16xf32>,
      %scan3A_65 = arith.constant 5 : i32
      %scan3A_66 = arith.addi %scan3A_17, %scan3A_65 : i32
      %mul3A_67 = arith.constant 1 : i32
      %mul3A_68 = arith.muli %scan3A_66, %mul3A_67 : i32
      %add3A_69 = arith.constant 0 : i32
      %add3A_70 = arith.addi %add3A_69, %mul3A_68 : i32
      %mul3A_71 = arith.constant 16 : i32
      %mul3A_72 = arith.muli %add3A_70, %mul3A_71 : i32
      %swap3A_73 = arith.index_cast %mul3A_72 : i32 to index
      %swap3A_74 = tpu.vector_load %arg8[%swap3A_73] {strides = array<i32>} : memref<16384xf32, #tpu.memory_space<vmem>>, vector<16xf32>,
      tpu.vector_store %arg8[%swap3A_73], %broadcast_in_dim3A_1 {strides = array<i32>} : memref<16384xf32, #tpu.memory_space<vmem>>, vector<16xf32>,
      %scan3A_75 = arith.constant 6 : i32
      %scan3A_76 = arith.addi %scan3A_17, %scan3A_75 : i32
      %mul3A_77 = arith.constant 1 : i32
      %mul3A_78 = arith.muli %scan3A_76, %mul3A_77 : i32
      %add3A_79 = arith.constant 0 : i32
      %add3A_80 = arith.addi %add3A_79, %mul3A_78 : i32
      %mul3A_81 = arith.constant 16 : i32
      %mul3A_82 = arith.muli %add3A_80, %mul3A_81 : i32
      %swap3A_83 = arith.index_cast %mul3A_82 : i32 to index
      %swap3A_84 = tpu.vector_load %arg8[%swap3A_83] {strides = array<i32>} : memref<16384xf32, #tpu.memory_space<vmem>>, vector<16xf32>,
      tpu.vector_store %arg8[%swap3A_83], %broadcast_in_dim3A_1 {strides = array<i32>} : memref<16384xf32, #tpu.memory_space<vmem>>, vector<16xf32>,
      %scan3A_85 = arith.constant 7 : i32
      %scan3A_86 = arith.addi %scan3A_17, %scan3A_85 : i32
      %mul3A_87 = arith.constant 1 : i32
      %mul3A_88 = arith.muli %scan3A_86, %mul3A_87 : i32
      %add3A_89 = arith.constant 0 : i32
      %add3A_90 = arith.addi %add3A_89, %mul3A_88 : i32
      %mul3A_91 = arith.constant 16 : i32
      %mul3A_92 = arith.muli %add3A_90, %mul3A_91 : i32
      %swap3A_93 = arith.index_cast %mul3A_92 : i32 to index
      %swap3A_94 = tpu.vector_load %arg8[%swap3A_93] {strides = array<i32>} : memref<16384xf32, #tpu.memory_space<vmem>>, vector<16xf32>,
      tpu.vector_store %arg8[%swap3A_93], %broadcast_in_dim3A_1 {strides = array<i32>} : memref<16384xf32, #tpu.memory_space<vmem>>, vector<16xf32>,
    }
    %scan3A_5 = arith.constant 1024 : i32
    %dma_start3A = arith.constant 0 : i32
    %dma_start3A_6 = arith.constant 0 : i32
    %dma_start3A_7 = tpu.memref_slice %arg3[%dma_start3A, %add3A, %dma_start3A_6] : memref<26x32x100000xf32, #tpu.memory_space<hbm>> -> memref<1x1x50048xf32, #tpu.memory_space<hbm>>
    %dma_start3A_8 = tpu.memref_squeeze %dma_start3A_7 : memref<1x1x50048xf32, #tpu.memory_space<hbm>> -> memref<50048xf32, #tpu.memory_space<hbm>>
    %dma_start3A_9 = arith.constant 0 : i32
    %dma_start3A_10 = tpu.memref_slice %arg3[%dma_start3A, %add3A, %dma_start3A_9] : memref<26x32x100000xf32, #tpu.memory_space<hbm>> -> memref<1x1x50048xf32, #tpu.memory_space<hbm>>
    %dma_start3A_11 = tpu.memref_squeeze %dma_start3A_10 : memref<1x1x50048xf32, #tpu.memory_space<hbm>> -> memref<50048xf32, #tpu.memory_space<hbm>>
    tpu.enqueue_dma source(%dma_start3A_11 : memref<50048xf32, #tpu.memory_space<hbm>>) target(%arg5 : memref<50048xf32, #tpu.memory_space<vmem>>) target_semaphore(%arg9 : memref<!tpu.dma_semaphore, #tpu.memory_space<semaphore_mem>>)
    %scan3A_12 = arith.constant 0 : i32
    %scan3A_13 = arith.constant 26 : i32
    %scan3A_14 = arith.addi %scan3A_12, %scan3A_13 : i32
    %scan3A_15 = arith.constant 1 : i32
    scf.for %scan3A_17 = %scan3A_12 to %scan3A_14 step %scan3A_15  : i32 {
      %mul3A_18 = arith.constant 1 : i32
      %mul3A_19 = arith.muli %scan3A_17, %mul3A_18 : i32
      %add3A_20 = arith.constant 0 : i32
      %add3A_21 = arith.addi %add3A_20, %mul3A_19 : i32
      %dma_wait3A = arith.constant 0 : i32
      %dma_wait3A_22 = tpu.memref_slice %arg3[%add3A_21, %add3A, %dma_wait3A] : memref<26x32x100000xf32, #tpu.memory_space<hbm>> -> memref<1x1x50048xf32, #tpu.memory_space<hbm>>
      %dma_wait3A_23 = tpu.memref_squeeze %dma_wait3A_22 : memref<1x1x50048xf32, #tpu.memory_space<hbm>> -> memref<50048xf32, #tpu.memory_space<hbm>>
      %dma_wait3A_24 = arith.constant 0 : i32
      %dma_wait3A_25 = tpu.memref_slice %arg3[%add3A_21, %add3A, %dma_wait3A_24] : memref<26x32x100000xf32, #tpu.memory_space<hbm>> -> memref<1x1x50048xf32, #tpu.memory_space<hbm>>
      %dma_wait3A_26 = tpu.memref_squeeze %dma_wait3A_25 : memref<1x1x50048xf32, #tpu.memory_space<hbm>> -> memref<50048xf32, #tpu.memory_space<hbm>>
      tpu.wait_dma2 semaphore(%arg9 : memref<!tpu.dma_semaphore, #tpu.memory_space<semaphore_mem>>) src(%dma_wait3A_26 : memref<50048xf32, #tpu.memory_space<hbm>>) dst(%arg5 : memref<50048xf32, #tpu.memory_space<vmem>>)
      %dma_start3A_27 = arith.constant 50048 : i32
      %dma_start3A_28 = tpu.memref_slice %arg3[%add3A_21, %add3A, %dma_start3A_27] : memref<26x32x100000xf32, #tpu.memory_space<hbm>> -> memref<1x1x49952xf32, #tpu.memory_space<hbm>>
      %dma_start3A_29 = tpu.memref_squeeze %dma_start3A_28 : memref<1x1x49952xf32, #tpu.memory_space<hbm>> -> memref<49952xf32, #tpu.memory_space<hbm>>
      %dma_start3A_30 = arith.constant 50048 : i32
      %dma_start3A_31 = tpu.memref_slice %arg3[%add3A_21, %add3A, %dma_start3A_30] : memref<26x32x100000xf32, #tpu.memory_space<hbm>> -> memref<1x1x49952xf32, #tpu.memory_space<hbm>>
      %dma_start3A_32 = tpu.memref_squeeze %dma_start3A_31 : memref<1x1x49952xf32, #tpu.memory_space<hbm>> -> memref<49952xf32, #tpu.memory_space<hbm>>
      tpu.enqueue_dma source(%dma_start3A_32 : memref<49952xf32, #tpu.memory_space<hbm>>) target(%arg6 : memref<49952xf32, #tpu.memory_space<vmem>>) target_semaphore(%arg10 : memref<!tpu.dma_semaphore, #tpu.memory_space<semaphore_mem>>)
      %dma_start3A_33 = arith.constant 0 : i32
      %dma_start3A_34 = arith.constant 0 : i32
      %dma_start3A_35 = tpu.memref_slice %arg7[%dma_start3A_33, %dma_start3A_34] : memref<2x4096xi32, #tpu.memory_space<vmem>> -> memref<1x4096xi32, #tpu.memory_space<vmem>>
      %dma_start3A_36 = tpu.memref_squeeze %dma_start3A_35 : memref<1x4096xi32, #tpu.memory_space<vmem>> -> memref<4096xi32, #tpu.memory_space<vmem>>
      %dma_start3A_37 = arith.constant 0 : i32
      %dma_start3A_38 = tpu.memref_slice %arg2[%add3A_21, %dma_start3A_37] : memref<26x16384xi32, #tpu.memory_space<hbm>> -> memref<1x4096xi32, #tpu.memory_space<hbm>>
      %dma_start3A_39 = tpu.memref_squeeze %dma_start3A_38 : memref<1x4096xi32, #tpu.memory_space<hbm>> -> memref<4096xi32, #tpu.memory_space<hbm>>
      %dma_start3A_40 = arith.constant 0 : i32
      %dma_start3A_41 = tpu.memref_slice %arg7[%dma_start3A_33, %dma_start3A_40] : memref<2x4096xi32, #tpu.memory_space<vmem>> -> memref<1x4096xi32, #tpu.memory_space<vmem>>
      %dma_start3A_42 = tpu.memref_squeeze %dma_start3A_41 : memref<1x4096xi32, #tpu.memory_space<vmem>> -> memref<4096xi32, #tpu.memory_space<vmem>>
      %dma_start3A_43 = arith.constant 0 : i32
      %dma_start3A_44 = tpu.memref_slice %arg2[%add3A_21, %dma_start3A_43] : memref<26x16384xi32, #tpu.memory_space<hbm>> -> memref<1x4096xi32, #tpu.memory_space<hbm>>
      %dma_start3A_45 = tpu.memref_squeeze %dma_start3A_44 : memref<1x4096xi32, #tpu.memory_space<hbm>> -> memref<4096xi32, #tpu.memory_space<hbm>>
      tpu.enqueue_dma source(%dma_start3A_45 : memref<4096xi32, #tpu.memory_space<hbm>>) target(%dma_start3A_42 : memref<4096xi32, #tpu.memory_space<vmem>>) target_semaphore(%arg11 : memref<!tpu.dma_semaphore, #tpu.memory_space<semaphore_mem>>)
      %dma_wait3A_46 = arith.constant 0 : i32
      %dma_wait3A_47 = arith.constant 0 : i32
      %dma_wait3A_48 = tpu.memref_slice %arg7[%dma_wait3A_46, %dma_wait3A_47] : memref<2x4096xi32, #tpu.memory_space<vmem>> -> memref<1x4096xi32, #tpu.memory_space<vmem>>
      %dma_wait3A_49 = tpu.memref_squeeze %dma_wait3A_48 : memref<1x4096xi32, #tpu.memory_space<vmem>> -> memref<4096xi32, #tpu.memory_space<vmem>>
      %dma_wait3A_50 = arith.constant 0 : i32
      %dma_wait3A_51 = tpu.memref_slice %arg2[%add3A_21, %dma_wait3A_50] : memref<26x16384xi32, #tpu.memory_space<hbm>> -> memref<1x4096xi32, #tpu.memory_space<hbm>>
      %dma_wait3A_52 = tpu.memref_squeeze %dma_wait3A_51 : memref<1x4096xi32, #tpu.memory_space<hbm>> -> memref<4096xi32, #tpu.memory_space<hbm>>
      %dma_wait3A_53 = arith.constant 0 : i32
      %dma_wait3A_54 = tpu.memref_slice %arg7[%dma_wait3A_46, %dma_wait3A_53] : memref<2x4096xi32, #tpu.memory_space<vmem>> -> memref<1x4096xi32, #tpu.memory_space<vmem>>
      %dma_wait3A_55 = tpu.memref_squeeze %dma_wait3A_54 : memref<1x4096xi32, #tpu.memory_space<vmem>> -> memref<4096xi32, #tpu.memory_space<vmem>>
      %dma_wait3A_56 = arith.constant 0 : i32
      %dma_wait3A_57 = tpu.memref_slice %arg2[%add3A_21, %dma_wait3A_56] : memref<26x16384xi32, #tpu.memory_space<hbm>> -> memref<1x4096xi32, #tpu.memory_space<hbm>>
      %dma_wait3A_58 = tpu.memref_squeeze %dma_wait3A_57 : memref<1x4096xi32, #tpu.memory_space<hbm>> -> memref<4096xi32, #tpu.memory_space<hbm>>
      tpu.wait_dma2 semaphore(%arg11 : memref<!tpu.dma_semaphore, #tpu.memory_space<semaphore_mem>>) src(%dma_wait3A_58 : memref<4096xi32, #tpu.memory_space<hbm>>) dst(%dma_wait3A_55 : memref<4096xi32, #tpu.memory_space<vmem>>)
      %dma_start3A_59 = arith.constant 1 : i32
      %dma_start3A_60 = arith.constant 0 : i32
      %dma_start3A_61 = tpu.memref_slice %arg7[%dma_start3A_59, %dma_start3A_60] : memref<2x4096xi32, #tpu.memory_space<vmem>> -> memref<1x4096xi32, #tpu.memory_space<vmem>>
      %dma_start3A_62 = tpu.memref_squeeze %dma_start3A_61 : memref<1x4096xi32, #tpu.memory_space<vmem>> -> memref<4096xi32, #tpu.memory_space<vmem>>
      %dma_start3A_63 = arith.constant 4096 : i32
      %dma_start3A_64 = tpu.memref_slice %arg2[%add3A_21, %dma_start3A_63] : memref<26x16384xi32, #tpu.memory_space<hbm>> -> memref<1x4096xi32, #tpu.memory_space<hbm>>
      %dma_start3A_65 = tpu.memref_squeeze %dma_start3A_64 : memref<1x4096xi32, #tpu.memory_space<hbm>> -> memref<4096xi32, #tpu.memory_space<hbm>>
      %dma_start3A_66 = arith.constant 0 : i32
      %dma_start3A_67 = tpu.memref_slice %arg7[%dma_start3A_59, %dma_start3A_66] : memref<2x4096xi32, #tpu.memory_space<vmem>> -> memref<1x4096xi32, #tpu.memory_space<vmem>>
      %dma_start3A_68 = tpu.memref_squeeze %dma_start3A_67 : memref<1x4096xi32, #tpu.memory_space<vmem>> -> memref<4096xi32, #tpu.memory_space<vmem>>
      %dma_start3A_69 = arith.constant 4096 : i32
      %dma_start3A_70 = tpu.memref_slice %arg2[%add3A_21, %dma_start3A_69] : memref<26x16384xi32, #tpu.memory_space<hbm>> -> memref<1x4096xi32, #tpu.memory_space<hbm>>
      %dma_start3A_71 = tpu.memref_squeeze %dma_start3A_70 : memref<1x4096xi32, #tpu.memory_space<hbm>> -> memref<4096xi32, #tpu.memory_space<hbm>>
      tpu.enqueue_dma source(%dma_start3A_71 : memref<4096xi32, #tpu.memory_space<hbm>>) target(%dma_start3A_68 : memref<4096xi32, #tpu.memory_space<vmem>>) target_semaphore(%arg12 : memref<!tpu.dma_semaphore, #tpu.memory_space<semaphore_mem>>)
      %scan3A_72 = arith.constant 0 : i32
      %scan3A_73 = arith.constant 256 : i32
      %scan3A_74 = arith.addi %scan3A_72, %scan3A_73 : i32
      %scan3A_75 = arith.constant 8 : i32
      scf.for %scan3A_289 = %scan3A_72 to %scan3A_74 step %scan3A_75  : i32 {
        %mul3A_290 = arith.constant 1 : i32
        %mul3A_291 = arith.muli %scan3A_289, %mul3A_290 : i32
        %add3A_292 = arith.constant 0 : i32
        %add3A_293 = arith.addi %add3A_292, %mul3A_291 : i32
        %mul3A_294 = arith.constant 16 : i32
        %mul3A_295 = arith.muli %add3A_293, %mul3A_294 : i32
        %get3A = arith.constant 0 : i32
        %get3A_296 = arith.index_cast %get3A : i32 to index
        %get3A_297 = arith.index_cast %mul3A_295 : i32 to index
        %get3A_298 = tpu.vector_load %arg7[%get3A_296, %get3A_297] {strides = array<i32>} : memref<2x4096xi32, #tpu.memory_space<vmem>>, vector<16xi32>,
        %lt3A_299 = arith.constant 50048 : i32
        %lt3A_300 = vector.broadcast %lt3A_299 : i32 to vector<16xi32>
        %lt3A_301 = arith.cmpi slt, %get3A_298, %lt3A_300 : vector<16xi32>
        %min3A = arith.constant 50047 : i32
        %min3A_302 = vector.broadcast %min3A : i32 to vector<16xi32>
        %min3A_303 = arith.minsi %get3A_298, %min3A_302 : vector<16xi32>
        %gather3A = tpu.vector_load_idx %arg5[%min3A_303] : memref<50048xf32, #tpu.memory_space<vmem>>[vector<16xi32>], vector<16xf32>,
        %jit3A = arith.constant 0.000000e+00 : f32
        %broadcast_in_dim3A_304 = vector.broadcast %jit3A : f32 to vector<16xf32>
        %select_n3A = arith.select %lt3A_301, %gather3A, %broadcast_in_dim3A_304 : vector<16xi1>, vector<16xf32>
        %mul3A_305 = arith.constant 16 : i32
        %mul3A_306 = arith.muli %add3A_293, %mul3A_305 : i32
        %add3A_307 = arith.constant 0 : i32
        %add3A_308 = arith.addi %add3A_307, %mul3A_306 : i32
        %swap3A = arith.index_cast %add3A_308 : i32 to index
        %swap3A_309 = tpu.vector_load %arg8[%swap3A] {strides = array<i32>} : memref<16384xf32, #tpu.memory_space<vmem>>, vector<16xf32>,
        tpu.vector_store %arg8[%swap3A], %select_n3A {add = true, strides = array<i32>} : memref<16384xf32, #tpu.memory_space<vmem>>, vector<16xf32>,
        %scan3A_310 = arith.constant 1 : i32
        %scan3A_311 = arith.addi %scan3A_289, %scan3A_310 : i32
        %mul3A_312 = arith.constant 1 : i32
        %mul3A_313 = arith.muli %scan3A_311, %mul3A_312 : i32
        %add3A_314 = arith.constant 0 : i32
        %add3A_315 = arith.addi %add3A_314, %mul3A_313 : i32
        %mul3A_316 = arith.constant 16 : i32
        %mul3A_317 = arith.muli %add3A_315, %mul3A_316 : i32
        %get3A_318 = arith.constant 0 : i32
        %get3A_319 = arith.index_cast %get3A_318 : i32 to index
        %get3A_320 = arith.index_cast %mul3A_317 : i32 to index
        %get3A_321 = tpu.vector_load %arg7[%get3A_319, %get3A_320] {strides = array<i32>} : memref<2x4096xi32, #tpu.memory_space<vmem>>, vector<16xi32>,
        %lt3A_322 = arith.constant 50048 : i32
        %lt3A_323 = vector.broadcast %lt3A_322 : i32 to vector<16xi32>
        %lt3A_324 = arith.cmpi slt, %get3A_321, %lt3A_323 : vector<16xi32>
        %min3A_325 = arith.constant 50047 : i32
        %min3A_326 = vector.broadcast %min3A_325 : i32 to vector<16xi32>
        %min3A_327 = arith.minsi %get3A_321, %min3A_326 : vector<16xi32>
        %gather3A_328 = tpu.vector_load_idx %arg5[%min3A_327] : memref<50048xf32, #tpu.memory_space<vmem>>[vector<16xi32>], vector<16xf32>,
        %jit3A_329 = arith.constant 0.000000e+00 : f32
        %broadcast_in_dim3A_330 = vector.broadcast %jit3A_329 : f32 to vector<16xf32>
        %select_n3A_331 = arith.select %lt3A_324, %gather3A_328, %broadcast_in_dim3A_330 : vector<16xi1>, vector<16xf32>
        %mul3A_332 = arith.constant 16 : i32
        %mul3A_333 = arith.muli %add3A_315, %mul3A_332 : i32
        %add3A_334 = arith.constant 0 : i32
        %add3A_335 = arith.addi %add3A_334, %mul3A_333 : i32
        %swap3A_336 = arith.index_cast %add3A_335 : i32 to index
        %swap3A_337 = tpu.vector_load %arg8[%swap3A_336] {strides = array<i32>} : memref<16384xf32, #tpu.memory_space<vmem>>, vector<16xf32>,
        tpu.vector_store %arg8[%swap3A_336], %select_n3A_331 {add = true, strides = array<i32>} : memref<16384xf32, #tpu.memory_space<vmem>>, vector<16xf32>,
        %scan3A_338 = arith.constant 2 : i32
        %scan3A_339 = arith.addi %scan3A_289, %scan3A_338 : i32
        %mul3A_340 = arith.constant 1 : i32
        %mul3A_341 = arith.muli %scan3A_339, %mul3A_340 : i32
        %add3A_342 = arith.constant 0 : i32
        %add3A_343 = arith.addi %add3A_342, %mul3A_341 : i32
        %mul3A_344 = arith.constant 16 : i32
        %mul3A_345 = arith.muli %add3A_343, %mul3A_344 : i32
        %get3A_346 = arith.constant 0 : i32
        %get3A_347 = arith.index_cast %get3A_346 : i32 to index
        %get3A_348 = arith.index_cast %mul3A_345 : i32 to index
        %get3A_349 = tpu.vector_load %arg7[%get3A_347, %get3A_348] {strides = array<i32>} : memref<2x4096xi32, #tpu.memory_space<vmem>>, vector<16xi32>,
        %lt3A_350 = arith.constant 50048 : i32
        %lt3A_351 = vector.broadcast %lt3A_350 : i32 to vector<16xi32>
        %lt3A_352 = arith.cmpi slt, %get3A_349, %lt3A_351 : vector<16xi32>
        %min3A_353 = arith.constant 50047 : i32
        %min3A_354 = vector.broadcast %min3A_353 : i32 to vector<16xi32>
        %min3A_355 = arith.minsi %get3A_349, %min3A_354 : vector<16xi32>
        %gather3A_356 = tpu.vector_load_idx %arg5[%min3A_355] : memref<50048xf32, #tpu.memory_space<vmem>>[vector<16xi32>], vector<16xf32>,
        %jit3A_357 = arith.constant 0.000000e+00 : f32
        %broadcast_in_dim3A_358 = vector.broadcast %jit3A_357 : f32 to vector<16xf32>
        %select_n3A_359 = arith.select %lt3A_352, %gather3A_356, %broadcast_in_dim3A_358 : vector<16xi1>, vector<16xf32>
        %mul3A_360 = arith.constant 16 : i32
        %mul3A_361 = arith.muli %add3A_343, %mul3A_360 : i32
        %add3A_362 = arith.constant 0 : i32
        %add3A_363 = arith.addi %add3A_362, %mul3A_361 : i32
        %swap3A_364 = arith.index_cast %add3A_363 : i32 to index
        %swap3A_365 = tpu.vector_load %arg8[%swap3A_364] {strides = array<i32>} : memref<16384xf32, #tpu.memory_space<vmem>>, vector<16xf32>,
        tpu.vector_store %arg8[%swap3A_364], %select_n3A_359 {add = true, strides = array<i32>} : memref<16384xf32, #tpu.memory_space<vmem>>, vector<16xf32>,
        %scan3A_366 = arith.constant 3 : i32
        %scan3A_367 = arith.addi %scan3A_289, %scan3A_366 : i32
        %mul3A_368 = arith.constant 1 : i32
        %mul3A_369 = arith.muli %scan3A_367, %mul3A_368 : i32
        %add3A_370 = arith.constant 0 : i32
        %add3A_371 = arith.addi %add3A_370, %mul3A_369 : i32
        %mul3A_372 = arith.constant 16 : i32
        %mul3A_373 = arith.muli %add3A_371, %mul3A_372 : i32
        %get3A_374 = arith.constant 0 : i32
        %get3A_375 = arith.index_cast %get3A_374 : i32 to index
        %get3A_376 = arith.index_cast %mul3A_373 : i32 to index
        %get3A_377 = tpu.vector_load %arg7[%get3A_375, %get3A_376] {strides = array<i32>} : memref<2x4096xi32, #tpu.memory_space<vmem>>, vector<16xi32>,
        %lt3A_378 = arith.constant 50048 : i32
        %lt3A_379 = vector.broadcast %lt3A_378 : i32 to vector<16xi32>
        %lt3A_380 = arith.cmpi slt, %get3A_377, %lt3A_379 : vector<16xi32>
        %min3A_381 = arith.constant 50047 : i32
        %min3A_382 = vector.broadcast %min3A_381 : i32 to vector<16xi32>
        %min3A_383 = arith.minsi %get3A_377, %min3A_382 : vector<16xi32>
        %gather3A_384 = tpu.vector_load_idx %arg5[%min3A_383] : memref<50048xf32, #tpu.memory_space<vmem>>[vector<16xi32>], vector<16xf32>,
        %jit3A_385 = arith.constant 0.000000e+00 : f32
        %broadcast_in_dim3A_386 = vector.broadcast %jit3A_385 : f32 to vector<16xf32>
        %select_n3A_387 = arith.select %lt3A_380, %gather3A_384, %broadcast_in_dim3A_386 : vector<16xi1>, vector<16xf32>
        %mul3A_388 = arith.constant 16 : i32
        %mul3A_389 = arith.muli %add3A_371, %mul3A_388 : i32
        %add3A_390 = arith.constant 0 : i32
        %add3A_391 = arith.addi %add3A_390, %mul3A_389 : i32
        %swap3A_392 = arith.index_cast %add3A_391 : i32 to index
        %swap3A_393 = tpu.vector_load %arg8[%swap3A_392] {strides = array<i32>} : memref<16384xf32, #tpu.memory_space<vmem>>, vector<16xf32>,
        tpu.vector_store %arg8[%swap3A_392], %select_n3A_387 {add = true, strides = array<i32>} : memref<16384xf32, #tpu.memory_space<vmem>>, vector<16xf32>,
        %scan3A_394 = arith.constant 4 : i32
        %scan3A_395 = arith.addi %scan3A_289, %scan3A_394 : i32
        %mul3A_396 = arith.constant 1 : i32
        %mul3A_397 = arith.muli %scan3A_395, %mul3A_396 : i32
        %add3A_398 = arith.constant 0 : i32
        %add3A_399 = arith.addi %add3A_398, %mul3A_397 : i32
        %mul3A_400 = arith.constant 16 : i32
        %mul3A_401 = arith.muli %add3A_399, %mul3A_400 : i32
        %get3A_402 = arith.constant 0 : i32
        %get3A_403 = arith.index_cast %get3A_402 : i32 to index
        %get3A_404 = arith.index_cast %mul3A_401 : i32 to index
        %get3A_405 = tpu.vector_load %arg7[%get3A_403, %get3A_404] {strides = array<i32>} : memref<2x4096xi32, #tpu.memory_space<vmem>>, vector<16xi32>,
        %lt3A_406 = arith.constant 50048 : i32
        %lt3A_407 = vector.broadcast %lt3A_406 : i32 to vector<16xi32>
        %lt3A_408 = arith.cmpi slt, %get3A_405, %lt3A_407 : vector<16xi32>
        %min3A_409 = arith.constant 50047 : i32
        %min3A_410 = vector.broadcast %min3A_409 : i32 to vector<16xi32>
        %min3A_411 = arith.minsi %get3A_405, %min3A_410 : vector<16xi32>
        %gather3A_412 = tpu.vector_load_idx %arg5[%min3A_411] : memref<50048xf32, #tpu.memory_space<vmem>>[vector<16xi32>], vector<16xf32>,
        %jit3A_413 = arith.constant 0.000000e+00 : f32
        %broadcast_in_dim3A_414 = vector.broadcast %jit3A_413 : f32 to vector<16xf32>
        %select_n3A_415 = arith.select %lt3A_408, %gather3A_412, %broadcast_in_dim3A_414 : vector<16xi1>, vector<16xf32>
        %mul3A_416 = arith.constant 16 : i32
        %mul3A_417 = arith.muli %add3A_399, %mul3A_416 : i32
        %add3A_418 = arith.constant 0 : i32
        %add3A_419 = arith.addi %add3A_418, %mul3A_417 : i32
        %swap3A_420 = arith.index_cast %add3A_419 : i32 to index
        %swap3A_421 = tpu.vector_load %arg8[%swap3A_420] {strides = array<i32>} : memref<16384xf32, #tpu.memory_space<vmem>>, vector<16xf32>,
        tpu.vector_store %arg8[%swap3A_420], %select_n3A_415 {add = true, strides = array<i32>} : memref<16384xf32, #tpu.memory_space<vmem>>, vector<16xf32>,
        %scan3A_422 = arith.constant 5 : i32
        %scan3A_423 = arith.addi %scan3A_289, %scan3A_422 : i32
        %mul3A_424 = arith.constant 1 : i32
        %mul3A_425 = arith.muli %scan3A_423, %mul3A_424 : i32
        %add3A_426 = arith.constant 0 : i32
        %add3A_427 = arith.addi %add3A_426, %mul3A_425 : i32
        %mul3A_428 = arith.constant 16 : i32
        %mul3A_429 = arith.muli %add3A_427, %mul3A_428 : i32
        %get3A_430 = arith.constant 0 : i32
        %get3A_431 = arith.index_cast %get3A_430 : i32 to index
        %get3A_432 = arith.index_cast %mul3A_429 : i32 to index
        %get3A_433 = tpu.vector_load %arg7[%get3A_431, %get3A_432] {strides = array<i32>} : memref<2x4096xi32, #tpu.memory_space<vmem>>, vector<16xi32>,
        %lt3A_434 = arith.constant 50048 : i32
        %lt3A_435 = vector.broadcast %lt3A_434 : i32 to vector<16xi32>
        %lt3A_436 = arith.cmpi slt, %get3A_433, %lt3A_435 : vector<16xi32>
        %min3A_437 = arith.constant 50047 : i32
        %min3A_438 = vector.broadcast %min3A_437 : i32 to vector<16xi32>
        %min3A_439 = arith.minsi %get3A_433, %min3A_438 : vector<16xi32>
        %gather3A_440 = tpu.vector_load_idx %arg5[%min3A_439] : memref<50048xf32, #tpu.memory_space<vmem>>[vector<16xi32>], vector<16xf32>,
        %jit3A_441 = arith.constant 0.000000e+00 : f32
        %broadcast_in_dim3A_442 = vector.broadcast %jit3A_441 : f32 to vector<16xf32>
        %select_n3A_443 = arith.select %lt3A_436, %gather3A_440, %broadcast_in_dim3A_442 : vector<16xi1>, vector<16xf32>
        %mul3A_444 = arith.constant 16 : i32
        %mul3A_445 = arith.muli %add3A_427, %mul3A_444 : i32
        %add3A_446 = arith.constant 0 : i32
        %add3A_447 = arith.addi %add3A_446, %mul3A_445 : i32
        %swap3A_448 = arith.index_cast %add3A_447 : i32 to index
        %swap3A_449 = tpu.vector_load %arg8[%swap3A_448] {strides = array<i32>} : memref<16384xf32, #tpu.memory_space<vmem>>, vector<16xf32>,
        tpu.vector_store %arg8[%swap3A_448], %select_n3A_443 {add = true, strides = array<i32>} : memref<16384xf32, #tpu.memory_space<vmem>>, vector<16xf32>,
        %scan3A_450 = arith.constant 6 : i32
        %scan3A_451 = arith.addi %scan3A_289, %scan3A_450 : i32
        %mul3A_452 = arith.constant 1 : i32
        %mul3A_453 = arith.muli %scan3A_451, %mul3A_452 : i32
        %add3A_454 = arith.constant 0 : i32
        %add3A_455 = arith.addi %add3A_454, %mul3A_453 : i32
        %mul3A_456 = arith.constant 16 : i32
        %mul3A_457 = arith.muli %add3A_455, %mul3A_456 : i32
        %get3A_458 = arith.constant 0 : i32
        %get3A_459 = arith.index_cast %get3A_458 : i32 to index
        %get3A_460 = arith.index_cast %mul3A_457 : i32 to index
        %get3A_461 = tpu.vector_load %arg7[%get3A_459, %get3A_460] {strides = array<i32>} : memref<2x4096xi32, #tpu.memory_space<vmem>>, vector<16xi32>,
        %lt3A_462 = arith.constant 50048 : i32
        %lt3A_463 = vector.broadcast %lt3A_462 : i32 to vector<16xi32>
        %lt3A_464 = arith.cmpi slt, %get3A_461, %lt3A_463 : vector<16xi32>
        %min3A_465 = arith.constant 50047 : i32
        %min3A_466 = vector.broadcast %min3A_465 : i32 to vector<16xi32>
        %min3A_467 = arith.minsi %get3A_461, %min3A_466 : vector<16xi32>
        %gather3A_468 = tpu.vector_load_idx %arg5[%min3A_467] : memref<50048xf32, #tpu.memory_space<vmem>>[vector<16xi32>], vector<16xf32>,
        %jit3A_469 = arith.constant 0.000000e+00 : f32
        %broadcast_in_dim3A_470 = vector.broadcast %jit3A_469 : f32 to vector<16xf32>
        %select_n3A_471 = arith.select %lt3A_464, %gather3A_468, %broadcast_in_dim3A_470 : vector<16xi1>, vector<16xf32>
        %mul3A_472 = arith.constant 16 : i32
        %mul3A_473 = arith.muli %add3A_455, %mul3A_472 : i32
        %add3A_474 = arith.constant 0 : i32
        %add3A_475 = arith.addi %add3A_474, %mul3A_473 : i32
        %swap3A_476 = arith.index_cast %add3A_475 : i32 to index
        %swap3A_477 = tpu.vector_load %arg8[%swap3A_476] {strides = array<i32>} : memref<16384xf32, #tpu.memory_space<vmem>>, vector<16xf32>,
        tpu.vector_store %arg8[%swap3A_476], %select_n3A_471 {add = true, strides = array<i32>} : memref<16384xf32, #tpu.memory_space<vmem>>, vector<16xf32>,
        %scan3A_478 = arith.constant 7 : i32
        %scan3A_479 = arith.addi %scan3A_289, %scan3A_478 : i32
        %mul3A_480 = arith.constant 1 : i32
        %mul3A_481 = arith.muli %scan3A_479, %mul3A_480 : i32
        %add3A_482 = arith.constant 0 : i32
        %add3A_483 = arith.addi %add3A_482, %mul3A_481 : i32
        %mul3A_484 = arith.constant 16 : i32
        %mul3A_485 = arith.muli %add3A_483, %mul3A_484 : i32
        %get3A_486 = arith.constant 0 : i32
        %get3A_487 = arith.index_cast %get3A_486 : i32 to index
        %get3A_488 = arith.index_cast %mul3A_485 : i32 to index
        %get3A_489 = tpu.vector_load %arg7[%get3A_487, %get3A_488] {strides = array<i32>} : memref<2x4096xi32, #tpu.memory_space<vmem>>, vector<16xi32>,
        %lt3A_490 = arith.constant 50048 : i32
        %lt3A_491 = vector.broadcast %lt3A_490 : i32 to vector<16xi32>
        %lt3A_492 = arith.cmpi slt, %get3A_489, %lt3A_491 : vector<16xi32>
        %min3A_493 = arith.constant 50047 : i32
        %min3A_494 = vector.broadcast %min3A_493 : i32 to vector<16xi32>
        %min3A_495 = arith.minsi %get3A_489, %min3A_494 : vector<16xi32>
        %gather3A_496 = tpu.vector_load_idx %arg5[%min3A_495] : memref<50048xf32, #tpu.memory_space<vmem>>[vector<16xi32>], vector<16xf32>,
        %jit3A_497 = arith.constant 0.000000e+00 : f32
        %broadcast_in_dim3A_498 = vector.broadcast %jit3A_497 : f32 to vector<16xf32>
        %select_n3A_499 = arith.select %lt3A_492, %gather3A_496, %broadcast_in_dim3A_498 : vector<16xi1>, vector<16xf32>
        %mul3A_500 = arith.constant 16 : i32
        %mul3A_501 = arith.muli %add3A_483, %mul3A_500 : i32
        %add3A_502 = arith.constant 0 : i32
        %add3A_503 = arith.addi %add3A_502, %mul3A_501 : i32
        %swap3A_504 = arith.index_cast %add3A_503 : i32 to index
        %swap3A_505 = tpu.vector_load %arg8[%swap3A_504] {strides = array<i32>} : memref<16384xf32, #tpu.memory_space<vmem>>, vector<16xf32>,
        tpu.vector_store %arg8[%swap3A_504], %select_n3A_499 {add = true, strides = array<i32>} : memref<16384xf32, #tpu.memory_space<vmem>>, vector<16xf32>,
      }
      %scan3A_76 = arith.constant 256 : i32
      %dma_wait3A_77 = arith.constant 1 : i32
      %dma_wait3A_78 = arith.constant 0 : i32
      %dma_wait3A_79 = tpu.memref_slice %arg7[%dma_wait3A_77, %dma_wait3A_78] : memref<2x4096xi32, #tpu.memory_space<vmem>> -> memref<1x4096xi32, #tpu.memory_space<vmem>>
      %dma_wait3A_80 = tpu.memref_squeeze %dma_wait3A_79 : memref<1x4096xi32, #tpu.memory_space<vmem>> -> memref<4096xi32, #tpu.memory_space<vmem>>
      %dma_wait3A_81 = arith.constant 4096 : i32
      %dma_wait3A_82 = tpu.memref_slice %arg2[%add3A_21, %dma_wait3A_81] : memref<26x16384xi32, #tpu.memory_space<hbm>> -> memref<1x4096xi32, #tpu.memory_space<hbm>>
      %dma_wait3A_83 = tpu.memref_squeeze %dma_wait3A_82 : memref<1x4096xi32, #tpu.memory_space<hbm>> -> memref<4096xi32, #tpu.memory_space<hbm>>
      %dma_wait3A_84 = arith.constant 0 : i32
      %dma_wait3A_85 = tpu.memref_slice %arg7[%dma_wait3A_77, %dma_wait3A_84] : memref<2x4096xi32, #tpu.memory_space<vmem>> -> memref<1x4096xi32, #tpu.memory_space<vmem>>
      %dma_wait3A_86 = tpu.memref_squeeze %dma_wait3A_85 : memref<1x4096xi32, #tpu.memory_space<vmem>> -> memref<4096xi32, #tpu.memory_space<vmem>>
      %dma_wait3A_87 = arith.constant 4096 : i32
      %dma_wait3A_88 = tpu.memref_slice %arg2[%add3A_21, %dma_wait3A_87] : memref<26x16384xi32, #tpu.memory_space<hbm>> -> memref<1x4096xi32, #tpu.memory_space<hbm>>
      %dma_wait3A_89 = tpu.memref_squeeze %dma_wait3A_88 : memref<1x4096xi32, #tpu.memory_space<hbm>> -> memref<4096xi32, #tpu.memory_space<hbm>>
      tpu.wait_dma2 semaphore(%arg12 : memref<!tpu.dma_semaphore, #tpu.memory_space<semaphore_mem>>) src(%dma_wait3A_89 : memref<4096xi32, #tpu.memory_space<hbm>>) dst(%dma_wait3A_86 : memref<4096xi32, #tpu.memory_space<vmem>>)
      %dma_start3A_90 = arith.constant 0 : i32
      %dma_start3A_91 = arith.constant 0 : i32
      %dma_start3A_92 = tpu.memref_slice %arg7[%dma_start3A_90, %dma_start3A_91] : memref<2x4096xi32, #tpu.memory_space<vmem>> -> memref<1x4096xi32, #tpu.memory_space<vmem>>
      %dma_start3A_93 = tpu.memref_squeeze %dma_start3A_92 : memref<1x4096xi32, #tpu.memory_space<vmem>> -> memref<4096xi32, #tpu.memory_space<vmem>>
      %dma_start3A_94 = arith.constant 8192 : i32
      %dma_start3A_95 = tpu.memref_slice %arg2[%add3A_21, %dma_start3A_94] : memref<26x16384xi32, #tpu.memory_space<hbm>> -> memref<1x4096xi32, #tpu.memory_space<hbm>>
      %dma_start3A_96 = tpu.memref_squeeze %dma_start3A_95 : memref<1x4096xi32, #tpu.memory_space<hbm>> -> memref<4096xi32, #tpu.memory_space<hbm>>
      %dma_start3A_97 = arith.constant 0 : i32
      %dma_start3A_98 = tpu.memref_slice %arg7[%dma_start3A_90, %dma_start3A_97] : memref<2x4096xi32, #tpu.memory_space<vmem>> -> memref<1x4096xi32, #tpu.memory_space<vmem>>
      %dma_start3A_99 = tpu.memref_squeeze %dma_start3A_98 : memref<1x4096xi32, #tpu.memory_space<vmem>> -> memref<4096xi32, #tpu.memory_space<vmem>>
      %dma_start3A_100 = arith.constant 8192 : i32
      %dma_start3A_101 = tpu.memref_slice %arg2[%add3A_21, %dma_start3A_100] : memref<26x16384xi32, #tpu.memory_space<hbm>> -> memref<1x4096xi32, #tpu.memory_space<hbm>>
      %dma_start3A_102 = tpu.memref_squeeze %dma_start3A_101 : memref<1x4096xi32, #tpu.memory_space<hbm>> -> memref<4096xi32, #tpu.memory_space<hbm>>
      tpu.enqueue_dma source(%dma_start3A_102 : memref<4096xi32, #tpu.memory_space<hbm>>) target(%dma_start3A_99 : memref<4096xi32, #tpu.memory_space<vmem>>) target_semaphore(%arg11 : memref<!tpu.dma_semaphore, #tpu.memory_space<semaphore_mem>>)
      %scan3A_103 = arith.constant 0 : i32
      %scan3A_104 = arith.constant 256 : i32
      %scan3A_105 = arith.addi %scan3A_103, %scan3A_104 : i32
      %scan3A_106 = arith.constant 8 : i32
      scf.for %scan3A_289 = %scan3A_103 to %scan3A_105 step %scan3A_106  : i32 {
        %mul3A_290 = arith.constant 1 : i32
        %mul3A_291 = arith.muli %scan3A_289, %mul3A_290 : i32
        %add3A_292 = arith.constant 0 : i32
        %add3A_293 = arith.addi %add3A_292, %mul3A_291 : i32
        %mul3A_294 = arith.constant 16 : i32
        %mul3A_295 = arith.muli %add3A_293, %mul3A_294 : i32
        %get3A = arith.constant 1 : i32
        %get3A_296 = arith.index_cast %get3A : i32 to index
        %get3A_297 = arith.index_cast %mul3A_295 : i32 to index
        %get3A_298 = tpu.vector_load %arg7[%get3A_296, %get3A_297] {strides = array<i32>} : memref<2x4096xi32, #tpu.memory_space<vmem>>, vector<16xi32>,
        %lt3A_299 = arith.constant 50048 : i32
        %lt3A_300 = vector.broadcast %lt3A_299 : i32 to vector<16xi32>
        %lt3A_301 = arith.cmpi slt, %get3A_298, %lt3A_300 : vector<16xi32>
        %min3A = arith.constant 50047 : i32
        %min3A_302 = vector.broadcast %min3A : i32 to vector<16xi32>
        %min3A_303 = arith.minsi %get3A_298, %min3A_302 : vector<16xi32>
        %gather3A = tpu.vector_load_idx %arg5[%min3A_303] : memref<50048xf32, #tpu.memory_space<vmem>>[vector<16xi32>], vector<16xf32>,
        %jit3A = arith.constant 0.000000e+00 : f32
        %broadcast_in_dim3A_304 = vector.broadcast %jit3A : f32 to vector<16xf32>
        %select_n3A = arith.select %lt3A_301, %gather3A, %broadcast_in_dim3A_304 : vector<16xi1>, vector<16xf32>
        %mul3A_305 = arith.constant 16 : i32
        %mul3A_306 = arith.muli %add3A_293, %mul3A_305 : i32
        %add3A_307 = arith.constant 4096 : i32
        %add3A_308 = arith.addi %add3A_307, %mul3A_306 : i32
        %swap3A = arith.index_cast %add3A_308 : i32 to index
        %swap3A_309 = tpu.vector_load %arg8[%swap3A] {strides = array<i32>} : memref<16384xf32, #tpu.memory_space<vmem>>, vector<16xf32>,
        tpu.vector_store %arg8[%swap3A], %select_n3A {add = true, strides = array<i32>} : memref<16384xf32, #tpu.memory_space<vmem>>, vector<16xf32>,
        %scan3A_310 = arith.constant 1 : i32
        %scan3A_311 = arith.addi %scan3A_289, %scan3A_310 : i32
        %mul3A_312 = arith.constant 1 : i32
        %mul3A_313 = arith.muli %scan3A_311, %mul3A_312 : i32
        %add3A_314 = arith.constant 0 : i32
        %add3A_315 = arith.addi %add3A_314, %mul3A_313 : i32
        %mul3A_316 = arith.constant 16 : i32
        %mul3A_317 = arith.muli %add3A_315, %mul3A_316 : i32
        %get3A_318 = arith.constant 1 : i32
        %get3A_319 = arith.index_cast %get3A_318 : i32 to index
        %get3A_320 = arith.index_cast %mul3A_317 : i32 to index
        %get3A_321 = tpu.vector_load %arg7[%get3A_319, %get3A_320] {strides = array<i32>} : memref<2x4096xi32, #tpu.memory_space<vmem>>, vector<16xi32>,
        %lt3A_322 = arith.constant 50048 : i32
        %lt3A_323 = vector.broadcast %lt3A_322 : i32 to vector<16xi32>
        %lt3A_324 = arith.cmpi slt, %get3A_321, %lt3A_323 : vector<16xi32>
        %min3A_325 = arith.constant 50047 : i32
        %min3A_326 = vector.broadcast %min3A_325 : i32 to vector<16xi32>
        %min3A_327 = arith.minsi %get3A_321, %min3A_326 : vector<16xi32>
        %gather3A_328 = tpu.vector_load_idx %arg5[%min3A_327] : memref<50048xf32, #tpu.memory_space<vmem>>[vector<16xi32>], vector<16xf32>,
        %jit3A_329 = arith.constant 0.000000e+00 : f32
        %broadcast_in_dim3A_330 = vector.broadcast %jit3A_329 : f32 to vector<16xf32>
        %select_n3A_331 = arith.select %lt3A_324, %gather3A_328, %broadcast_in_dim3A_330 : vector<16xi1>, vector<16xf32>
        %mul3A_332 = arith.constant 16 : i32
        %mul3A_333 = arith.muli %add3A_315, %mul3A_332 : i32
        %add3A_334 = arith.constant 4096 : i32
        %add3A_335 = arith.addi %add3A_334, %mul3A_333 : i32
        %swap3A_336 = arith.index_cast %add3A_335 : i32 to index
        %swap3A_337 = tpu.vector_load %arg8[%swap3A_336] {strides = array<i32>} : memref<16384xf32, #tpu.memory_space<vmem>>, vector<16xf32>,
        tpu.vector_store %arg8[%swap3A_336], %select_n3A_331 {add = true, strides = array<i32>} : memref<16384xf32, #tpu.memory_space<vmem>>, vector<16xf32>,
        %scan3A_338 = arith.constant 2 : i32
        %scan3A_339 = arith.addi %scan3A_289, %scan3A_338 : i32
        %mul3A_340 = arith.constant 1 : i32
        %mul3A_341 = arith.muli %scan3A_339, %mul3A_340 : i32
        %add3A_342 = arith.constant 0 : i32
        %add3A_343 = arith.addi %add3A_342, %mul3A_341 : i32
        %mul3A_344 = arith.constant 16 : i32
        %mul3A_345 = arith.muli %add3A_343, %mul3A_344 : i32
        %get3A_346 = arith.constant 1 : i32
        %get3A_347 = arith.index_cast %get3A_346 : i32 to index
        %get3A_348 = arith.index_cast %mul3A_345 : i32 to index
        %get3A_349 = tpu.vector_load %arg7[%get3A_347, %get3A_348] {strides = array<i32>} : memref<2x4096xi32, #tpu.memory_space<vmem>>, vector<16xi32>,
        %lt3A_350 = arith.constant 50048 : i32
        %lt3A_351 = vector.broadcast %lt3A_350 : i32 to vector<16xi32>
        %lt3A_352 = arith.cmpi slt, %get3A_349, %lt3A_351 : vector<16xi32>
        %min3A_353 = arith.constant 50047 : i32
        %min3A_354 = vector.broadcast %min3A_353 : i32 to vector<16xi32>
        %min3A_355 = arith.minsi %get3A_349, %min3A_354 : vector<16xi32>
        %gather3A_356 = tpu.vector_load_idx %arg5[%min3A_355] : memref<50048xf32, #tpu.memory_space<vmem>>[vector<16xi32>], vector<16xf32>,
        %jit3A_357 = arith.constant 0.000000e+00 : f32
        %broadcast_in_dim3A_358 = vector.broadcast %jit3A_357 : f32 to vector<16xf32>
        %select_n3A_359 = arith.select %lt3A_352, %gather3A_356, %broadcast_in_dim3A_358 : vector<16xi1>, vector<16xf32>
        %mul3A_360 = arith.constant 16 : i32
        %mul3A_361 = arith.muli %add3A_343, %mul3A_360 : i32
        %add3A_362 = arith.constant 4096 : i32
        %add3A_363 = arith.addi %add3A_362, %mul3A_361 : i32
        %swap3A_364 = arith.index_cast %add3A_363 : i32 to index
        %swap3A_365 = tpu.vector_load %arg8[%swap3A_364] {strides = array<i32>} : memref<16384xf32, #tpu.memory_space<vmem>>, vector<16xf32>,
        tpu.vector_store %arg8[%swap3A_364], %select_n3A_359 {add = true, strides = array<i32>} : memref<16384xf32, #tpu.memory_space<vmem>>, vector<16xf32>,
        %scan3A_366 = arith.constant 3 : i32
        %scan3A_367 = arith.addi %scan3A_289, %scan3A_366 : i32
        %mul3A_368 = arith.constant 1 : i32
        %mul3A_369 = arith.muli %scan3A_367, %mul3A_368 : i32
        %add3A_370 = arith.constant 0 : i32
        %add3A_371 = arith.addi %add3A_370, %mul3A_369 : i32
        %mul3A_372 = arith.constant 16 : i32
        %mul3A_373 = arith.muli %add3A_371, %mul3A_372 : i32
        %get3A_374 = arith.constant 1 : i32
        %get3A_375 = arith.index_cast %get3A_374 : i32 to index
        %get3A_376 = arith.index_cast %mul3A_373 : i32 to index
        %get3A_377 = tpu.vector_load %arg7[%get3A_375, %get3A_376] {strides = array<i32>} : memref<2x4096xi32, #tpu.memory_space<vmem>>, vector<16xi32>,
        %lt3A_378 = arith.constant 50048 : i32
        %lt3A_379 = vector.broadcast %lt3A_378 : i32 to vector<16xi32>
        %lt3A_380 = arith.cmpi slt, %get3A_377, %lt3A_379 : vector<16xi32>
        %min3A_381 = arith.constant 50047 : i32
        %min3A_382 = vector.broadcast %min3A_381 : i32 to vector<16xi32>
        %min3A_383 = arith.minsi %get3A_377, %min3A_382 : vector<16xi32>
        %gather3A_384 = tpu.vector_load_idx %arg5[%min3A_383] : memref<50048xf32, #tpu.memory_space<vmem>>[vector<16xi32>], vector<16xf32>,
        %jit3A_385 = arith.constant 0.000000e+00 : f32
        %broadcast_in_dim3A_386 = vector.broadcast %jit3A_385 : f32 to vector<16xf32>
        %select_n3A_387 = arith.select %lt3A_380, %gather3A_384, %broadcast_in_dim3A_386 : vector<16xi1>, vector<16xf32>
        %mul3A_388 = arith.constant 16 : i32
        %mul3A_389 = arith.muli %add3A_371, %mul3A_388 : i32
        %add3A_390 = arith.constant 4096 : i32
        %add3A_391 = arith.addi %add3A_390, %mul3A_389 : i32
        %swap3A_392 = arith.index_cast %add3A_391 : i32 to index
        %swap3A_393 = tpu.vector_load %arg8[%swap3A_392] {strides = array<i32>} : memref<16384xf32, #tpu.memory_space<vmem>>, vector<16xf32>,
        tpu.vector_store %arg8[%swap3A_392], %select_n3A_387 {add = true, strides = array<i32>} : memref<16384xf32, #tpu.memory_space<vmem>>, vector<16xf32>,
        %scan3A_394 = arith.constant 4 : i32
        %scan3A_395 = arith.addi %scan3A_289, %scan3A_394 : i32
        %mul3A_396 = arith.constant 1 : i32
        %mul3A_397 = arith.muli %scan3A_395, %mul3A_396 : i32
        %add3A_398 = arith.constant 0 : i32
        %add3A_399 = arith.addi %add3A_398, %mul3A_397 : i32
        %mul3A_400 = arith.constant 16 : i32
        %mul3A_401 = arith.muli %add3A_399, %mul3A_400 : i32
        %get3A_402 = arith.constant 1 : i32
        %get3A_403 = arith.index_cast %get3A_402 : i32 to index
        %get3A_404 = arith.index_cast %mul3A_401 : i32 to index
        %get3A_405 = tpu.vector_load %arg7[%get3A_403, %get3A_404] {strides = array<i32>} : memref<2x4096xi32, #tpu.memory_space<vmem>>, vector<16xi32>,
        %lt3A_406 = arith.constant 50048 : i32
        %lt3A_407 = vector.broadcast %lt3A_406 : i32 to vector<16xi32>
        %lt3A_408 = arith.cmpi slt, %get3A_405, %lt3A_407 : vector<16xi32>
        %min3A_409 = arith.constant 50047 : i32
        %min3A_410 = vector.broadcast %min3A_409 : i32 to vector<16xi32>
        %min3A_411 = arith.minsi %get3A_405, %min3A_410 : vector<16xi32>
        %gather3A_412 = tpu.vector_load_idx %arg5[%min3A_411] : memref<50048xf32, #tpu.memory_space<vmem>>[vector<16xi32>], vector<16xf32>,
        %jit3A_413 = arith.constant 0.000000e+00 : f32
        %broadcast_in_dim3A_414 = vector.broadcast %jit3A_413 : f32 to vector<16xf32>
        %select_n3A_415 = arith.select %lt3A_408, %gather3A_412, %broadcast_in_dim3A_414 : vector<16xi1>, vector<16xf32>
        %mul3A_416 = arith.constant 16 : i32
        %mul3A_417 = arith.muli %add3A_399, %mul3A_416 : i32
        %add3A_418 = arith.constant 4096 : i32
        %add3A_419 = arith.addi %add3A_418, %mul3A_417 : i32
        %swap3A_420 = arith.index_cast %add3A_419 : i32 to index
        %swap3A_421 = tpu.vector_load %arg8[%swap3A_420] {strides = array<i32>} : memref<16384xf32, #tpu.memory_space<vmem>>, vector<16xf32>,
        tpu.vector_store %arg8[%swap3A_420], %select_n3A_415 {add = true, strides = array<i32>} : memref<16384xf32, #tpu.memory_space<vmem>>, vector<16xf32>,
        %scan3A_422 = arith.constant 5 : i32
        %scan3A_423 = arith.addi %scan3A_289, %scan3A_422 : i32
        %mul3A_424 = arith.constant 1 : i32
        %mul3A_425 = arith.muli %scan3A_423, %mul3A_424 : i32
        %add3A_426 = arith.constant 0 : i32
        %add3A_427 = arith.addi %add3A_426, %mul3A_425 : i32
        %mul3A_428 = arith.constant 16 : i32
        %mul3A_429 = arith.muli %add3A_427, %mul3A_428 : i32
        %get3A_430 = arith.constant 1 : i32
        %get3A_431 = arith.index_cast %get3A_430 : i32 to index
        %get3A_432 = arith.index_cast %mul3A_429 : i32 to index
        %get3A_433 = tpu.vector_load %arg7[%get3A_431, %get3A_432] {strides = array<i32>} : memref<2x4096xi32, #tpu.memory_space<vmem>>, vector<16xi32>,
        %lt3A_434 = arith.constant 50048 : i32
        %lt3A_435 = vector.broadcast %lt3A_434 : i32 to vector<16xi32>
        %lt3A_436 = arith.cmpi slt, %get3A_433, %lt3A_435 : vector<16xi32>
        %min3A_437 = arith.constant 50047 : i32
        %min3A_438 = vector.broadcast %min3A_437 : i32 to vector<16xi32>
        %min3A_439 = arith.minsi %get3A_433, %min3A_438 : vector<16xi32>
        %gather3A_440 = tpu.vector_load_idx %arg5[%min3A_439] : memref<50048xf32, #tpu.memory_space<vmem>>[vector<16xi32>], vector<16xf32>,
        %jit3A_441 = arith.constant 0.000000e+00 : f32
        %broadcast_in_dim3A_442 = vector.broadcast %jit3A_441 : f32 to vector<16xf32>
        %select_n3A_443 = arith.select %lt3A_436, %gather3A_440, %broadcast_in_dim3A_442 : vector<16xi1>, vector<16xf32>
        %mul3A_444 = arith.constant 16 : i32
        %mul3A_445 = arith.muli %add3A_427, %mul3A_444 : i32
        %add3A_446 = arith.constant 4096 : i32
        %add3A_447 = arith.addi %add3A_446, %mul3A_445 : i32
        %swap3A_448 = arith.index_cast %add3A_447 : i32 to index
        %swap3A_449 = tpu.vector_load %arg8[%swap3A_448] {strides = array<i32>} : memref<16384xf32, #tpu.memory_space<vmem>>, vector<16xf32>,
        tpu.vector_store %arg8[%swap3A_448], %select_n3A_443 {add = true, strides = array<i32>} : memref<16384xf32, #tpu.memory_space<vmem>>, vector<16xf32>,
        %scan3A_450 = arith.constant 6 : i32
        %scan3A_451 = arith.addi %scan3A_289, %scan3A_450 : i32
        %mul3A_452 = arith.constant 1 : i32
        %mul3A_453 = arith.muli %scan3A_451, %mul3A_452 : i32
        %add3A_454 = arith.constant 0 : i32
        %add3A_455 = arith.addi %add3A_454, %mul3A_453 : i32
        %mul3A_456 = arith.constant 16 : i32
        %mul3A_457 = arith.muli %add3A_455, %mul3A_456 : i32
        %get3A_458 = arith.constant 1 : i32
        %get3A_459 = arith.index_cast %get3A_458 : i32 to index
        %get3A_460 = arith.index_cast %mul3A_457 : i32 to index
        %get3A_461 = tpu.vector_load %arg7[%get3A_459, %get3A_460] {strides = array<i32>} : memref<2x4096xi32, #tpu.memory_space<vmem>>, vector<16xi32>,
        %lt3A_462 = arith.constant 50048 : i32
        %lt3A_463 = vector.broadcast %lt3A_462 : i32 to vector<16xi32>
        %lt3A_464 = arith.cmpi slt, %get3A_461, %lt3A_463 : vector<16xi32>
        %min3A_465 = arith.constant 50047 : i32
        %min3A_466 = vector.broadcast %min3A_465 : i32 to vector<16xi32>
        %min3A_467 = arith.minsi %get3A_461, %min3A_466 : vector<16xi32>
        %gather3A_468 = tpu.vector_load_idx %arg5[%min3A_467] : memref<50048xf32, #tpu.memory_space<vmem>>[vector<16xi32>], vector<16xf32>,
        %jit3A_469 = arith.constant 0.000000e+00 : f32
        %broadcast_in_dim3A_470 = vector.broadcast %jit3A_469 : f32 to vector<16xf32>
        %select_n3A_471 = arith.select %lt3A_464, %gather3A_468, %broadcast_in_dim3A_470 : vector<16xi1>, vector<16xf32>
        %mul3A_472 = arith.constant 16 : i32
        %mul3A_473 = arith.muli %add3A_455, %mul3A_472 : i32
        %add3A_474 = arith.constant 4096 : i32
        %add3A_475 = arith.addi %add3A_474, %mul3A_473 : i32
        %swap3A_476 = arith.index_cast %add3A_475 : i32 to index
        %swap3A_477 = tpu.vector_load %arg8[%swap3A_476] {strides = array<i32>} : memref<16384xf32, #tpu.memory_space<vmem>>, vector<16xf32>,
        tpu.vector_store %arg8[%swap3A_476], %select_n3A_471 {add = true, strides = array<i32>} : memref<16384xf32, #tpu.memory_space<vmem>>, vector<16xf32>,
        %scan3A_478 = arith.constant 7 : i32
        %scan3A_479 = arith.addi %scan3A_289, %scan3A_478 : i32
        %mul3A_480 = arith.constant 1 : i32
        %mul3A_481 = arith.muli %scan3A_479, %mul3A_480 : i32
        %add3A_482 = arith.constant 0 : i32
        %add3A_483 = arith.addi %add3A_482, %mul3A_481 : i32
        %mul3A_484 = arith.constant 16 : i32
        %mul3A_485 = arith.muli %add3A_483, %mul3A_484 : i32
        %get3A_486 = arith.constant 1 : i32
        %get3A_487 = arith.index_cast %get3A_486 : i32 to index
        %get3A_488 = arith.index_cast %mul3A_485 : i32 to index
        %get3A_489 = tpu.vector_load %arg7[%get3A_487, %get3A_488] {strides = array<i32>} : memref<2x4096xi32, #tpu.memory_space<vmem>>, vector<16xi32>,
        %lt3A_490 = arith.constant 50048 : i32
        %lt3A_491 = vector.broadcast %lt3A_490 : i32 to vector<16xi32>
        %lt3A_492 = arith.cmpi slt, %get3A_489, %lt3A_491 : vector<16xi32>
        %min3A_493 = arith.constant 50047 : i32
        %min3A_494 = vector.broadcast %min3A_493 : i32 to vector<16xi32>
        %min3A_495 = arith.minsi %get3A_489, %min3A_494 : vector<16xi32>
        %gather3A_496 = tpu.vector_load_idx %arg5[%min3A_495] : memref<50048xf32, #tpu.memory_space<vmem>>[vector<16xi32>], vector<16xf32>,
        %jit3A_497 = arith.constant 0.000000e+00 : f32
        %broadcast_in_dim3A_498 = vector.broadcast %jit3A_497 : f32 to vector<16xf32>
        %select_n3A_499 = arith.select %lt3A_492, %gather3A_496, %broadcast_in_dim3A_498 : vector<16xi1>, vector<16xf32>
        %mul3A_500 = arith.constant 16 : i32
        %mul3A_501 = arith.muli %add3A_483, %mul3A_500 : i32
        %add3A_502 = arith.constant 4096 : i32
        %add3A_503 = arith.addi %add3A_502, %mul3A_501 : i32
        %swap3A_504 = arith.index_cast %add3A_503 : i32 to index
        %swap3A_505 = tpu.vector_load %arg8[%swap3A_504] {strides = array<i32>} : memref<16384xf32, #tpu.memory_space<vmem>>, vector<16xf32>,
        tpu.vector_store %arg8[%swap3A_504], %select_n3A_499 {add = true, strides = array<i32>} : memref<16384xf32, #tpu.memory_space<vmem>>, vector<16xf32>,
      }
      %scan3A_107 = arith.constant 256 : i32
      %dma_wait3A_108 = arith.constant 0 : i32
      %dma_wait3A_109 = arith.constant 0 : i32
      %dma_wait3A_110 = tpu.memref_slice %arg7[%dma_wait3A_108, %dma_wait3A_109] : memref<2x4096xi32, #tpu.memory_space<vmem>> -> memref<1x4096xi32, #tpu.memory_space<vmem>>
      %dma_wait3A_111 = tpu.memref_squeeze %dma_wait3A_110 : memref<1x4096xi32, #tpu.memory_space<vmem>> -> memref<4096xi32, #tpu.memory_space<vmem>>
      %dma_wait3A_112 = arith.constant 8192 : i32
      %dma_wait3A_113 = tpu.memref_slice %arg2[%add3A_21, %dma_wait3A_112] : memref<26x16384xi32, #tpu.memory_space<hbm>> -> memref<1x4096xi32, #tpu.memory_space<hbm>>
      %dma_wait3A_114 = tpu.memref_squeeze %dma_wait3A_113 : memref<1x4096xi32, #tpu.memory_space<hbm>> -> memref<4096xi32, #tpu.memory_space<hbm>>
      %dma_wait3A_115 = arith.constant 0 : i32
      %dma_wait3A_116 = tpu.memref_slice %arg7[%dma_wait3A_108, %dma_wait3A_115] : memref<2x4096xi32, #tpu.memory_space<vmem>> -> memref<1x4096xi32, #tpu.memory_space<vmem>>
      %dma_wait3A_117 = tpu.memref_squeeze %dma_wait3A_116 : memref<1x4096xi32, #tpu.memory_space<vmem>> -> memref<4096xi32, #tpu.memory_space<vmem>>
      %dma_wait3A_118 = arith.constant 8192 : i32
      %dma_wait3A_119 = tpu.memref_slice %arg2[%add3A_21, %dma_wait3A_118] : memref<26x16384xi32, #tpu.memory_space<hbm>> -> memref<1x4096xi32, #tpu.memory_space<hbm>>
      %dma_wait3A_120 = tpu.memref_squeeze %dma_wait3A_119 : memref<1x4096xi32, #tpu.memory_space<hbm>> -> memref<4096xi32, #tpu.memory_space<hbm>>
      tpu.wait_dma2 semaphore(%arg11 : memref<!tpu.dma_semaphore, #tpu.memory_space<semaphore_mem>>) src(%dma_wait3A_120 : memref<4096xi32, #tpu.memory_space<hbm>>) dst(%dma_wait3A_117 : memref<4096xi32, #tpu.memory_space<vmem>>)
      %dma_start3A_121 = arith.constant 1 : i32
      %dma_start3A_122 = arith.constant 0 : i32
      %dma_start3A_123 = tpu.memref_slice %arg7[%dma_start3A_121, %dma_start3A_122] : memref<2x4096xi32, #tpu.memory_space<vmem>> -> memref<1x4096xi32, #tpu.memory_space<vmem>>
      %dma_start3A_124 = tpu.memref_squeeze %dma_start3A_123 : memref<1x4096xi32, #tpu.memory_space<vmem>> -> memref<4096xi32, #tpu.memory_space<vmem>>
      %dma_start3A_125 = arith.constant 12288 : i32
      %dma_start3A_126 = tpu.memref_slice %arg2[%add3A_21, %dma_start3A_125] : memref<26x16384xi32, #tpu.memory_space<hbm>> -> memref<1x4096xi32, #tpu.memory_space<hbm>>
      %dma_start3A_127 = tpu.memref_squeeze %dma_start3A_126 : memref<1x4096xi32, #tpu.memory_space<hbm>> -> memref<4096xi32, #tpu.memory_space<hbm>>
      %dma_start3A_128 = arith.constant 0 : i32
      %dma_start3A_129 = tpu.memref_slice %arg7[%dma_start3A_121, %dma_start3A_128] : memref<2x4096xi32, #tpu.memory_space<vmem>> -> memref<1x4096xi32, #tpu.memory_space<vmem>>
      %dma_start3A_130 = tpu.memref_squeeze %dma_start3A_129 : memref<1x4096xi32, #tpu.memory_space<vmem>> -> memref<4096xi32, #tpu.memory_space<vmem>>
      %dma_start3A_131 = arith.constant 12288 : i32
      %dma_start3A_132 = tpu.memref_slice %arg2[%add3A_21, %dma_start3A_131] : memref<26x16384xi32, #tpu.memory_space<hbm>> -> memref<1x4096xi32, #tpu.memory_space<hbm>>
      %dma_start3A_133 = tpu.memref_squeeze %dma_start3A_132 : memref<1x4096xi32, #tpu.memory_space<hbm>> -> memref<4096xi32, #tpu.memory_space<hbm>>
      tpu.enqueue_dma source(%dma_start3A_133 : memref<4096xi32, #tpu.memory_space<hbm>>) target(%dma_start3A_130 : memref<4096xi32, #tpu.memory_space<vmem>>) target_semaphore(%arg12 : memref<!tpu.dma_semaphore, #tpu.memory_space<semaphore_mem>>)
      %scan3A_134 = arith.constant 0 : i32
      %scan3A_135 = arith.constant 256 : i32
      %scan3A_136 = arith.addi %scan3A_134, %scan3A_135 : i32
      %scan3A_137 = arith.constant 8 : i32
      scf.for %scan3A_289 = %scan3A_134 to %scan3A_136 step %scan3A_137  : i32 {
        %mul3A_290 = arith.constant 1 : i32
        %mul3A_291 = arith.muli %scan3A_289, %mul3A_290 : i32
        %add3A_292 = arith.constant 0 : i32
        %add3A_293 = arith.addi %add3A_292, %mul3A_291 : i32
        %mul3A_294 = arith.constant 16 : i32
        %mul3A_295 = arith.muli %add3A_293, %mul3A_294 : i32
        %get3A = arith.constant 0 : i32
        %get3A_296 = arith.index_cast %get3A : i32 to index
        %get3A_297 = arith.index_cast %mul3A_295 : i32 to index
        %get3A_298 = tpu.vector_load %arg7[%get3A_296, %get3A_297] {strides = array<i32>} : memref<2x4096xi32, #tpu.memory_space<vmem>>, vector<16xi32>,
        %lt3A_299 = arith.constant 50048 : i32
        %lt3A_300 = vector.broadcast %lt3A_299 : i32 to vector<16xi32>
        %lt3A_301 = arith.cmpi slt, %get3A_298, %lt3A_300 : vector<16xi32>
        %min3A = arith.constant 50047 : i32
        %min3A_302 = vector.broadcast %min3A : i32 to vector<16xi32>
        %min3A_303 = arith.minsi %get3A_298, %min3A_302 : vector<16xi32>
        %gather3A = tpu.vector_load_idx %arg5[%min3A_303] : memref<50048xf32, #tpu.memory_space<vmem>>[vector<16xi32>], vector<16xf32>,
        %jit3A = arith.constant 0.000000e+00 : f32
        %broadcast_in_dim3A_304 = vector.broadcast %jit3A : f32 to vector<16xf32>
        %select_n3A = arith.select %lt3A_301, %gather3A, %broadcast_in_dim3A_304 : vector<16xi1>, vector<16xf32>
        %mul3A_305 = arith.constant 16 : i32
        %mul3A_306 = arith.muli %add3A_293, %mul3A_305 : i32
        %add3A_307 = arith.constant 8192 : i32
        %add3A_308 = arith.addi %add3A_307, %mul3A_306 : i32
        %swap3A = arith.index_cast %add3A_308 : i32 to index
        %swap3A_309 = tpu.vector_load %arg8[%swap3A] {strides = array<i32>} : memref<16384xf32, #tpu.memory_space<vmem>>, vector<16xf32>,
        tpu.vector_store %arg8[%swap3A], %select_n3A {add = true, strides = array<i32>} : memref<16384xf32, #tpu.memory_space<vmem>>, vector<16xf32>,
        %scan3A_310 = arith.constant 1 : i32
        %scan3A_311 = arith.addi %scan3A_289, %scan3A_310 : i32
        %mul3A_312 = arith.constant 1 : i32
        %mul3A_313 = arith.muli %scan3A_311, %mul3A_312 : i32
        %add3A_314 = arith.constant 0 : i32
        %add3A_315 = arith.addi %add3A_314, %mul3A_313 : i32
        %mul3A_316 = arith.constant 16 : i32
        %mul3A_317 = arith.muli %add3A_315, %mul3A_316 : i32
        %get3A_318 = arith.constant 0 : i32
        %get3A_319 = arith.index_cast %get3A_318 : i32 to index
        %get3A_320 = arith.index_cast %mul3A_317 : i32 to index
        %get3A_321 = tpu.vector_load %arg7[%get3A_319, %get3A_320] {strides = array<i32>} : memref<2x4096xi32, #tpu.memory_space<vmem>>, vector<16xi32>,
        %lt3A_322 = arith.constant 50048 : i32
        %lt3A_323 = vector.broadcast %lt3A_322 : i32 to vector<16xi32>
        %lt3A_324 = arith.cmpi slt, %get3A_321, %lt3A_323 : vector<16xi32>
        %min3A_325 = arith.constant 50047 : i32
        %min3A_326 = vector.broadcast %min3A_325 : i32 to vector<16xi32>
        %min3A_327 = arith.minsi %get3A_321, %min3A_326 : vector<16xi32>
        %gather3A_328 = tpu.vector_load_idx %arg5[%min3A_327] : memref<50048xf32, #tpu.memory_space<vmem>>[vector<16xi32>], vector<16xf32>,
        %jit3A_329 = arith.constant 0.000000e+00 : f32
        %broadcast_in_dim3A_330 = vector.broadcast %jit3A_329 : f32 to vector<16xf32>
        %select_n3A_331 = arith.select %lt3A_324, %gather3A_328, %broadcast_in_dim3A_330 : vector<16xi1>, vector<16xf32>
        %mul3A_332 = arith.constant 16 : i32
        %mul3A_333 = arith.muli %add3A_315, %mul3A_332 : i32
        %add3A_334 = arith.constant 8192 : i32
        %add3A_335 = arith.addi %add3A_334, %mul3A_333 : i32
        %swap3A_336 = arith.index_cast %add3A_335 : i32 to index
        %swap3A_337 = tpu.vector_load %arg8[%swap3A_336] {strides = array<i32>} : memref<16384xf32, #tpu.memory_space<vmem>>, vector<16xf32>,
        tpu.vector_store %arg8[%swap3A_336], %select_n3A_331 {add = true, strides = array<i32>} : memref<16384xf32, #tpu.memory_space<vmem>>, vector<16xf32>,
        %scan3A_338 = arith.constant 2 : i32
        %scan3A_339 = arith.addi %scan3A_289, %scan3A_338 : i32
        %mul3A_340 = arith.constant 1 : i32
        %mul3A_341 = arith.muli %scan3A_339, %mul3A_340 : i32
        %add3A_342 = arith.constant 0 : i32
        %add3A_343 = arith.addi %add3A_342, %mul3A_341 : i32
        %mul3A_344 = arith.constant 16 : i32
        %mul3A_345 = arith.muli %add3A_343, %mul3A_344 : i32
        %get3A_346 = arith.constant 0 : i32
        %get3A_347 = arith.index_cast %get3A_346 : i32 to index
        %get3A_348 = arith.index_cast %mul3A_345 : i32 to index
        %get3A_349 = tpu.vector_load %arg7[%get3A_347, %get3A_348] {strides = array<i32>} : memref<2x4096xi32, #tpu.memory_space<vmem>>, vector<16xi32>,
        %lt3A_350 = arith.constant 50048 : i32
        %lt3A_351 = vector.broadcast %lt3A_350 : i32 to vector<16xi32>
        %lt3A_352 = arith.cmpi slt, %get3A_349, %lt3A_351 : vector<16xi32>
        %min3A_353 = arith.constant 50047 : i32
        %min3A_354 = vector.broadcast %min3A_353 : i32 to vector<16xi32>
        %min3A_355 = arith.minsi %get3A_349, %min3A_354 : vector<16xi32>
        %gather3A_356 = tpu.vector_load_idx %arg5[%min3A_355] : memref<50048xf32, #tpu.memory_space<vmem>>[vector<16xi32>], vector<16xf32>,
        %jit3A_357 = arith.constant 0.000000e+00 : f32
        %broadcast_in_dim3A_358 = vector.broadcast %jit3A_357 : f32 to vector<16xf32>
        %select_n3A_359 = arith.select %lt3A_352, %gather3A_356, %broadcast_in_dim3A_358 : vector<16xi1>, vector<16xf32>
        %mul3A_360 = arith.constant 16 : i32
        %mul3A_361 = arith.muli %add3A_343, %mul3A_360 : i32
        %add3A_362 = arith.constant 8192 : i32
        %add3A_363 = arith.addi %add3A_362, %mul3A_361 : i32
        %swap3A_364 = arith.index_cast %add3A_363 : i32 to index
        %swap3A_365 = tpu.vector_load %arg8[%swap3A_364] {strides = array<i32>} : memref<16384xf32, #tpu.memory_space<vmem>>, vector<16xf32>,
        tpu.vector_store %arg8[%swap3A_364], %select_n3A_359 {add = true, strides = array<i32>} : memref<16384xf32, #tpu.memory_space<vmem>>, vector<16xf32>,
        %scan3A_366 = arith.constant 3 : i32
        %scan3A_367 = arith.addi %scan3A_289, %scan3A_366 : i32
        %mul3A_368 = arith.constant 1 : i32
        %mul3A_369 = arith.muli %scan3A_367, %mul3A_368 : i32
        %add3A_370 = arith.constant 0 : i32
        %add3A_371 = arith.addi %add3A_370, %mul3A_369 : i32
        %mul3A_372 = arith.constant 16 : i32
        %mul3A_373 = arith.muli %add3A_371, %mul3A_372 : i32
        %get3A_374 = arith.constant 0 : i32
        %get3A_375 = arith.index_cast %get3A_374 : i32 to index
        %get3A_376 = arith.index_cast %mul3A_373 : i32 to index
        %get3A_377 = tpu.vector_load %arg7[%get3A_375, %get3A_376] {strides = array<i32>} : memref<2x4096xi32, #tpu.memory_space<vmem>>, vector<16xi32>,
        %lt3A_378 = arith.constant 50048 : i32
        %lt3A_379 = vector.broadcast %lt3A_378 : i32 to vector<16xi32>
        %lt3A_380 = arith.cmpi slt, %get3A_377, %lt3A_379 : vector<16xi32>
        %min3A_381 = arith.constant 50047 : i32
        %min3A_382 = vector.broadcast %min3A_381 : i32 to vector<16xi32>
        %min3A_383 = arith.minsi %get3A_377, %min3A_382 : vector<16xi32>
        %gather3A_384 = tpu.vector_load_idx %arg5[%min3A_383] : memref<50048xf32, #tpu.memory_space<vmem>>[vector<16xi32>], vector<16xf32>,
        %jit3A_385 = arith.constant 0.000000e+00 : f32
        %broadcast_in_dim3A_386 = vector.broadcast %jit3A_385 : f32 to vector<16xf32>
        %select_n3A_387 = arith.select %lt3A_380, %gather3A_384, %broadcast_in_dim3A_386 : vector<16xi1>, vector<16xf32>
        %mul3A_388 = arith.constant 16 : i32
        %mul3A_389 = arith.muli %add3A_371, %mul3A_388 : i32
        %add3A_390 = arith.constant 8192 : i32
        %add3A_391 = arith.addi %add3A_390, %mul3A_389 : i32
        %swap3A_392 = arith.index_cast %add3A_391 : i32 to index
        %swap3A_393 = tpu.vector_load %arg8[%swap3A_392] {strides = array<i32>} : memref<16384xf32, #tpu.memory_space<vmem>>, vector<16xf32>,
        tpu.vector_store %arg8[%swap3A_392], %select_n3A_387 {add = true, strides = array<i32>} : memref<16384xf32, #tpu.memory_space<vmem>>, vector<16xf32>,
        %scan3A_394 = arith.constant 4 : i32
        %scan3A_395 = arith.addi %scan3A_289, %scan3A_394 : i32
        %mul3A_396 = arith.constant 1 : i32
        %mul3A_397 = arith.muli %scan3A_395, %mul3A_396 : i32
        %add3A_398 = arith.constant 0 : i32
        %add3A_399 = arith.addi %add3A_398, %mul3A_397 : i32
        %mul3A_400 = arith.constant 16 : i32
        %mul3A_401 = arith.muli %add3A_399, %mul3A_400 : i32
        %get3A_402 = arith.constant 0 : i32
        %get3A_403 = arith.index_cast %get3A_402 : i32 to index
        %get3A_404 = arith.index_cast %mul3A_401 : i32 to index
        %get3A_405 = tpu.vector_load %arg7[%get3A_403, %get3A_404] {strides = array<i32>} : memref<2x4096xi32, #tpu.memory_space<vmem>>, vector<16xi32>,
        %lt3A_406 = arith.constant 50048 : i32
        %lt3A_407 = vector.broadcast %lt3A_406 : i32 to vector<16xi32>
        %lt3A_408 = arith.cmpi slt, %get3A_405, %lt3A_407 : vector<16xi32>
        %min3A_409 = arith.constant 50047 : i32
        %min3A_410 = vector.broadcast %min3A_409 : i32 to vector<16xi32>
        %min3A_411 = arith.minsi %get3A_405, %min3A_410 : vector<16xi32>
        %gather3A_412 = tpu.vector_load_idx %arg5[%min3A_411] : memref<50048xf32, #tpu.memory_space<vmem>>[vector<16xi32>], vector<16xf32>,
        %jit3A_413 = arith.constant 0.000000e+00 : f32
        %broadcast_in_dim3A_414 = vector.broadcast %jit3A_413 : f32 to vector<16xf32>
        %select_n3A_415 = arith.select %lt3A_408, %gather3A_412, %broadcast_in_dim3A_414 : vector<16xi1>, vector<16xf32>
        %mul3A_416 = arith.constant 16 : i32
        %mul3A_417 = arith.muli %add3A_399, %mul3A_416 : i32
        %add3A_418 = arith.constant 8192 : i32
        %add3A_419 = arith.addi %add3A_418, %mul3A_417 : i32
        %swap3A_420 = arith.index_cast %add3A_419 : i32 to index
        %swap3A_421 = tpu.vector_load %arg8[%swap3A_420] {strides = array<i32>} : memref<16384xf32, #tpu.memory_space<vmem>>, vector<16xf32>,
        tpu.vector_store %arg8[%swap3A_420], %select_n3A_415 {add = true, strides = array<i32>} : memref<16384xf32, #tpu.memory_space<vmem>>, vector<16xf32>,
        %scan3A_422 = arith.constant 5 : i32
        %scan3A_423 = arith.addi %scan3A_289, %scan3A_422 : i32
        %mul3A_424 = arith.constant 1 : i32
        %mul3A_425 = arith.muli %scan3A_423, %mul3A_424 : i32
        %add3A_426 = arith.constant 0 : i32
        %add3A_427 = arith.addi %add3A_426, %mul3A_425 : i32
        %mul3A_428 = arith.constant 16 : i32
        %mul3A_429 = arith.muli %add3A_427, %mul3A_428 : i32
        %get3A_430 = arith.constant 0 : i32
        %get3A_431 = arith.index_cast %get3A_430 : i32 to index
        %get3A_432 = arith.index_cast %mul3A_429 : i32 to index
        %get3A_433 = tpu.vector_load %arg7[%get3A_431, %get3A_432] {strides = array<i32>} : memref<2x4096xi32, #tpu.memory_space<vmem>>, vector<16xi32>,
        %lt3A_434 = arith.constant 50048 : i32
        %lt3A_435 = vector.broadcast %lt3A_434 : i32 to vector<16xi32>
        %lt3A_436 = arith.cmpi slt, %get3A_433, %lt3A_435 : vector<16xi32>
        %min3A_437 = arith.constant 50047 : i32
        %min3A_438 = vector.broadcast %min3A_437 : i32 to vector<16xi32>
        %min3A_439 = arith.minsi %get3A_433, %min3A_438 : vector<16xi32>
        %gather3A_440 = tpu.vector_load_idx %arg5[%min3A_439] : memref<50048xf32, #tpu.memory_space<vmem>>[vector<16xi32>], vector<16xf32>,
        %jit3A_441 = arith.constant 0.000000e+00 : f32
        %broadcast_in_dim3A_442 = vector.broadcast %jit3A_441 : f32 to vector<16xf32>
        %select_n3A_443 = arith.select %lt3A_436, %gather3A_440, %broadcast_in_dim3A_442 : vector<16xi1>, vector<16xf32>
        %mul3A_444 = arith.constant 16 : i32
        %mul3A_445 = arith.muli %add3A_427, %mul3A_444 : i32
        %add3A_446 = arith.constant 8192 : i32
        %add3A_447 = arith.addi %add3A_446, %mul3A_445 : i32
        %swap3A_448 = arith.index_cast %add3A_447 : i32 to index
        %swap3A_449 = tpu.vector_load %arg8[%swap3A_448] {strides = array<i32>} : memref<16384xf32, #tpu.memory_space<vmem>>, vector<16xf32>,
        tpu.vector_store %arg8[%swap3A_448], %select_n3A_443 {add = true, strides = array<i32>} : memref<16384xf32, #tpu.memory_space<vmem>>, vector<16xf32>,
        %scan3A_450 = arith.constant 6 : i32
        %scan3A_451 = arith.addi %scan3A_289, %scan3A_450 : i32
        %mul3A_452 = arith.constant 1 : i32
        %mul3A_453 = arith.muli %scan3A_451, %mul3A_452 : i32
        %add3A_454 = arith.constant 0 : i32
        %add3A_455 = arith.addi %add3A_454, %mul3A_453 : i32
        %mul3A_456 = arith.constant 16 : i32
        %mul3A_457 = arith.muli %add3A_455, %mul3A_456 : i32
        %get3A_458 = arith.constant 0 : i32
        %get3A_459 = arith.index_cast %get3A_458 : i32 to index
        %get3A_460 = arith.index_cast %mul3A_457 : i32 to index
        %get3A_461 = tpu.vector_load %arg7[%get3A_459, %get3A_460] {strides = array<i32>} : memref<2x4096xi32, #tpu.memory_space<vmem>>, vector<16xi32>,
        %lt3A_462 = arith.constant 50048 : i32
        %lt3A_463 = vector.broadcast %lt3A_462 : i32 to vector<16xi32>
        %lt3A_464 = arith.cmpi slt, %get3A_461, %lt3A_463 : vector<16xi32>
        %min3A_465 = arith.constant 50047 : i32
        %min3A_466 = vector.broadcast %min3A_465 : i32 to vector<16xi32>
        %min3A_467 = arith.minsi %get3A_461, %min3A_466 : vector<16xi32>
        %gather3A_468 = tpu.vector_load_idx %arg5[%min3A_467] : memref<50048xf32, #tpu.memory_space<vmem>>[vector<16xi32>], vector<16xf32>,
        %jit3A_469 = arith.constant 0.000000e+00 : f32
        %broadcast_in_dim3A_470 = vector.broadcast %jit3A_469 : f32 to vector<16xf32>
        %select_n3A_471 = arith.select %lt3A_464, %gather3A_468, %broadcast_in_dim3A_470 : vector<16xi1>, vector<16xf32>
        %mul3A_472 = arith.constant 16 : i32
        %mul3A_473 = arith.muli %add3A_455, %mul3A_472 : i32
        %add3A_474 = arith.constant 8192 : i32
        %add3A_475 = arith.addi %add3A_474, %mul3A_473 : i32
        %swap3A_476 = arith.index_cast %add3A_475 : i32 to index
        %swap3A_477 = tpu.vector_load %arg8[%swap3A_476] {strides = array<i32>} : memref<16384xf32, #tpu.memory_space<vmem>>, vector<16xf32>,
        tpu.vector_store %arg8[%swap3A_476], %select_n3A_471 {add = true, strides = array<i32>} : memref<16384xf32, #tpu.memory_space<vmem>>, vector<16xf32>,
        %scan3A_478 = arith.constant 7 : i32
        %scan3A_479 = arith.addi %scan3A_289, %scan3A_478 : i32
        %mul3A_480 = arith.constant 1 : i32
        %mul3A_481 = arith.muli %scan3A_479, %mul3A_480 : i32
        %add3A_482 = arith.constant 0 : i32
        %add3A_483 = arith.addi %add3A_482, %mul3A_481 : i32
        %mul3A_484 = arith.constant 16 : i32
        %mul3A_485 = arith.muli %add3A_483, %mul3A_484 : i32
        %get3A_486 = arith.constant 0 : i32
        %get3A_487 = arith.index_cast %get3A_486 : i32 to index
        %get3A_488 = arith.index_cast %mul3A_485 : i32 to index
        %get3A_489 = tpu.vector_load %arg7[%get3A_487, %get3A_488] {strides = array<i32>} : memref<2x4096xi32, #tpu.memory_space<vmem>>, vector<16xi32>,
        %lt3A_490 = arith.constant 50048 : i32
        %lt3A_491 = vector.broadcast %lt3A_490 : i32 to vector<16xi32>
        %lt3A_492 = arith.cmpi slt, %get3A_489, %lt3A_491 : vector<16xi32>
        %min3A_493 = arith.constant 50047 : i32
        %min3A_494 = vector.broadcast %min3A_493 : i32 to vector<16xi32>
        %min3A_495 = arith.minsi %get3A_489, %min3A_494 : vector<16xi32>
        %gather3A_496 = tpu.vector_load_idx %arg5[%min3A_495] : memref<50048xf32, #tpu.memory_space<vmem>>[vector<16xi32>], vector<16xf32>,
        %jit3A_497 = arith.constant 0.000000e+00 : f32
        %broadcast_in_dim3A_498 = vector.broadcast %jit3A_497 : f32 to vector<16xf32>
        %select_n3A_499 = arith.select %lt3A_492, %gather3A_496, %broadcast_in_dim3A_498 : vector<16xi1>, vector<16xf32>
        %mul3A_500 = arith.constant 16 : i32
        %mul3A_501 = arith.muli %add3A_483, %mul3A_500 : i32
        %add3A_502 = arith.constant 8192 : i32
        %add3A_503 = arith.addi %add3A_502, %mul3A_501 : i32
        %swap3A_504 = arith.index_cast %add3A_503 : i32 to index
        %swap3A_505 = tpu.vector_load %arg8[%swap3A_504] {strides = array<i32>} : memref<16384xf32, #tpu.memory_space<vmem>>, vector<16xf32>,
        tpu.vector_store %arg8[%swap3A_504], %select_n3A_499 {add = true, strides = array<i32>} : memref<16384xf32, #tpu.memory_space<vmem>>, vector<16xf32>,
      }
      %scan3A_138 = arith.constant 256 : i32
      %dma_wait3A_139 = arith.constant 1 : i32
      %dma_wait3A_140 = arith.constant 0 : i32
      %dma_wait3A_141 = tpu.memref_slice %arg7[%dma_wait3A_139, %dma_wait3A_140] : memref<2x4096xi32, #tpu.memory_space<vmem>> -> memref<1x4096xi32, #tpu.memory_space<vmem>>
      %dma_wait3A_142 = tpu.memref_squeeze %dma_wait3A_141 : memref<1x4096xi32, #tpu.memory_space<vmem>> -> memref<4096xi32, #tpu.memory_space<vmem>>
      %dma_wait3A_143 = arith.constant 12288 : i32
      %dma_wait3A_144 = tpu.memref_slice %arg2[%add3A_21, %dma_wait3A_143] : memref<26x16384xi32, #tpu.memory_space<hbm>> -> memref<1x4096xi32, #tpu.memory_space<hbm>>
      %dma_wait3A_145 = tpu.memref_squeeze %dma_wait3A_144 : memref<1x4096xi32, #tpu.memory_space<hbm>> -> memref<4096xi32, #tpu.memory_space<hbm>>
      %dma_wait3A_146 = arith.constant 0 : i32
      %dma_wait3A_147 = tpu.memref_slice %arg7[%dma_wait3A_139, %dma_wait3A_146] : memref<2x4096xi32, #tpu.memory_space<vmem>> -> memref<1x4096xi32, #tpu.memory_space<vmem>>
      %dma_wait3A_148 = tpu.memref_squeeze %dma_wait3A_147 : memref<1x4096xi32, #tpu.memory_space<vmem>> -> memref<4096xi32, #tpu.memory_space<vmem>>
      %dma_wait3A_149 = arith.constant 12288 : i32
      %dma_wait3A_150 = tpu.memref_slice %arg2[%add3A_21, %dma_wait3A_149] : memref<26x16384xi32, #tpu.memory_space<hbm>> -> memref<1x4096xi32, #tpu.memory_space<hbm>>
      %dma_wait3A_151 = tpu.memref_squeeze %dma_wait3A_150 : memref<1x4096xi32, #tpu.memory_space<hbm>> -> memref<4096xi32, #tpu.memory_space<hbm>>
      tpu.wait_dma2 semaphore(%arg12 : memref<!tpu.dma_semaphore, #tpu.memory_space<semaphore_mem>>) src(%dma_wait3A_151 : memref<4096xi32, #tpu.memory_space<hbm>>) dst(%dma_wait3A_148 : memref<4096xi32, #tpu.memory_space<vmem>>)
      %scan3A_152 = arith.constant 0 : i32
      %scan3A_153 = arith.constant 256 : i32
      %scan3A_154 = arith.addi %scan3A_152, %scan3A_153 : i32
      %scan3A_155 = arith.constant 8 : i32
      scf.for %scan3A_289 = %scan3A_152 to %scan3A_154 step %scan3A_155  : i32 {
        %mul3A_290 = arith.constant 1 : i32
        %mul3A_291 = arith.muli %scan3A_289, %mul3A_290 : i32
        %add3A_292 = arith.constant 0 : i32
        %add3A_293 = arith.addi %add3A_292, %mul3A_291 : i32
        %mul3A_294 = arith.constant 16 : i32
        %mul3A_295 = arith.muli %add3A_293, %mul3A_294 : i32
        %get3A = arith.constant 1 : i32
        %get3A_296 = arith.index_cast %get3A : i32 to index
        %get3A_297 = arith.index_cast %mul3A_295 : i32 to index
        %get3A_298 = tpu.vector_load %arg7[%get3A_296, %get3A_297] {strides = array<i32>} : memref<2x4096xi32, #tpu.memory_space<vmem>>, vector<16xi32>,
        %lt3A_299 = arith.constant 50048 : i32
        %lt3A_300 = vector.broadcast %lt3A_299 : i32 to vector<16xi32>
        %lt3A_301 = arith.cmpi slt, %get3A_298, %lt3A_300 : vector<16xi32>
        %min3A = arith.constant 50047 : i32
        %min3A_302 = vector.broadcast %min3A : i32 to vector<16xi32>
        %min3A_303 = arith.minsi %get3A_298, %min3A_302 : vector<16xi32>
        %gather3A = tpu.vector_load_idx %arg5[%min3A_303] : memref<50048xf32, #tpu.memory_space<vmem>>[vector<16xi32>], vector<16xf32>,
        %jit3A = arith.constant 0.000000e+00 : f32
        %broadcast_in_dim3A_304 = vector.broadcast %jit3A : f32 to vector<16xf32>
        %select_n3A = arith.select %lt3A_301, %gather3A, %broadcast_in_dim3A_304 : vector<16xi1>, vector<16xf32>
        %mul3A_305 = arith.constant 16 : i32
        %mul3A_306 = arith.muli %add3A_293, %mul3A_305 : i32
        %add3A_307 = arith.constant 12288 : i32
        %add3A_308 = arith.addi %add3A_307, %mul3A_306 : i32
        %swap3A = arith.index_cast %add3A_308 : i32 to index
        %swap3A_309 = tpu.vector_load %arg8[%swap3A] {strides = array<i32>} : memref<16384xf32, #tpu.memory_space<vmem>>, vector<16xf32>,
        tpu.vector_store %arg8[%swap3A], %select_n3A {add = true, strides = array<i32>} : memref<16384xf32, #tpu.memory_space<vmem>>, vector<16xf32>,
        %scan3A_310 = arith.constant 1 : i32
        %scan3A_311 = arith.addi %scan3A_289, %scan3A_310 : i32
        %mul3A_312 = arith.constant 1 : i32
        %mul3A_313 = arith.muli %scan3A_311, %mul3A_312 : i32
        %add3A_314 = arith.constant 0 : i32
        %add3A_315 = arith.addi %add3A_314, %mul3A_313 : i32
        %mul3A_316 = arith.constant 16 : i32
        %mul3A_317 = arith.muli %add3A_315, %mul3A_316 : i32
        %get3A_318 = arith.constant 1 : i32
        %get3A_319 = arith.index_cast %get3A_318 : i32 to index
        %get3A_320 = arith.index_cast %mul3A_317 : i32 to index
        %get3A_321 = tpu.vector_load %arg7[%get3A_319, %get3A_320] {strides = array<i32>} : memref<2x4096xi32, #tpu.memory_space<vmem>>, vector<16xi32>,
        %lt3A_322 = arith.constant 50048 : i32
        %lt3A_323 = vector.broadcast %lt3A_322 : i32 to vector<16xi32>
        %lt3A_324 = arith.cmpi slt, %get3A_321, %lt3A_323 : vector<16xi32>
        %min3A_325 = arith.constant 50047 : i32
        %min3A_326 = vector.broadcast %min3A_325 : i32 to vector<16xi32>
        %min3A_327 = arith.minsi %get3A_321, %min3A_326 : vector<16xi32>
        %gather3A_328 = tpu.vector_load_idx %arg5[%min3A_327] : memref<50048xf32, #tpu.memory_space<vmem>>[vector<16xi32>], vector<16xf32>,
        %jit3A_329 = arith.constant 0.000000e+00 : f32
        %broadcast_in_dim3A_330 = vector.broadcast %jit3A_329 : f32 to vector<16xf32>
        %select_n3A_331 = arith.select %lt3A_324, %gather3A_328, %broadcast_in_dim3A_330 : vector<16xi1>, vector<16xf32>
        %mul3A_332 = arith.constant 16 : i32
        %mul3A_333 = arith.muli %add3A_315, %mul3A_332 : i32
        %add3A_334 = arith.constant 12288 : i32
        %add3A_335 = arith.addi %add3A_334, %mul3A_333 : i32
        %swap3A_336 = arith.index_cast %add3A_335 : i32 to index
        %swap3A_337 = tpu.vector_load %arg8[%swap3A_336] {strides = array<i32>} : memref<16384xf32, #tpu.memory_space<vmem>>, vector<16xf32>,
        tpu.vector_store %arg8[%swap3A_336], %select_n3A_331 {add = true, strides = array<i32>} : memref<16384xf32, #tpu.memory_space<vmem>>, vector<16xf32>,
        %scan3A_338 = arith.constant 2 : i32
        %scan3A_339 = arith.addi %scan3A_289, %scan3A_338 : i32
        %mul3A_340 = arith.constant 1 : i32
        %mul3A_341 = arith.muli %scan3A_339, %mul3A_340 : i32
        %add3A_342 = arith.constant 0 : i32
        %add3A_343 = arith.addi %add3A_342, %mul3A_341 : i32
        %mul3A_344 = arith.constant 16 : i32
        %mul3A_345 = arith.muli %add3A_343, %mul3A_344 : i32
        %get3A_346 = arith.constant 1 : i32
        %get3A_347 = arith.index_cast %get3A_346 : i32 to index
        %get3A_348 = arith.index_cast %mul3A_345 : i32 to index
        %get3A_349 = tpu.vector_load %arg7[%get3A_347, %get3A_348] {strides = array<i32>} : memref<2x4096xi32, #tpu.memory_space<vmem>>, vector<16xi32>,
        %lt3A_350 = arith.constant 50048 : i32
        %lt3A_351 = vector.broadcast %lt3A_350 : i32 to vector<16xi32>
        %lt3A_352 = arith.cmpi slt, %get3A_349, %lt3A_351 : vector<16xi32>
        %min3A_353 = arith.constant 50047 : i32
        %min3A_354 = vector.broadcast %min3A_353 : i32 to vector<16xi32>
        %min3A_355 = arith.minsi %get3A_349, %min3A_354 : vector<16xi32>
        %gather3A_356 = tpu.vector_load_idx %arg5[%min3A_355] : memref<50048xf32, #tpu.memory_space<vmem>>[vector<16xi32>], vector<16xf32>,
        %jit3A_357 = arith.constant 0.000000e+00 : f32
        %broadcast_in_dim3A_358 = vector.broadcast %jit3A_357 : f32 to vector<16xf32>
        %select_n3A_359 = arith.select %lt3A_352, %gather3A_356, %broadcast_in_dim3A_358 : vector<16xi1>, vector<16xf32>
        %mul3A_360 = arith.constant 16 : i32
        %mul3A_361 = arith.muli %add3A_343, %mul3A_360 : i32
        %add3A_362 = arith.constant 12288 : i32
        %add3A_363 = arith.addi %add3A_362, %mul3A_361 : i32
        %swap3A_364 = arith.index_cast %add3A_363 : i32 to index
        %swap3A_365 = tpu.vector_load %arg8[%swap3A_364] {strides = array<i32>} : memref<16384xf32, #tpu.memory_space<vmem>>, vector<16xf32>,
        tpu.vector_store %arg8[%swap3A_364], %select_n3A_359 {add = true, strides = array<i32>} : memref<16384xf32, #tpu.memory_space<vmem>>, vector<16xf32>,
        %scan3A_366 = arith.constant 3 : i32
        %scan3A_367 = arith.addi %scan3A_289, %scan3A_366 : i32
        %mul3A_368 = arith.constant 1 : i32
        %mul3A_369 = arith.muli %scan3A_367, %mul3A_368 : i32
        %add3A_370 = arith.constant 0 : i32
        %add3A_371 = arith.addi %add3A_370, %mul3A_369 : i32
        %mul3A_372 = arith.constant 16 : i32
        %mul3A_373 = arith.muli %add3A_371, %mul3A_372 : i32
        %get3A_374 = arith.constant 1 : i32
        %get3A_375 = arith.index_cast %get3A_374 : i32 to index
        %get3A_376 = arith.index_cast %mul3A_373 : i32 to index
        %get3A_377 = tpu.vector_load %arg7[%get3A_375, %get3A_376] {strides = array<i32>} : memref<2x4096xi32, #tpu.memory_space<vmem>>, vector<16xi32>,
        %lt3A_378 = arith.constant 50048 : i32
        %lt3A_379 = vector.broadcast %lt3A_378 : i32 to vector<16xi32>
        %lt3A_380 = arith.cmpi slt, %get3A_377, %lt3A_379 : vector<16xi32>
        %min3A_381 = arith.constant 50047 : i32
        %min3A_382 = vector.broadcast %min3A_381 : i32 to vector<16xi32>
        %min3A_383 = arith.minsi %get3A_377, %min3A_382 : vector<16xi32>
        %gather3A_384 = tpu.vector_load_idx %arg5[%min3A_383] : memref<50048xf32, #tpu.memory_space<vmem>>[vector<16xi32>], vector<16xf32>,
        %jit3A_385 = arith.constant 0.000000e+00 : f32
        %broadcast_in_dim3A_386 = vector.broadcast %jit3A_385 : f32 to vector<16xf32>
        %select_n3A_387 = arith.select %lt3A_380, %gather3A_384, %broadcast_in_dim3A_386 : vector<16xi1>, vector<16xf32>
        %mul3A_388 = arith.constant 16 : i32
        %mul3A_389 = arith.muli %add3A_371, %mul3A_388 : i32
        %add3A_390 = arith.constant 12288 : i32
        %add3A_391 = arith.addi %add3A_390, %mul3A_389 : i32
        %swap3A_392 = arith.index_cast %add3A_391 : i32 to index
        %swap3A_393 = tpu.vector_load %arg8[%swap3A_392] {strides = array<i32>} : memref<16384xf32, #tpu.memory_space<vmem>>, vector<16xf32>,
        tpu.vector_store %arg8[%swap3A_392], %select_n3A_387 {add = true, strides = array<i32>} : memref<16384xf32, #tpu.memory_space<vmem>>, vector<16xf32>,
        %scan3A_394 = arith.constant 4 : i32
        %scan3A_395 = arith.addi %scan3A_289, %scan3A_394 : i32
        %mul3A_396 = arith.constant 1 : i32
        %mul3A_397 = arith.muli %scan3A_395, %mul3A_396 : i32
        %add3A_398 = arith.constant 0 : i32
        %add3A_399 = arith.addi %add3A_398, %mul3A_397 : i32
        %mul3A_400 = arith.constant 16 : i32
        %mul3A_401 = arith.muli %add3A_399, %mul3A_400 : i32
        %get3A_402 = arith.constant 1 : i32
        %get3A_403 = arith.index_cast %get3A_402 : i32 to index
        %get3A_404 = arith.index_cast %mul3A_401 : i32 to index
        %get3A_405 = tpu.vector_load %arg7[%get3A_403, %get3A_404] {strides = array<i32>} : memref<2x4096xi32, #tpu.memory_space<vmem>>, vector<16xi32>,
        %lt3A_406 = arith.constant 50048 : i32
        %lt3A_407 = vector.broadcast %lt3A_406 : i32 to vector<16xi32>
        %lt3A_408 = arith.cmpi slt, %get3A_405, %lt3A_407 : vector<16xi32>
        %min3A_409 = arith.constant 50047 : i32
        %min3A_410 = vector.broadcast %min3A_409 : i32 to vector<16xi32>
        %min3A_411 = arith.minsi %get3A_405, %min3A_410 : vector<16xi32>
        %gather3A_412 = tpu.vector_load_idx %arg5[%min3A_411] : memref<50048xf32, #tpu.memory_space<vmem>>[vector<16xi32>], vector<16xf32>,
        %jit3A_413 = arith.constant 0.000000e+00 : f32
        %broadcast_in_dim3A_414 = vector.broadcast %jit3A_413 : f32 to vector<16xf32>
        %select_n3A_415 = arith.select %lt3A_408, %gather3A_412, %broadcast_in_dim3A_414 : vector<16xi1>, vector<16xf32>
        %mul3A_416 = arith.constant 16 : i32
        %mul3A_417 = arith.muli %add3A_399, %mul3A_416 : i32
        %add3A_418 = arith.constant 12288 : i32
        %add3A_419 = arith.addi %add3A_418, %mul3A_417 : i32
        %swap3A_420 = arith.index_cast %add3A_419 : i32 to index
        %swap3A_421 = tpu.vector_load %arg8[%swap3A_420] {strides = array<i32>} : memref<16384xf32, #tpu.memory_space<vmem>>, vector<16xf32>,
        tpu.vector_store %arg8[%swap3A_420], %select_n3A_415 {add = true, strides = array<i32>} : memref<16384xf32, #tpu.memory_space<vmem>>, vector<16xf32>,
        %scan3A_422 = arith.constant 5 : i32
        %scan3A_423 = arith.addi %scan3A_289, %scan3A_422 : i32
        %mul3A_424 = arith.constant 1 : i32
        %mul3A_425 = arith.muli %scan3A_423, %mul3A_424 : i32
        %add3A_426 = arith.constant 0 : i32
        %add3A_427 = arith.addi %add3A_426, %mul3A_425 : i32
        %mul3A_428 = arith.constant 16 : i32
        %mul3A_429 = arith.muli %add3A_427, %mul3A_428 : i32
        %get3A_430 = arith.constant 1 : i32
        %get3A_431 = arith.index_cast %get3A_430 : i32 to index
        %get3A_432 = arith.index_cast %mul3A_429 : i32 to index
        %get3A_433 = tpu.vector_load %arg7[%get3A_431, %get3A_432] {strides = array<i32>} : memref<2x4096xi32, #tpu.memory_space<vmem>>, vector<16xi32>,
        %lt3A_434 = arith.constant 50048 : i32
        %lt3A_435 = vector.broadcast %lt3A_434 : i32 to vector<16xi32>
        %lt3A_436 = arith.cmpi slt, %get3A_433, %lt3A_435 : vector<16xi32>
        %min3A_437 = arith.constant 50047 : i32
        %min3A_438 = vector.broadcast %min3A_437 : i32 to vector<16xi32>
        %min3A_439 = arith.minsi %get3A_433, %min3A_438 : vector<16xi32>
        %gather3A_440 = tpu.vector_load_idx %arg5[%min3A_439] : memref<50048xf32, #tpu.memory_space<vmem>>[vector<16xi32>], vector<16xf32>,
        %jit3A_441 = arith.constant 0.000000e+00 : f32
        %broadcast_in_dim3A_442 = vector.broadcast %jit3A_441 : f32 to vector<16xf32>
        %select_n3A_443 = arith.select %lt3A_436, %gather3A_440, %broadcast_in_dim3A_442 : vector<16xi1>, vector<16xf32>
        %mul3A_444 = arith.constant 16 : i32
        %mul3A_445 = arith.muli %add3A_427, %mul3A_444 : i32
        %add3A_446 = arith.constant 12288 : i32
        %add3A_447 = arith.addi %add3A_446, %mul3A_445 : i32
        %swap3A_448 = arith.index_cast %add3A_447 : i32 to index
        %swap3A_449 = tpu.vector_load %arg8[%swap3A_448] {strides = array<i32>} : memref<16384xf32, #tpu.memory_space<vmem>>, vector<16xf32>,
        tpu.vector_store %arg8[%swap3A_448], %select_n3A_443 {add = true, strides = array<i32>} : memref<16384xf32, #tpu.memory_space<vmem>>, vector<16xf32>,
        %scan3A_450 = arith.constant 6 : i32
        %scan3A_451 = arith.addi %scan3A_289, %scan3A_450 : i32
        %mul3A_452 = arith.constant 1 : i32
        %mul3A_453 = arith.muli %scan3A_451, %mul3A_452 : i32
        %add3A_454 = arith.constant 0 : i32
        %add3A_455 = arith.addi %add3A_454, %mul3A_453 : i32
        %mul3A_456 = arith.constant 16 : i32
        %mul3A_457 = arith.muli %add3A_455, %mul3A_456 : i32
        %get3A_458 = arith.constant 1 : i32
        %get3A_459 = arith.index_cast %get3A_458 : i32 to index
        %get3A_460 = arith.index_cast %mul3A_457 : i32 to index
        %get3A_461 = tpu.vector_load %arg7[%get3A_459, %get3A_460] {strides = array<i32>} : memref<2x4096xi32, #tpu.memory_space<vmem>>, vector<16xi32>,
        %lt3A_462 = arith.constant 50048 : i32
        %lt3A_463 = vector.broadcast %lt3A_462 : i32 to vector<16xi32>
        %lt3A_464 = arith.cmpi slt, %get3A_461, %lt3A_463 : vector<16xi32>
        %min3A_465 = arith.constant 50047 : i32
        %min3A_466 = vector.broadcast %min3A_465 : i32 to vector<16xi32>
        %min3A_467 = arith.minsi %get3A_461, %min3A_466 : vector<16xi32>
        %gather3A_468 = tpu.vector_load_idx %arg5[%min3A_467] : memref<50048xf32, #tpu.memory_space<vmem>>[vector<16xi32>], vector<16xf32>,
        %jit3A_469 = arith.constant 0.000000e+00 : f32
        %broadcast_in_dim3A_470 = vector.broadcast %jit3A_469 : f32 to vector<16xf32>
        %select_n3A_471 = arith.select %lt3A_464, %gather3A_468, %broadcast_in_dim3A_470 : vector<16xi1>, vector<16xf32>
        %mul3A_472 = arith.constant 16 : i32
        %mul3A_473 = arith.muli %add3A_455, %mul3A_472 : i32
        %add3A_474 = arith.constant 12288 : i32
        %add3A_475 = arith.addi %add3A_474, %mul3A_473 : i32
        %swap3A_476 = arith.index_cast %add3A_475 : i32 to index
        %swap3A_477 = tpu.vector_load %arg8[%swap3A_476] {strides = array<i32>} : memref<16384xf32, #tpu.memory_space<vmem>>, vector<16xf32>,
        tpu.vector_store %arg8[%swap3A_476], %select_n3A_471 {add = true, strides = array<i32>} : memref<16384xf32, #tpu.memory_space<vmem>>, vector<16xf32>,
        %scan3A_478 = arith.constant 7 : i32
        %scan3A_479 = arith.addi %scan3A_289, %scan3A_478 : i32
        %mul3A_480 = arith.constant 1 : i32
        %mul3A_481 = arith.muli %scan3A_479, %mul3A_480 : i32
        %add3A_482 = arith.constant 0 : i32
        %add3A_483 = arith.addi %add3A_482, %mul3A_481 : i32
        %mul3A_484 = arith.constant 16 : i32
        %mul3A_485 = arith.muli %add3A_483, %mul3A_484 : i32
        %get3A_486 = arith.constant 1 : i32
        %get3A_487 = arith.index_cast %get3A_486 : i32 to index
        %get3A_488 = arith.index_cast %mul3A_485 : i32 to index
        %get3A_489 = tpu.vector_load %arg7[%get3A_487, %get3A_488] {strides = array<i32>} : memref<2x4096xi32, #tpu.memory_space<vmem>>, vector<16xi32>,
        %lt3A_490 = arith.constant 50048 : i32
        %lt3A_491 = vector.broadcast %lt3A_490 : i32 to vector<16xi32>
        %lt3A_492 = arith.cmpi slt, %get3A_489, %lt3A_491 : vector<16xi32>
        %min3A_493 = arith.constant 50047 : i32
        %min3A_494 = vector.broadcast %min3A_493 : i32 to vector<16xi32>
        %min3A_495 = arith.minsi %get3A_489, %min3A_494 : vector<16xi32>
        %gather3A_496 = tpu.vector_load_idx %arg5[%min3A_495] : memref<50048xf32, #tpu.memory_space<vmem>>[vector<16xi32>], vector<16xf32>,
        %jit3A_497 = arith.constant 0.000000e+00 : f32
        %broadcast_in_dim3A_498 = vector.broadcast %jit3A_497 : f32 to vector<16xf32>
        %select_n3A_499 = arith.select %lt3A_492, %gather3A_496, %broadcast_in_dim3A_498 : vector<16xi1>, vector<16xf32>
        %mul3A_500 = arith.constant 16 : i32
        %mul3A_501 = arith.muli %add3A_483, %mul3A_500 : i32
        %add3A_502 = arith.constant 12288 : i32
        %add3A_503 = arith.addi %add3A_502, %mul3A_501 : i32
        %swap3A_504 = arith.index_cast %add3A_503 : i32 to index
        %swap3A_505 = tpu.vector_load %arg8[%swap3A_504] {strides = array<i32>} : memref<16384xf32, #tpu.memory_space<vmem>>, vector<16xf32>,
        tpu.vector_store %arg8[%swap3A_504], %select_n3A_499 {add = true, strides = array<i32>} : memref<16384xf32, #tpu.memory_space<vmem>>, vector<16xf32>,
      }
      %scan3A_156 = arith.constant 256 : i32
      %dma_wait3A_157 = arith.constant 50048 : i32
      %dma_wait3A_158 = tpu.memref_slice %arg3[%add3A_21, %add3A, %dma_wait3A_157] : memref<26x32x100000xf32, #tpu.memory_space<hbm>> -> memref<1x1x49952xf32, #tpu.memory_space<hbm>>
      %dma_wait3A_159 = tpu.memref_squeeze %dma_wait3A_158 : memref<1x1x49952xf32, #tpu.memory_space<hbm>> -> memref<49952xf32, #tpu.memory_space<hbm>>
      %dma_wait3A_160 = arith.constant 50048 : i32
      %dma_wait3A_161 = tpu.memref_slice %arg3[%add3A_21, %add3A, %dma_wait3A_160] : memref<26x32x100000xf32, #tpu.memory_space<hbm>> -> memref<1x1x49952xf32, #tpu.memory_space<hbm>>
      %dma_wait3A_162 = tpu.memref_squeeze %dma_wait3A_161 : memref<1x1x49952xf32, #tpu.memory_space<hbm>> -> memref<49952xf32, #tpu.memory_space<hbm>>
      tpu.wait_dma2 semaphore(%arg10 : memref<!tpu.dma_semaphore, #tpu.memory_space<semaphore_mem>>) src(%dma_wait3A_162 : memref<49952xf32, #tpu.memory_space<hbm>>) dst(%arg6 : memref<49952xf32, #tpu.memory_space<vmem>>)
      %lt3A = arith.constant 25 : i32
      %lt3A_163 = arith.cmpi slt, %add3A_21, %lt3A : i32
      %convert_element_type3A = arith.extui %lt3A_163 : i1 to i32
      %cond3A = arith.constant 0 : i32
      %cond3A_164 = arith.cmpi ne, %convert_element_type3A, %cond3A : i32
      scf.if %cond3A_164 {
        %add3A_289 = arith.constant 1 : i32
        %add3A_290 = arith.addi %add3A_21, %add3A_289 : i32
        %dma_start3A_291 = arith.constant 0 : i32
        %dma_start3A_292 = tpu.memref_slice %arg3[%add3A_290, %add3A, %dma_start3A_291] : memref<26x32x100000xf32, #tpu.memory_space<hbm>> -> memref<1x1x50048xf32, #tpu.memory_space<hbm>>
        %dma_start3A_293 = tpu.memref_squeeze %dma_start3A_292 : memref<1x1x50048xf32, #tpu.memory_space<hbm>> -> memref<50048xf32, #tpu.memory_space<hbm>>
        %dma_start3A_294 = arith.constant 0 : i32
        %dma_start3A_295 = tpu.memref_slice %arg3[%add3A_290, %add3A, %dma_start3A_294] : memref<26x32x100000xf32, #tpu.memory_space<hbm>> -> memref<1x1x50048xf32, #tpu.memory_space<hbm>>
        %dma_start3A_296 = tpu.memref_squeeze %dma_start3A_295 : memref<1x1x50048xf32, #tpu.memory_space<hbm>> -> memref<50048xf32, #tpu.memory_space<hbm>>
        tpu.enqueue_dma source(%dma_start3A_296 : memref<50048xf32, #tpu.memory_space<hbm>>) target(%arg5 : memref<50048xf32, #tpu.memory_space<vmem>>) target_semaphore(%arg9 : memref<!tpu.dma_semaphore, #tpu.memory_space<semaphore_mem>>)
      } else {
      }
      %dma_start3A_165 = arith.constant 0 : i32
      %dma_start3A_166 = arith.constant 0 : i32
      %dma_start3A_167 = tpu.memref_slice %arg7[%dma_start3A_165, %dma_start3A_166] : memref<2x4096xi32, #tpu.memory_space<vmem>> -> memref<1x4096xi32, #tpu.memory_space<vmem>>
      %dma_start3A_168 = tpu.memref_squeeze %dma_start3A_167 : memref<1x4096xi32, #tpu.memory_space<vmem>> -> memref<4096xi32, #tpu.memory_space<vmem>>
      %dma_start3A_169 = arith.constant 0 : i32
      %dma_start3A_170 = tpu.memref_slice %arg2[%add3A_21, %dma_start3A_169] : memref<26x16384xi32, #tpu.memory_space<hbm>> -> memref<1x4096xi32, #tpu.memory_space<hbm>>
      %dma_start3A_171 = tpu.memref_squeeze %dma_start3A_170 : memref<1x4096xi32, #tpu.memory_space<hbm>> -> memref<4096xi32, #tpu.memory_space<hbm>>
      %dma_start3A_172 = arith.constant 0 : i32
      %dma_start3A_173 = tpu.memref_slice %arg7[%dma_start3A_165, %dma_start3A_172] : memref<2x4096xi32, #tpu.memory_space<vmem>> -> memref<1x4096xi32, #tpu.memory_space<vmem>>
      %dma_start3A_174 = tpu.memref_squeeze %dma_start3A_173 : memref<1x4096xi32, #tpu.memory_space<vmem>> -> memref<4096xi32, #tpu.memory_space<vmem>>
      %dma_start3A_175 = arith.constant 0 : i32
      %dma_start3A_176 = tpu.memref_slice %arg2[%add3A_21, %dma_start3A_175] : memref<26x16384xi32, #tpu.memory_space<hbm>> -> memref<1x4096xi32, #tpu.memory_space<hbm>>
      %dma_start3A_177 = tpu.memref_squeeze %dma_start3A_176 : memref<1x4096xi32, #tpu.memory_space<hbm>> -> memref<4096xi32, #tpu.memory_space<hbm>>
      tpu.enqueue_dma source(%dma_start3A_177 : memref<4096xi32, #tpu.memory_space<hbm>>) target(%dma_start3A_174 : memref<4096xi32, #tpu.memory_space<vmem>>) target_semaphore(%arg11 : memref<!tpu.dma_semaphore, #tpu.memory_space<semaphore_mem>>)
      %dma_wait3A_178 = arith.constant 0 : i32
      %dma_wait3A_179 = arith.constant 0 : i32
      %dma_wait3A_180 = tpu.memref_slice %arg7[%dma_wait3A_178, %dma_wait3A_179] : memref<2x4096xi32, #tpu.memory_space<vmem>> -> memref<1x4096xi32, #tpu.memory_space<vmem>>
      %dma_wait3A_181 = tpu.memref_squeeze %dma_wait3A_180 : memref<1x4096xi32, #tpu.memory_space<vmem>> -> memref<4096xi32, #tpu.memory_space<vmem>>
      %dma_wait3A_182 = arith.constant 0 : i32
      %dma_wait3A_183 = tpu.memref_slice %arg2[%add3A_21, %dma_wait3A_182] : memref<26x16384xi32, #tpu.memory_space<hbm>> -> memref<1x4096xi32, #tpu.memory_space<hbm>>
      %dma_wait3A_184 = tpu.memref_squeeze %dma_wait3A_183 : memref<1x4096xi32, #tpu.memory_space<hbm>> -> memref<4096xi32, #tpu.memory_space<hbm>>
      %dma_wait3A_185 = arith.constant 0 : i32
      %dma_wait3A_186 = tpu.memref_slice %arg7[%dma_wait3A_178, %dma_wait3A_185] : memref<2x4096xi32, #tpu.memory_space<vmem>> -> memref<1x4096xi32, #tpu.memory_space<vmem>>
      %dma_wait3A_187 = tpu.memref_squeeze %dma_wait3A_186 : memref<1x4096xi32, #tpu.memory_space<vmem>> -> memref<4096xi32, #tpu.memory_space<vmem>>
      %dma_wait3A_188 = arith.constant 0 : i32
      %dma_wait3A_189 = tpu.memref_slice %arg2[%add3A_21, %dma_wait3A_188] : memref<26x16384xi32, #tpu.memory_space<hbm>> -> memref<1x4096xi32, #tpu.memory_space<hbm>>
      %dma_wait3A_190 = tpu.memref_squeeze %dma_wait3A_189 : memref<1x4096xi32, #tpu.memory_space<hbm>> -> memref<4096xi32, #tpu.memory_space<hbm>>
      tpu.wait_dma2 semaphore(%arg11 : memref<!tpu.dma_semaphore, #tpu.memory_space<semaphore_mem>>) src(%dma_wait3A_190 : memref<4096xi32, #tpu.memory_space<hbm>>) dst(%dma_wait3A_187 : memref<4096xi32, #tpu.memory_space<vmem>>)
      %dma_start3A_191 = arith.constant 1 : i32
      %dma_start3A_192 = arith.constant 0 : i32
      %dma_start3A_193 = tpu.memref_slice %arg7[%dma_start3A_191, %dma_start3A_192] : memref<2x4096xi32, #tpu.memory_space<vmem>> -> memref<1x4096xi32, #tpu.memory_space<vmem>>
      %dma_start3A_194 = tpu.memref_squeeze %dma_start3A_193 : memref<1x4096xi32, #tpu.memory_space<vmem>> -> memref<4096xi32, #tpu.memory_space<vmem>>
      %dma_start3A_195 = arith.constant 4096 : i32
      %dma_start3A_196 = tpu.memref_slice %arg2[%add3A_21, %dma_start3A_195] : memref<26x16384xi32, #tpu.memory_space<hbm>> -> memref<1x4096xi32, #tpu.memory_space<hbm>>
      %dma_start3A_197 = tpu.memref_squeeze %dma_start3A_196 : memref<1x4096xi32, #tpu.memory_space<hbm>> -> memref<4096xi32, #tpu.memory_space<hbm>>
      %dma_start3A_198 = arith.constant 0 : i32
      %dma_start3A_199 = tpu.memref_slice %arg7[%dma_start3A_191, %dma_start3A_198] : memref<2x4096xi32, #tpu.memory_space<vmem>> -> memref<1x4096xi32, #tpu.memory_space<vmem>>
      %dma_start3A_200 = tpu.memref_squeeze %dma_start3A_199 : memref<1x4096xi32, #tpu.memory_space<vmem>> -> memref<4096xi32, #tpu.memory_space<vmem>>
      %dma_start3A_201 = arith.constant 4096 : i32
      %dma_start3A_202 = tpu.memref_slice %arg2[%add3A_21, %dma_start3A_201] : memref<26x16384xi32, #tpu.memory_space<hbm>> -> memref<1x4096xi32, #tpu.memory_space<hbm>>
      %dma_start3A_203 = tpu.memref_squeeze %dma_start3A_202 : memref<1x4096xi32, #tpu.memory_space<hbm>> -> memref<4096xi32, #tpu.memory_space<hbm>>
      tpu.enqueue_dma source(%dma_start3A_203 : memref<4096xi32, #tpu.memory_space<hbm>>) target(%dma_start3A_200 : memref<4096xi32, #tpu.memory_space<vmem>>) target_semaphore(%arg12 : memref<!tpu.dma_semaphore, #tpu.memory_space<semaphore_mem>>)
      %scan3A_204 = arith.constant 0 : i32
      %scan3A_205 = arith.constant 256 : i32
      %scan3A_206 = arith.addi %scan3A_204, %scan3A_205 : i32
      %scan3A_207 = arith.constant 8 : i32
      scf.for %scan3A_289 = %scan3A_204 to %scan3A_206 step %scan3A_207  : i32 {
        %mul3A_290 = arith.constant 1 : i32
        %mul3A_291 = arith.muli %scan3A_289, %mul3A_290 : i32
        %add3A_292 = arith.constant 0 : i32
        %add3A_293 = arith.addi %add3A_292, %mul3A_291 : i32
        %mul3A_294 = arith.constant 16 : i32
        %mul3A_295 = arith.muli %add3A_293, %mul3A_294 : i32
        %get3A = arith.constant 0 : i32
        %get3A_296 = arith.index_cast %get3A : i32 to index
        %get3A_297 = arith.index_cast %mul3A_295 : i32 to index
        %get3A_298 = tpu.vector_load %arg7[%get3A_296, %get3A_297] {strides = array<i32>} : memref<2x4096xi32, #tpu.memory_space<vmem>>, vector<16xi32>,
        %ge3A = arith.constant 50048 : i32
        %ge3A_299 = vector.broadcast %ge3A : i32 to vector<16xi32>
        %ge3A_300 = arith.cmpi sge, %get3A_298, %ge3A_299 : vector<16xi32>
        %sub3A = arith.constant 50048 : i32
        %sub3A_301 = vector.broadcast %sub3A : i32 to vector<16xi32>
        %sub3A_302 = arith.subi %get3A_298, %sub3A_301 : vector<16xi32>
        %max3A = arith.constant 0 : i32
        %max3A_303 = vector.broadcast %max3A : i32 to vector<16xi32>
        %max3A_304 = arith.maxsi %sub3A_302, %max3A_303 : vector<16xi32>
        %gather3A = tpu.vector_load_idx %arg6[%max3A_304] : memref<49952xf32, #tpu.memory_space<vmem>>[vector<16xi32>], vector<16xf32>,
        %jit3A = arith.constant 0.000000e+00 : f32
        %broadcast_in_dim3A_305 = vector.broadcast %jit3A : f32 to vector<16xf32>
        %select_n3A = arith.select %ge3A_300, %gather3A, %broadcast_in_dim3A_305 : vector<16xi1>, vector<16xf32>
        %mul3A_306 = arith.constant 16 : i32
        %mul3A_307 = arith.muli %add3A_293, %mul3A_306 : i32
        %add3A_308 = arith.constant 0 : i32
        %add3A_309 = arith.addi %add3A_308, %mul3A_307 : i32
        %swap3A = arith.index_cast %add3A_309 : i32 to index
        %swap3A_310 = tpu.vector_load %arg8[%swap3A] {strides = array<i32>} : memref<16384xf32, #tpu.memory_space<vmem>>, vector<16xf32>,
        tpu.vector_store %arg8[%swap3A], %select_n3A {add = true, strides = array<i32>} : memref<16384xf32, #tpu.memory_space<vmem>>, vector<16xf32>,
        %scan3A_311 = arith.constant 1 : i32
        %scan3A_312 = arith.addi %scan3A_289, %scan3A_311 : i32
        %mul3A_313 = arith.constant 1 : i32
        %mul3A_314 = arith.muli %scan3A_312, %mul3A_313 : i32
        %add3A_315 = arith.constant 0 : i32
        %add3A_316 = arith.addi %add3A_315, %mul3A_314 : i32
        %mul3A_317 = arith.constant 16 : i32
        %mul3A_318 = arith.muli %add3A_316, %mul3A_317 : i32
        %get3A_319 = arith.constant 0 : i32
        %get3A_320 = arith.index_cast %get3A_319 : i32 to index
        %get3A_321 = arith.index_cast %mul3A_318 : i32 to index
        %get3A_322 = tpu.vector_load %arg7[%get3A_320, %get3A_321] {strides = array<i32>} : memref<2x4096xi32, #tpu.memory_space<vmem>>, vector<16xi32>,
        %ge3A_323 = arith.constant 50048 : i32
        %ge3A_324 = vector.broadcast %ge3A_323 : i32 to vector<16xi32>
        %ge3A_325 = arith.cmpi sge, %get3A_322, %ge3A_324 : vector<16xi32>
        %sub3A_326 = arith.constant 50048 : i32
        %sub3A_327 = vector.broadcast %sub3A_326 : i32 to vector<16xi32>
        %sub3A_328 = arith.subi %get3A_322, %sub3A_327 : vector<16xi32>
        %max3A_329 = arith.constant 0 : i32
        %max3A_330 = vector.broadcast %max3A_329 : i32 to vector<16xi32>
        %max3A_331 = arith.maxsi %sub3A_328, %max3A_330 : vector<16xi32>
        %gather3A_332 = tpu.vector_load_idx %arg6[%max3A_331] : memref<49952xf32, #tpu.memory_space<vmem>>[vector<16xi32>], vector<16xf32>,
        %jit3A_333 = arith.constant 0.000000e+00 : f32
        %broadcast_in_dim3A_334 = vector.broadcast %jit3A_333 : f32 to vector<16xf32>
        %select_n3A_335 = arith.select %ge3A_325, %gather3A_332, %broadcast_in_dim3A_334 : vector<16xi1>, vector<16xf32>
        %mul3A_336 = arith.constant 16 : i32
        %mul3A_337 = arith.muli %add3A_316, %mul3A_336 : i32
        %add3A_338 = arith.constant 0 : i32
        %add3A_339 = arith.addi %add3A_338, %mul3A_337 : i32
        %swap3A_340 = arith.index_cast %add3A_339 : i32 to index
        %swap3A_341 = tpu.vector_load %arg8[%swap3A_340] {strides = array<i32>} : memref<16384xf32, #tpu.memory_space<vmem>>, vector<16xf32>,
        tpu.vector_store %arg8[%swap3A_340], %select_n3A_335 {add = true, strides = array<i32>} : memref<16384xf32, #tpu.memory_space<vmem>>, vector<16xf32>,
        %scan3A_342 = arith.constant 2 : i32
        %scan3A_343 = arith.addi %scan3A_289, %scan3A_342 : i32
        %mul3A_344 = arith.constant 1 : i32
        %mul3A_345 = arith.muli %scan3A_343, %mul3A_344 : i32
        %add3A_346 = arith.constant 0 : i32
        %add3A_347 = arith.addi %add3A_346, %mul3A_345 : i32
        %mul3A_348 = arith.constant 16 : i32
        %mul3A_349 = arith.muli %add3A_347, %mul3A_348 : i32
        %get3A_350 = arith.constant 0 : i32
        %get3A_351 = arith.index_cast %get3A_350 : i32 to index
        %get3A_352 = arith.index_cast %mul3A_349 : i32 to index
        %get3A_353 = tpu.vector_load %arg7[%get3A_351, %get3A_352] {strides = array<i32>} : memref<2x4096xi32, #tpu.memory_space<vmem>>, vector<16xi32>,
        %ge3A_354 = arith.constant 50048 : i32
        %ge3A_355 = vector.broadcast %ge3A_354 : i32 to vector<16xi32>
        %ge3A_356 = arith.cmpi sge, %get3A_353, %ge3A_355 : vector<16xi32>
        %sub3A_357 = arith.constant 50048 : i32
        %sub3A_358 = vector.broadcast %sub3A_357 : i32 to vector<16xi32>
        %sub3A_359 = arith.subi %get3A_353, %sub3A_358 : vector<16xi32>
        %max3A_360 = arith.constant 0 : i32
        %max3A_361 = vector.broadcast %max3A_360 : i32 to vector<16xi32>
        %max3A_362 = arith.maxsi %sub3A_359, %max3A_361 : vector<16xi32>
        %gather3A_363 = tpu.vector_load_idx %arg6[%max3A_362] : memref<49952xf32, #tpu.memory_space<vmem>>[vector<16xi32>], vector<16xf32>,
        %jit3A_364 = arith.constant 0.000000e+00 : f32
        %broadcast_in_dim3A_365 = vector.broadcast %jit3A_364 : f32 to vector<16xf32>
        %select_n3A_366 = arith.select %ge3A_356, %gather3A_363, %broadcast_in_dim3A_365 : vector<16xi1>, vector<16xf32>
        %mul3A_367 = arith.constant 16 : i32
        %mul3A_368 = arith.muli %add3A_347, %mul3A_367 : i32
        %add3A_369 = arith.constant 0 : i32
        %add3A_370 = arith.addi %add3A_369, %mul3A_368 : i32
        %swap3A_371 = arith.index_cast %add3A_370 : i32 to index
        %swap3A_372 = tpu.vector_load %arg8[%swap3A_371] {strides = array<i32>} : memref<16384xf32, #tpu.memory_space<vmem>>, vector<16xf32>,
        tpu.vector_store %arg8[%swap3A_371], %select_n3A_366 {add = true, strides = array<i32>} : memref<16384xf32, #tpu.memory_space<vmem>>, vector<16xf32>,
        %scan3A_373 = arith.constant 3 : i32
        %scan3A_374 = arith.addi %scan3A_289, %scan3A_373 : i32
        %mul3A_375 = arith.constant 1 : i32
        %mul3A_376 = arith.muli %scan3A_374, %mul3A_375 : i32
        %add3A_377 = arith.constant 0 : i32
        %add3A_378 = arith.addi %add3A_377, %mul3A_376 : i32
        %mul3A_379 = arith.constant 16 : i32
        %mul3A_380 = arith.muli %add3A_378, %mul3A_379 : i32
        %get3A_381 = arith.constant 0 : i32
        %get3A_382 = arith.index_cast %get3A_381 : i32 to index
        %get3A_383 = arith.index_cast %mul3A_380 : i32 to index
        %get3A_384 = tpu.vector_load %arg7[%get3A_382, %get3A_383] {strides = array<i32>} : memref<2x4096xi32, #tpu.memory_space<vmem>>, vector<16xi32>,
        %ge3A_385 = arith.constant 50048 : i32
        %ge3A_386 = vector.broadcast %ge3A_385 : i32 to vector<16xi32>
        %ge3A_387 = arith.cmpi sge, %get3A_384, %ge3A_386 : vector<16xi32>
        %sub3A_388 = arith.constant 50048 : i32
        %sub3A_389 = vector.broadcast %sub3A_388 : i32 to vector<16xi32>
        %sub3A_390 = arith.subi %get3A_384, %sub3A_389 : vector<16xi32>
        %max3A_391 = arith.constant 0 : i32
        %max3A_392 = vector.broadcast %max3A_391 : i32 to vector<16xi32>
        %max3A_393 = arith.maxsi %sub3A_390, %max3A_392 : vector<16xi32>
        %gather3A_394 = tpu.vector_load_idx %arg6[%max3A_393] : memref<49952xf32, #tpu.memory_space<vmem>>[vector<16xi32>], vector<16xf32>,
        %jit3A_395 = arith.constant 0.000000e+00 : f32
        %broadcast_in_dim3A_396 = vector.broadcast %jit3A_395 : f32 to vector<16xf32>
        %select_n3A_397 = arith.select %ge3A_387, %gather3A_394, %broadcast_in_dim3A_396 : vector<16xi1>, vector<16xf32>
        %mul3A_398 = arith.constant 16 : i32
        %mul3A_399 = arith.muli %add3A_378, %mul3A_398 : i32
        %add3A_400 = arith.constant 0 : i32
        %add3A_401 = arith.addi %add3A_400, %mul3A_399 : i32
        %swap3A_402 = arith.index_cast %add3A_401 : i32 to index
        %swap3A_403 = tpu.vector_load %arg8[%swap3A_402] {strides = array<i32>} : memref<16384xf32, #tpu.memory_space<vmem>>, vector<16xf32>,
        tpu.vector_store %arg8[%swap3A_402], %select_n3A_397 {add = true, strides = array<i32>} : memref<16384xf32, #tpu.memory_space<vmem>>, vector<16xf32>,
        %scan3A_404 = arith.constant 4 : i32
        %scan3A_405 = arith.addi %scan3A_289, %scan3A_404 : i32
        %mul3A_406 = arith.constant 1 : i32
        %mul3A_407 = arith.muli %scan3A_405, %mul3A_406 : i32
        %add3A_408 = arith.constant 0 : i32
        %add3A_409 = arith.addi %add3A_408, %mul3A_407 : i32
        %mul3A_410 = arith.constant 16 : i32
        %mul3A_411 = arith.muli %add3A_409, %mul3A_410 : i32
        %get3A_412 = arith.constant 0 : i32
        %get3A_413 = arith.index_cast %get3A_412 : i32 to index
        %get3A_414 = arith.index_cast %mul3A_411 : i32 to index
        %get3A_415 = tpu.vector_load %arg7[%get3A_413, %get3A_414] {strides = array<i32>} : memref<2x4096xi32, #tpu.memory_space<vmem>>, vector<16xi32>,
        %ge3A_416 = arith.constant 50048 : i32
        %ge3A_417 = vector.broadcast %ge3A_416 : i32 to vector<16xi32>
        %ge3A_418 = arith.cmpi sge, %get3A_415, %ge3A_417 : vector<16xi32>
        %sub3A_419 = arith.constant 50048 : i32
        %sub3A_420 = vector.broadcast %sub3A_419 : i32 to vector<16xi32>
        %sub3A_421 = arith.subi %get3A_415, %sub3A_420 : vector<16xi32>
        %max3A_422 = arith.constant 0 : i32
        %max3A_423 = vector.broadcast %max3A_422 : i32 to vector<16xi32>
        %max3A_424 = arith.maxsi %sub3A_421, %max3A_423 : vector<16xi32>
        %gather3A_425 = tpu.vector_load_idx %arg6[%max3A_424] : memref<49952xf32, #tpu.memory_space<vmem>>[vector<16xi32>], vector<16xf32>,
        %jit3A_426 = arith.constant 0.000000e+00 : f32
        %broadcast_in_dim3A_427 = vector.broadcast %jit3A_426 : f32 to vector<16xf32>
        %select_n3A_428 = arith.select %ge3A_418, %gather3A_425, %broadcast_in_dim3A_427 : vector<16xi1>, vector<16xf32>
        %mul3A_429 = arith.constant 16 : i32
        %mul3A_430 = arith.muli %add3A_409, %mul3A_429 : i32
        %add3A_431 = arith.constant 0 : i32
        %add3A_432 = arith.addi %add3A_431, %mul3A_430 : i32
        %swap3A_433 = arith.index_cast %add3A_432 : i32 to index
        %swap3A_434 = tpu.vector_load %arg8[%swap3A_433] {strides = array<i32>} : memref<16384xf32, #tpu.memory_space<vmem>>, vector<16xf32>,
        tpu.vector_store %arg8[%swap3A_433], %select_n3A_428 {add = true, strides = array<i32>} : memref<16384xf32, #tpu.memory_space<vmem>>, vector<16xf32>,
        %scan3A_435 = arith.constant 5 : i32
        %scan3A_436 = arith.addi %scan3A_289, %scan3A_435 : i32
        %mul3A_437 = arith.constant 1 : i32
        %mul3A_438 = arith.muli %scan3A_436, %mul3A_437 : i32
        %add3A_439 = arith.constant 0 : i32
        %add3A_440 = arith.addi %add3A_439, %mul3A_438 : i32
        %mul3A_441 = arith.constant 16 : i32
        %mul3A_442 = arith.muli %add3A_440, %mul3A_441 : i32
        %get3A_443 = arith.constant 0 : i32
        %get3A_444 = arith.index_cast %get3A_443 : i32 to index
        %get3A_445 = arith.index_cast %mul3A_442 : i32 to index
        %get3A_446 = tpu.vector_load %arg7[%get3A_444, %get3A_445] {strides = array<i32>} : memref<2x4096xi32, #tpu.memory_space<vmem>>, vector<16xi32>,
        %ge3A_447 = arith.constant 50048 : i32
        %ge3A_448 = vector.broadcast %ge3A_447 : i32 to vector<16xi32>
        %ge3A_449 = arith.cmpi sge, %get3A_446, %ge3A_448 : vector<16xi32>
        %sub3A_450 = arith.constant 50048 : i32
        %sub3A_451 = vector.broadcast %sub3A_450 : i32 to vector<16xi32>
        %sub3A_452 = arith.subi %get3A_446, %sub3A_451 : vector<16xi32>
        %max3A_453 = arith.constant 0 : i32
        %max3A_454 = vector.broadcast %max3A_453 : i32 to vector<16xi32>
        %max3A_455 = arith.maxsi %sub3A_452, %max3A_454 : vector<16xi32>
        %gather3A_456 = tpu.vector_load_idx %arg6[%max3A_455] : memref<49952xf32, #tpu.memory_space<vmem>>[vector<16xi32>], vector<16xf32>,
        %jit3A_457 = arith.constant 0.000000e+00 : f32
        %broadcast_in_dim3A_458 = vector.broadcast %jit3A_457 : f32 to vector<16xf32>
        %select_n3A_459 = arith.select %ge3A_449, %gather3A_456, %broadcast_in_dim3A_458 : vector<16xi1>, vector<16xf32>
        %mul3A_460 = arith.constant 16 : i32
        %mul3A_461 = arith.muli %add3A_440, %mul3A_460 : i32
        %add3A_462 = arith.constant 0 : i32
        %add3A_463 = arith.addi %add3A_462, %mul3A_461 : i32
        %swap3A_464 = arith.index_cast %add3A_463 : i32 to index
        %swap3A_465 = tpu.vector_load %arg8[%swap3A_464] {strides = array<i32>} : memref<16384xf32, #tpu.memory_space<vmem>>, vector<16xf32>,
        tpu.vector_store %arg8[%swap3A_464], %select_n3A_459 {add = true, strides = array<i32>} : memref<16384xf32, #tpu.memory_space<vmem>>, vector<16xf32>,
        %scan3A_466 = arith.constant 6 : i32
        %scan3A_467 = arith.addi %scan3A_289, %scan3A_466 : i32
        %mul3A_468 = arith.constant 1 : i32
        %mul3A_469 = arith.muli %scan3A_467, %mul3A_468 : i32
        %add3A_470 = arith.constant 0 : i32
        %add3A_471 = arith.addi %add3A_470, %mul3A_469 : i32
        %mul3A_472 = arith.constant 16 : i32
        %mul3A_473 = arith.muli %add3A_471, %mul3A_472 : i32
        %get3A_474 = arith.constant 0 : i32
        %get3A_475 = arith.index_cast %get3A_474 : i32 to index
        %get3A_476 = arith.index_cast %mul3A_473 : i32 to index
        %get3A_477 = tpu.vector_load %arg7[%get3A_475, %get3A_476] {strides = array<i32>} : memref<2x4096xi32, #tpu.memory_space<vmem>>, vector<16xi32>,
        %ge3A_478 = arith.constant 50048 : i32
        %ge3A_479 = vector.broadcast %ge3A_478 : i32 to vector<16xi32>
        %ge3A_480 = arith.cmpi sge, %get3A_477, %ge3A_479 : vector<16xi32>
        %sub3A_481 = arith.constant 50048 : i32
        %sub3A_482 = vector.broadcast %sub3A_481 : i32 to vector<16xi32>
        %sub3A_483 = arith.subi %get3A_477, %sub3A_482 : vector<16xi32>
        %max3A_484 = arith.constant 0 : i32
        %max3A_485 = vector.broadcast %max3A_484 : i32 to vector<16xi32>
        %max3A_486 = arith.maxsi %sub3A_483, %max3A_485 : vector<16xi32>
        %gather3A_487 = tpu.vector_load_idx %arg6[%max3A_486] : memref<49952xf32, #tpu.memory_space<vmem>>[vector<16xi32>], vector<16xf32>,
        %jit3A_488 = arith.constant 0.000000e+00 : f32
        %broadcast_in_dim3A_489 = vector.broadcast %jit3A_488 : f32 to vector<16xf32>
        %select_n3A_490 = arith.select %ge3A_480, %gather3A_487, %broadcast_in_dim3A_489 : vector<16xi1>, vector<16xf32>
        %mul3A_491 = arith.constant 16 : i32
        %mul3A_492 = arith.muli %add3A_471, %mul3A_491 : i32
        %add3A_493 = arith.constant 0 : i32
        %add3A_494 = arith.addi %add3A_493, %mul3A_492 : i32
        %swap3A_495 = arith.index_cast %add3A_494 : i32 to index
        %swap3A_496 = tpu.vector_load %arg8[%swap3A_495] {strides = array<i32>} : memref<16384xf32, #tpu.memory_space<vmem>>, vector<16xf32>,
        tpu.vector_store %arg8[%swap3A_495], %select_n3A_490 {add = true, strides = array<i32>} : memref<16384xf32, #tpu.memory_space<vmem>>, vector<16xf32>,
        %scan3A_497 = arith.constant 7 : i32
        %scan3A_498 = arith.addi %scan3A_289, %scan3A_497 : i32
        %mul3A_499 = arith.constant 1 : i32
        %mul3A_500 = arith.muli %scan3A_498, %mul3A_499 : i32
        %add3A_501 = arith.constant 0 : i32
        %add3A_502 = arith.addi %add3A_501, %mul3A_500 : i32
        %mul3A_503 = arith.constant 16 : i32
        %mul3A_504 = arith.muli %add3A_502, %mul3A_503 : i32
        %get3A_505 = arith.constant 0 : i32
        %get3A_506 = arith.index_cast %get3A_505 : i32 to index
        %get3A_507 = arith.index_cast %mul3A_504 : i32 to index
        %get3A_508 = tpu.vector_load %arg7[%get3A_506, %get3A_507] {strides = array<i32>} : memref<2x4096xi32, #tpu.memory_space<vmem>>, vector<16xi32>,
        %ge3A_509 = arith.constant 50048 : i32
        %ge3A_510 = vector.broadcast %ge3A_509 : i32 to vector<16xi32>
        %ge3A_511 = arith.cmpi sge, %get3A_508, %ge3A_510 : vector<16xi32>
        %sub3A_512 = arith.constant 50048 : i32
        %sub3A_513 = vector.broadcast %sub3A_512 : i32 to vector<16xi32>
        %sub3A_514 = arith.subi %get3A_508, %sub3A_513 : vector<16xi32>
        %max3A_515 = arith.constant 0 : i32
        %max3A_516 = vector.broadcast %max3A_515 : i32 to vector<16xi32>
        %max3A_517 = arith.maxsi %sub3A_514, %max3A_516 : vector<16xi32>
        %gather3A_518 = tpu.vector_load_idx %arg6[%max3A_517] : memref<49952xf32, #tpu.memory_space<vmem>>[vector<16xi32>], vector<16xf32>,
        %jit3A_519 = arith.constant 0.000000e+00 : f32
        %broadcast_in_dim3A_520 = vector.broadcast %jit3A_519 : f32 to vector<16xf32>
        %select_n3A_521 = arith.select %ge3A_511, %gather3A_518, %broadcast_in_dim3A_520 : vector<16xi1>, vector<16xf32>
        %mul3A_522 = arith.constant 16 : i32
        %mul3A_523 = arith.muli %add3A_502, %mul3A_522 : i32
        %add3A_524 = arith.constant 0 : i32
        %add3A_525 = arith.addi %add3A_524, %mul3A_523 : i32
        %swap3A_526 = arith.index_cast %add3A_525 : i32 to index
        %swap3A_527 = tpu.vector_load %arg8[%swap3A_526] {strides = array<i32>} : memref<16384xf32, #tpu.memory_space<vmem>>, vector<16xf32>,
        tpu.vector_store %arg8[%swap3A_526], %select_n3A_521 {add = true, strides = array<i32>} : memref<16384xf32, #tpu.memory_space<vmem>>, vector<16xf32>,
      }
      %scan3A_208 = arith.constant 256 : i32
      %dma_wait3A_209 = arith.constant 1 : i32
      %dma_wait3A_210 = arith.constant 0 : i32
      %dma_wait3A_211 = tpu.memref_slice %arg7[%dma_wait3A_209, %dma_wait3A_210] : memref<2x4096xi32, #tpu.memory_space<vmem>> -> memref<1x4096xi32, #tpu.memory_space<vmem>>
      %dma_wait3A_212 = tpu.memref_squeeze %dma_wait3A_211 : memref<1x4096xi32, #tpu.memory_space<vmem>> -> memref<4096xi32, #tpu.memory_space<vmem>>
      %dma_wait3A_213 = arith.constant 4096 : i32
      %dma_wait3A_214 = tpu.memref_slice %arg2[%add3A_21, %dma_wait3A_213] : memref<26x16384xi32, #tpu.memory_space<hbm>> -> memref<1x4096xi32, #tpu.memory_space<hbm>>
      %dma_wait3A_215 = tpu.memref_squeeze %dma_wait3A_214 : memref<1x4096xi32, #tpu.memory_space<hbm>> -> memref<4096xi32, #tpu.memory_space<hbm>>
      %dma_wait3A_216 = arith.constant 0 : i32
      %dma_wait3A_217 = tpu.memref_slice %arg7[%dma_wait3A_209, %dma_wait3A_216] : memref<2x4096xi32, #tpu.memory_space<vmem>> -> memref<1x4096xi32, #tpu.memory_space<vmem>>
      %dma_wait3A_218 = tpu.memref_squeeze %dma_wait3A_217 : memref<1x4096xi32, #tpu.memory_space<vmem>> -> memref<4096xi32, #tpu.memory_space<vmem>>
      %dma_wait3A_219 = arith.constant 4096 : i32
      %dma_wait3A_220 = tpu.memref_slice %arg2[%add3A_21, %dma_wait3A_219] : memref<26x16384xi32, #tpu.memory_space<hbm>> -> memref<1x4096xi32, #tpu.memory_space<hbm>>
      %dma_wait3A_221 = tpu.memref_squeeze %dma_wait3A_220 : memref<1x4096xi32, #tpu.memory_space<hbm>> -> memref<4096xi32, #tpu.memory_space<hbm>>
      tpu.wait_dma2 semaphore(%arg12 : memref<!tpu.dma_semaphore, #tpu.memory_space<semaphore_mem>>) src(%dma_wait3A_221 : memref<4096xi32, #tpu.memory_space<hbm>>) dst(%dma_wait3A_218 : memref<4096xi32, #tpu.memory_space<vmem>>)
      %dma_start3A_222 = arith.constant 0 : i32
      %dma_start3A_223 = arith.constant 0 : i32
      %dma_start3A_224 = tpu.memref_slice %arg7[%dma_start3A_222, %dma_start3A_223] : memref<2x4096xi32, #tpu.memory_space<vmem>> -> memref<1x4096xi32, #tpu.memory_space<vmem>>
      %dma_start3A_225 = tpu.memref_squeeze %dma_start3A_224 : memref<1x4096xi32, #tpu.memory_space<vmem>> -> memref<4096xi32, #tpu.memory_space<vmem>>
      %dma_start3A_226 = arith.constant 8192 : i32
      %dma_start3A_227 = tpu.memref_slice %arg2[%add3A_21, %dma_start3A_226] : memref<26x16384xi32, #tpu.memory_space<hbm>> -> memref<1x4096xi32, #tpu.memory_space<hbm>>
      %dma_start3A_228 = tpu.memref_squeeze %dma_start3A_227 : memref<1x4096xi32, #tpu.memory_space<hbm>> -> memref<4096xi32, #tpu.memory_space<hbm>>
      %dma_start3A_229 = arith.constant 0 : i32
      %dma_start3A_230 = tpu.memref_slice %arg7[%dma_start3A_222, %dma_start3A_229] : memref<2x4096xi32, #tpu.memory_space<vmem>> -> memref<1x4096xi32, #tpu.memory_space<vmem>>
      %dma_start3A_231 = tpu.memref_squeeze %dma_start3A_230 : memref<1x4096xi32, #tpu.memory_space<vmem>> -> memref<4096xi32, #tpu.memory_space<vmem>>
      %dma_start3A_232 = arith.constant 8192 : i32
      %dma_start3A_233 = tpu.memref_slice %arg2[%add3A_21, %dma_start3A_232] : memref<26x16384xi32, #tpu.memory_space<hbm>> -> memref<1x4096xi32, #tpu.memory_space<hbm>>
      %dma_start3A_234 = tpu.memref_squeeze %dma_start3A_233 : memref<1x4096xi32, #tpu.memory_space<hbm>> -> memref<4096xi32, #tpu.memory_space<hbm>>
      tpu.enqueue_dma source(%dma_start3A_234 : memref<4096xi32, #tpu.memory_space<hbm>>) target(%dma_start3A_231 : memref<4096xi32, #tpu.memory_space<vmem>>) target_semaphore(%arg11 : memref<!tpu.dma_semaphore, #tpu.memory_space<semaphore_mem>>)
      %scan3A_235 = arith.constant 0 : i32
      %scan3A_236 = arith.constant 256 : i32
      %scan3A_237 = arith.addi %scan3A_235, %scan3A_236 : i32
      %scan3A_238 = arith.constant 8 : i32
      scf.for %scan3A_289 = %scan3A_235 to %scan3A_237 step %scan3A_238  : i32 {
        %mul3A_290 = arith.constant 1 : i32
        %mul3A_291 = arith.muli %scan3A_289, %mul3A_290 : i32
        %add3A_292 = arith.constant 0 : i32
        %add3A_293 = arith.addi %add3A_292, %mul3A_291 : i32
        %mul3A_294 = arith.constant 16 : i32
        %mul3A_295 = arith.muli %add3A_293, %mul3A_294 : i32
        %get3A = arith.constant 1 : i32
        %get3A_296 = arith.index_cast %get3A : i32 to index
        %get3A_297 = arith.index_cast %mul3A_295 : i32 to index
        %get3A_298 = tpu.vector_load %arg7[%get3A_296, %get3A_297] {strides = array<i32>} : memref<2x4096xi32, #tpu.memory_space<vmem>>, vector<16xi32>,
        %ge3A = arith.constant 50048 : i32
        %ge3A_299 = vector.broadcast %ge3A : i32 to vector<16xi32>
        %ge3A_300 = arith.cmpi sge, %get3A_298, %ge3A_299 : vector<16xi32>
        %sub3A = arith.constant 50048 : i32
        %sub3A_301 = vector.broadcast %sub3A : i32 to vector<16xi32>
        %sub3A_302 = arith.subi %get3A_298, %sub3A_301 : vector<16xi32>
        %max3A = arith.constant 0 : i32
        %max3A_303 = vector.broadcast %max3A : i32 to vector<16xi32>
        %max3A_304 = arith.maxsi %sub3A_302, %max3A_303 : vector<16xi32>
        %gather3A = tpu.vector_load_idx %arg6[%max3A_304] : memref<49952xf32, #tpu.memory_space<vmem>>[vector<16xi32>], vector<16xf32>,
        %jit3A = arith.constant 0.000000e+00 : f32
        %broadcast_in_dim3A_305 = vector.broadcast %jit3A : f32 to vector<16xf32>
        %select_n3A = arith.select %ge3A_300, %gather3A, %broadcast_in_dim3A_305 : vector<16xi1>, vector<16xf32>
        %mul3A_306 = arith.constant 16 : i32
        %mul3A_307 = arith.muli %add3A_293, %mul3A_306 : i32
        %add3A_308 = arith.constant 4096 : i32
        %add3A_309 = arith.addi %add3A_308, %mul3A_307 : i32
        %swap3A = arith.index_cast %add3A_309 : i32 to index
        %swap3A_310 = tpu.vector_load %arg8[%swap3A] {strides = array<i32>} : memref<16384xf32, #tpu.memory_space<vmem>>, vector<16xf32>,
        tpu.vector_store %arg8[%swap3A], %select_n3A {add = true, strides = array<i32>} : memref<16384xf32, #tpu.memory_space<vmem>>, vector<16xf32>,
        %scan3A_311 = arith.constant 1 : i32
        %scan3A_312 = arith.addi %scan3A_289, %scan3A_311 : i32
        %mul3A_313 = arith.constant 1 : i32
        %mul3A_314 = arith.muli %scan3A_312, %mul3A_313 : i32
        %add3A_315 = arith.constant 0 : i32
        %add3A_316 = arith.addi %add3A_315, %mul3A_314 : i32
        %mul3A_317 = arith.constant 16 : i32
        %mul3A_318 = arith.muli %add3A_316, %mul3A_317 : i32
        %get3A_319 = arith.constant 1 : i32
        %get3A_320 = arith.index_cast %get3A_319 : i32 to index
        %get3A_321 = arith.index_cast %mul3A_318 : i32 to index
        %get3A_322 = tpu.vector_load %arg7[%get3A_320, %get3A_321] {strides = array<i32>} : memref<2x4096xi32, #tpu.memory_space<vmem>>, vector<16xi32>,
        %ge3A_323 = arith.constant 50048 : i32
        %ge3A_324 = vector.broadcast %ge3A_323 : i32 to vector<16xi32>
        %ge3A_325 = arith.cmpi sge, %get3A_322, %ge3A_324 : vector<16xi32>
        %sub3A_326 = arith.constant 50048 : i32
        %sub3A_327 = vector.broadcast %sub3A_326 : i32 to vector<16xi32>
        %sub3A_328 = arith.subi %get3A_322, %sub3A_327 : vector<16xi32>
        %max3A_329 = arith.constant 0 : i32
        %max3A_330 = vector.broadcast %max3A_329 : i32 to vector<16xi32>
        %max3A_331 = arith.maxsi %sub3A_328, %max3A_330 : vector<16xi32>
        %gather3A_332 = tpu.vector_load_idx %arg6[%max3A_331] : memref<49952xf32, #tpu.memory_space<vmem>>[vector<16xi32>], vector<16xf32>,
        %jit3A_333 = arith.constant 0.000000e+00 : f32
        %broadcast_in_dim3A_334 = vector.broadcast %jit3A_333 : f32 to vector<16xf32>
        %select_n3A_335 = arith.select %ge3A_325, %gather3A_332, %broadcast_in_dim3A_334 : vector<16xi1>, vector<16xf32>
        %mul3A_336 = arith.constant 16 : i32
        %mul3A_337 = arith.muli %add3A_316, %mul3A_336 : i32
        %add3A_338 = arith.constant 4096 : i32
        %add3A_339 = arith.addi %add3A_338, %mul3A_337 : i32
        %swap3A_340 = arith.index_cast %add3A_339 : i32 to index
        %swap3A_341 = tpu.vector_load %arg8[%swap3A_340] {strides = array<i32>} : memref<16384xf32, #tpu.memory_space<vmem>>, vector<16xf32>,
        tpu.vector_store %arg8[%swap3A_340], %select_n3A_335 {add = true, strides = array<i32>} : memref<16384xf32, #tpu.memory_space<vmem>>, vector<16xf32>,
        %scan3A_342 = arith.constant 2 : i32
        %scan3A_343 = arith.addi %scan3A_289, %scan3A_342 : i32
        %mul3A_344 = arith.constant 1 : i32
        %mul3A_345 = arith.muli %scan3A_343, %mul3A_344 : i32
        %add3A_346 = arith.constant 0 : i32
        %add3A_347 = arith.addi %add3A_346, %mul3A_345 : i32
        %mul3A_348 = arith.constant 16 : i32
        %mul3A_349 = arith.muli %add3A_347, %mul3A_348 : i32
        %get3A_350 = arith.constant 1 : i32
        %get3A_351 = arith.index_cast %get3A_350 : i32 to index
        %get3A_352 = arith.index_cast %mul3A_349 : i32 to index
        %get3A_353 = tpu.vector_load %arg7[%get3A_351, %get3A_352] {strides = array<i32>} : memref<2x4096xi32, #tpu.memory_space<vmem>>, vector<16xi32>,
        %ge3A_354 = arith.constant 50048 : i32
        %ge3A_355 = vector.broadcast %ge3A_354 : i32 to vector<16xi32>
        %ge3A_356 = arith.cmpi sge, %get3A_353, %ge3A_355 : vector<16xi32>
        %sub3A_357 = arith.constant 50048 : i32
        %sub3A_358 = vector.broadcast %sub3A_357 : i32 to vector<16xi32>
        %sub3A_359 = arith.subi %get3A_353, %sub3A_358 : vector<16xi32>
        %max3A_360 = arith.constant 0 : i32
        %max3A_361 = vector.broadcast %max3A_360 : i32 to vector<16xi32>
        %max3A_362 = arith.maxsi %sub3A_359, %max3A_361 : vector<16xi32>
        %gather3A_363 = tpu.vector_load_idx %arg6[%max3A_362] : memref<49952xf32, #tpu.memory_space<vmem>>[vector<16xi32>], vector<16xf32>,
        %jit3A_364 = arith.constant 0.000000e+00 : f32
        %broadcast_in_dim3A_365 = vector.broadcast %jit3A_364 : f32 to vector<16xf32>
        %select_n3A_366 = arith.select %ge3A_356, %gather3A_363, %broadcast_in_dim3A_365 : vector<16xi1>, vector<16xf32>
        %mul3A_367 = arith.constant 16 : i32
        %mul3A_368 = arith.muli %add3A_347, %mul3A_367 : i32
        %add3A_369 = arith.constant 4096 : i32
        %add3A_370 = arith.addi %add3A_369, %mul3A_368 : i32
        %swap3A_371 = arith.index_cast %add3A_370 : i32 to index
        %swap3A_372 = tpu.vector_load %arg8[%swap3A_371] {strides = array<i32>} : memref<16384xf32, #tpu.memory_space<vmem>>, vector<16xf32>,
        tpu.vector_store %arg8[%swap3A_371], %select_n3A_366 {add = true, strides = array<i32>} : memref<16384xf32, #tpu.memory_space<vmem>>, vector<16xf32>,
        %scan3A_373 = arith.constant 3 : i32
        %scan3A_374 = arith.addi %scan3A_289, %scan3A_373 : i32
        %mul3A_375 = arith.constant 1 : i32
        %mul3A_376 = arith.muli %scan3A_374, %mul3A_375 : i32
        %add3A_377 = arith.constant 0 : i32
        %add3A_378 = arith.addi %add3A_377, %mul3A_376 : i32
        %mul3A_379 = arith.constant 16 : i32
        %mul3A_380 = arith.muli %add3A_378, %mul3A_379 : i32
        %get3A_381 = arith.constant 1 : i32
        %get3A_382 = arith.index_cast %get3A_381 : i32 to index
        %get3A_383 = arith.index_cast %mul3A_380 : i32 to index
        %get3A_384 = tpu.vector_load %arg7[%get3A_382, %get3A_383] {strides = array<i32>} : memref<2x4096xi32, #tpu.memory_space<vmem>>, vector<16xi32>,
        %ge3A_385 = arith.constant 50048 : i32
        %ge3A_386 = vector.broadcast %ge3A_385 : i32 to vector<16xi32>
        %ge3A_387 = arith.cmpi sge, %get3A_384, %ge3A_386 : vector<16xi32>
        %sub3A_388 = arith.constant 50048 : i32
        %sub3A_389 = vector.broadcast %sub3A_388 : i32 to vector<16xi32>
        %sub3A_390 = arith.subi %get3A_384, %sub3A_389 : vector<16xi32>
        %max3A_391 = arith.constant 0 : i32
        %max3A_392 = vector.broadcast %max3A_391 : i32 to vector<16xi32>
        %max3A_393 = arith.maxsi %sub3A_390, %max3A_392 : vector<16xi32>
        %gather3A_394 = tpu.vector_load_idx %arg6[%max3A_393] : memref<49952xf32, #tpu.memory_space<vmem>>[vector<16xi32>], vector<16xf32>,
        %jit3A_395 = arith.constant 0.000000e+00 : f32
        %broadcast_in_dim3A_396 = vector.broadcast %jit3A_395 : f32 to vector<16xf32>
        %select_n3A_397 = arith.select %ge3A_387, %gather3A_394, %broadcast_in_dim3A_396 : vector<16xi1>, vector<16xf32>
        %mul3A_398 = arith.constant 16 : i32
        %mul3A_399 = arith.muli %add3A_378, %mul3A_398 : i32
        %add3A_400 = arith.constant 4096 : i32
        %add3A_401 = arith.addi %add3A_400, %mul3A_399 : i32
        %swap3A_402 = arith.index_cast %add3A_401 : i32 to index
        %swap3A_403 = tpu.vector_load %arg8[%swap3A_402] {strides = array<i32>} : memref<16384xf32, #tpu.memory_space<vmem>>, vector<16xf32>,
        tpu.vector_store %arg8[%swap3A_402], %select_n3A_397 {add = true, strides = array<i32>} : memref<16384xf32, #tpu.memory_space<vmem>>, vector<16xf32>,
        %scan3A_404 = arith.constant 4 : i32
        %scan3A_405 = arith.addi %scan3A_289, %scan3A_404 : i32
        %mul3A_406 = arith.constant 1 : i32
        %mul3A_407 = arith.muli %scan3A_405, %mul3A_406 : i32
        %add3A_408 = arith.constant 0 : i32
        %add3A_409 = arith.addi %add3A_408, %mul3A_407 : i32
        %mul3A_410 = arith.constant 16 : i32
        %mul3A_411 = arith.muli %add3A_409, %mul3A_410 : i32
        %get3A_412 = arith.constant 1 : i32
        %get3A_413 = arith.index_cast %get3A_412 : i32 to index
        %get3A_414 = arith.index_cast %mul3A_411 : i32 to index
        %get3A_415 = tpu.vector_load %arg7[%get3A_413, %get3A_414] {strides = array<i32>} : memref<2x4096xi32, #tpu.memory_space<vmem>>, vector<16xi32>,
        %ge3A_416 = arith.constant 50048 : i32
        %ge3A_417 = vector.broadcast %ge3A_416 : i32 to vector<16xi32>
        %ge3A_418 = arith.cmpi sge, %get3A_415, %ge3A_417 : vector<16xi32>
        %sub3A_419 = arith.constant 50048 : i32
        %sub3A_420 = vector.broadcast %sub3A_419 : i32 to vector<16xi32>
        %sub3A_421 = arith.subi %get3A_415, %sub3A_420 : vector<16xi32>
        %max3A_422 = arith.constant 0 : i32
        %max3A_423 = vector.broadcast %max3A_422 : i32 to vector<16xi32>
        %max3A_424 = arith.maxsi %sub3A_421, %max3A_423 : vector<16xi32>
        %gather3A_425 = tpu.vector_load_idx %arg6[%max3A_424] : memref<49952xf32, #tpu.memory_space<vmem>>[vector<16xi32>], vector<16xf32>,
        %jit3A_426 = arith.constant 0.000000e+00 : f32
        %broadcast_in_dim3A_427 = vector.broadcast %jit3A_426 : f32 to vector<16xf32>
        %select_n3A_428 = arith.select %ge3A_418, %gather3A_425, %broadcast_in_dim3A_427 : vector<16xi1>, vector<16xf32>
        %mul3A_429 = arith.constant 16 : i32
        %mul3A_430 = arith.muli %add3A_409, %mul3A_429 : i32
        %add3A_431 = arith.constant 4096 : i32
        %add3A_432 = arith.addi %add3A_431, %mul3A_430 : i32
        %swap3A_433 = arith.index_cast %add3A_432 : i32 to index
        %swap3A_434 = tpu.vector_load %arg8[%swap3A_433] {strides = array<i32>} : memref<16384xf32, #tpu.memory_space<vmem>>, vector<16xf32>,
        tpu.vector_store %arg8[%swap3A_433], %select_n3A_428 {add = true, strides = array<i32>} : memref<16384xf32, #tpu.memory_space<vmem>>, vector<16xf32>,
        %scan3A_435 = arith.constant 5 : i32
        %scan3A_436 = arith.addi %scan3A_289, %scan3A_435 : i32
        %mul3A_437 = arith.constant 1 : i32
        %mul3A_438 = arith.muli %scan3A_436, %mul3A_437 : i32
        %add3A_439 = arith.constant 0 : i32
        %add3A_440 = arith.addi %add3A_439, %mul3A_438 : i32
        %mul3A_441 = arith.constant 16 : i32
        %mul3A_442 = arith.muli %add3A_440, %mul3A_441 : i32
        %get3A_443 = arith.constant 1 : i32
        %get3A_444 = arith.index_cast %get3A_443 : i32 to index
        %get3A_445 = arith.index_cast %mul3A_442 : i32 to index
        %get3A_446 = tpu.vector_load %arg7[%get3A_444, %get3A_445] {strides = array<i32>} : memref<2x4096xi32, #tpu.memory_space<vmem>>, vector<16xi32>,
        %ge3A_447 = arith.constant 50048 : i32
        %ge3A_448 = vector.broadcast %ge3A_447 : i32 to vector<16xi32>
        %ge3A_449 = arith.cmpi sge, %get3A_446, %ge3A_448 : vector<16xi32>
        %sub3A_450 = arith.constant 50048 : i32
        %sub3A_451 = vector.broadcast %sub3A_450 : i32 to vector<16xi32>
        %sub3A_452 = arith.subi %get3A_446, %sub3A_451 : vector<16xi32>
        %max3A_453 = arith.constant 0 : i32
        %max3A_454 = vector.broadcast %max3A_453 : i32 to vector<16xi32>
        %max3A_455 = arith.maxsi %sub3A_452, %max3A_454 : vector<16xi32>
        %gather3A_456 = tpu.vector_load_idx %arg6[%max3A_455] : memref<49952xf32, #tpu.memory_space<vmem>>[vector<16xi32>], vector<16xf32>,
        %jit3A_457 = arith.constant 0.000000e+00 : f32
        %broadcast_in_dim3A_458 = vector.broadcast %jit3A_457 : f32 to vector<16xf32>
        %select_n3A_459 = arith.select %ge3A_449, %gather3A_456, %broadcast_in_dim3A_458 : vector<16xi1>, vector<16xf32>
        %mul3A_460 = arith.constant 16 : i32
        %mul3A_461 = arith.muli %add3A_440, %mul3A_460 : i32
        %add3A_462 = arith.constant 4096 : i32
        %add3A_463 = arith.addi %add3A_462, %mul3A_461 : i32
        %swap3A_464 = arith.index_cast %add3A_463 : i32 to index
        %swap3A_465 = tpu.vector_load %arg8[%swap3A_464] {strides = array<i32>} : memref<16384xf32, #tpu.memory_space<vmem>>, vector<16xf32>,
        tpu.vector_store %arg8[%swap3A_464], %select_n3A_459 {add = true, strides = array<i32>} : memref<16384xf32, #tpu.memory_space<vmem>>, vector<16xf32>,
        %scan3A_466 = arith.constant 6 : i32
        %scan3A_467 = arith.addi %scan3A_289, %scan3A_466 : i32
        %mul3A_468 = arith.constant 1 : i32
        %mul3A_469 = arith.muli %scan3A_467, %mul3A_468 : i32
        %add3A_470 = arith.constant 0 : i32
        %add3A_471 = arith.addi %add3A_470, %mul3A_469 : i32
        %mul3A_472 = arith.constant 16 : i32
        %mul3A_473 = arith.muli %add3A_471, %mul3A_472 : i32
        %get3A_474 = arith.constant 1 : i32
        %get3A_475 = arith.index_cast %get3A_474 : i32 to index
        %get3A_476 = arith.index_cast %mul3A_473 : i32 to index
        %get3A_477 = tpu.vector_load %arg7[%get3A_475, %get3A_476] {strides = array<i32>} : memref<2x4096xi32, #tpu.memory_space<vmem>>, vector<16xi32>,
        %ge3A_478 = arith.constant 50048 : i32
        %ge3A_479 = vector.broadcast %ge3A_478 : i32 to vector<16xi32>
        %ge3A_480 = arith.cmpi sge, %get3A_477, %ge3A_479 : vector<16xi32>
        %sub3A_481 = arith.constant 50048 : i32
        %sub3A_482 = vector.broadcast %sub3A_481 : i32 to vector<16xi32>
        %sub3A_483 = arith.subi %get3A_477, %sub3A_482 : vector<16xi32>
        %max3A_484 = arith.constant 0 : i32
        %max3A_485 = vector.broadcast %max3A_484 : i32 to vector<16xi32>
        %max3A_486 = arith.maxsi %sub3A_483, %max3A_485 : vector<16xi32>
        %gather3A_487 = tpu.vector_load_idx %arg6[%max3A_486] : memref<49952xf32, #tpu.memory_space<vmem>>[vector<16xi32>], vector<16xf32>,
        %jit3A_488 = arith.constant 0.000000e+00 : f32
        %broadcast_in_dim3A_489 = vector.broadcast %jit3A_488 : f32 to vector<16xf32>
        %select_n3A_490 = arith.select %ge3A_480, %gather3A_487, %broadcast_in_dim3A_489 : vector<16xi1>, vector<16xf32>
        %mul3A_491 = arith.constant 16 : i32
        %mul3A_492 = arith.muli %add3A_471, %mul3A_491 : i32
        %add3A_493 = arith.constant 4096 : i32
        %add3A_494 = arith.addi %add3A_493, %mul3A_492 : i32
        %swap3A_495 = arith.index_cast %add3A_494 : i32 to index
        %swap3A_496 = tpu.vector_load %arg8[%swap3A_495] {strides = array<i32>} : memref<16384xf32, #tpu.memory_space<vmem>>, vector<16xf32>,
        tpu.vector_store %arg8[%swap3A_495], %select_n3A_490 {add = true, strides = array<i32>} : memref<16384xf32, #tpu.memory_space<vmem>>, vector<16xf32>,
        %scan3A_497 = arith.constant 7 : i32
        %scan3A_498 = arith.addi %scan3A_289, %scan3A_497 : i32
        %mul3A_499 = arith.constant 1 : i32
        %mul3A_500 = arith.muli %scan3A_498, %mul3A_499 : i32
        %add3A_501 = arith.constant 0 : i32
        %add3A_502 = arith.addi %add3A_501, %mul3A_500 : i32
        %mul3A_503 = arith.constant 16 : i32
        %mul3A_504 = arith.muli %add3A_502, %mul3A_503 : i32
        %get3A_505 = arith.constant 1 : i32
        %get3A_506 = arith.index_cast %get3A_505 : i32 to index
        %get3A_507 = arith.index_cast %mul3A_504 : i32 to index
        %get3A_508 = tpu.vector_load %arg7[%get3A_506, %get3A_507] {strides = array<i32>} : memref<2x4096xi32, #tpu.memory_space<vmem>>, vector<16xi32>,
        %ge3A_509 = arith.constant 50048 : i32
        %ge3A_510 = vector.broadcast %ge3A_509 : i32 to vector<16xi32>
        %ge3A_511 = arith.cmpi sge, %get3A_508, %ge3A_510 : vector<16xi32>
        %sub3A_512 = arith.constant 50048 : i32
        %sub3A_513 = vector.broadcast %sub3A_512 : i32 to vector<16xi32>
        %sub3A_514 = arith.subi %get3A_508, %sub3A_513 : vector<16xi32>
        %max3A_515 = arith.constant 0 : i32
        %max3A_516 = vector.broadcast %max3A_515 : i32 to vector<16xi32>
        %max3A_517 = arith.maxsi %sub3A_514, %max3A_516 : vector<16xi32>
        %gather3A_518 = tpu.vector_load_idx %arg6[%max3A_517] : memref<49952xf32, #tpu.memory_space<vmem>>[vector<16xi32>], vector<16xf32>,
        %jit3A_519 = arith.constant 0.000000e+00 : f32
        %broadcast_in_dim3A_520 = vector.broadcast %jit3A_519 : f32 to vector<16xf32>
        %select_n3A_521 = arith.select %ge3A_511, %gather3A_518, %broadcast_in_dim3A_520 : vector<16xi1>, vector<16xf32>
        %mul3A_522 = arith.constant 16 : i32
        %mul3A_523 = arith.muli %add3A_502, %mul3A_522 : i32
        %add3A_524 = arith.constant 4096 : i32
        %add3A_525 = arith.addi %add3A_524, %mul3A_523 : i32
        %swap3A_526 = arith.index_cast %add3A_525 : i32 to index
        %swap3A_527 = tpu.vector_load %arg8[%swap3A_526] {strides = array<i32>} : memref<16384xf32, #tpu.memory_space<vmem>>, vector<16xf32>,
        tpu.vector_store %arg8[%swap3A_526], %select_n3A_521 {add = true, strides = array<i32>} : memref<16384xf32, #tpu.memory_space<vmem>>, vector<16xf32>,
      }
      %scan3A_239 = arith.constant 256 : i32
      %dma_wait3A_240 = arith.constant 0 : i32
      %dma_wait3A_241 = arith.constant 0 : i32
      %dma_wait3A_242 = tpu.memref_slice %arg7[%dma_wait3A_240, %dma_wait3A_241] : memref<2x4096xi32, #tpu.memory_space<vmem>> -> memref<1x4096xi32, #tpu.memory_space<vmem>>
      %dma_wait3A_243 = tpu.memref_squeeze %dma_wait3A_242 : memref<1x4096xi32, #tpu.memory_space<vmem>> -> memref<4096xi32, #tpu.memory_space<vmem>>
      %dma_wait3A_244 = arith.constant 8192 : i32
      %dma_wait3A_245 = tpu.memref_slice %arg2[%add3A_21, %dma_wait3A_244] : memref<26x16384xi32, #tpu.memory_space<hbm>> -> memref<1x4096xi32, #tpu.memory_space<hbm>>
      %dma_wait3A_246 = tpu.memref_squeeze %dma_wait3A_245 : memref<1x4096xi32, #tpu.memory_space<hbm>> -> memref<4096xi32, #tpu.memory_space<hbm>>
      %dma_wait3A_247 = arith.constant 0 : i32
      %dma_wait3A_248 = tpu.memref_slice %arg7[%dma_wait3A_240, %dma_wait3A_247] : memref<2x4096xi32, #tpu.memory_space<vmem>> -> memref<1x4096xi32, #tpu.memory_space<vmem>>
      %dma_wait3A_249 = tpu.memref_squeeze %dma_wait3A_248 : memref<1x4096xi32, #tpu.memory_space<vmem>> -> memref<4096xi32, #tpu.memory_space<vmem>>
      %dma_wait3A_250 = arith.constant 8192 : i32
      %dma_wait3A_251 = tpu.memref_slice %arg2[%add3A_21, %dma_wait3A_250] : memref<26x16384xi32, #tpu.memory_space<hbm>> -> memref<1x4096xi32, #tpu.memory_space<hbm>>
      %dma_wait3A_252 = tpu.memref_squeeze %dma_wait3A_251 : memref<1x4096xi32, #tpu.memory_space<hbm>> -> memref<4096xi32, #tpu.memory_space<hbm>>
      tpu.wait_dma2 semaphore(%arg11 : memref<!tpu.dma_semaphore, #tpu.memory_space<semaphore_mem>>) src(%dma_wait3A_252 : memref<4096xi32, #tpu.memory_space<hbm>>) dst(%dma_wait3A_249 : memref<4096xi32, #tpu.memory_space<vmem>>)
      %dma_start3A_253 = arith.constant 1 : i32
      %dma_start3A_254 = arith.constant 0 : i32
      %dma_start3A_255 = tpu.memref_slice %arg7[%dma_start3A_253, %dma_start3A_254] : memref<2x4096xi32, #tpu.memory_space<vmem>> -> memref<1x4096xi32, #tpu.memory_space<vmem>>
      %dma_start3A_256 = tpu.memref_squeeze %dma_start3A_255 : memref<1x4096xi32, #tpu.memory_space<vmem>> -> memref<4096xi32, #tpu.memory_space<vmem>>
      %dma_start3A_257 = arith.constant 12288 : i32
      %dma_start3A_258 = tpu.memref_slice %arg2[%add3A_21, %dma_start3A_257] : memref<26x16384xi32, #tpu.memory_space<hbm>> -> memref<1x4096xi32, #tpu.memory_space<hbm>>
      %dma_start3A_259 = tpu.memref_squeeze %dma_start3A_258 : memref<1x4096xi32, #tpu.memory_space<hbm>> -> memref<4096xi32, #tpu.memory_space<hbm>>
      %dma_start3A_260 = arith.constant 0 : i32
      %dma_start3A_261 = tpu.memref_slice %arg7[%dma_start3A_253, %dma_start3A_260] : memref<2x4096xi32, #tpu.memory_space<vmem>> -> memref<1x4096xi32, #tpu.memory_space<vmem>>
      %dma_start3A_262 = tpu.memref_squeeze %dma_start3A_261 : memref<1x4096xi32, #tpu.memory_space<vmem>> -> memref<4096xi32, #tpu.memory_space<vmem>>
      %dma_start3A_263 = arith.constant 12288 : i32
      %dma_start3A_264 = tpu.memref_slice %arg2[%add3A_21, %dma_start3A_263] : memref<26x16384xi32, #tpu.memory_space<hbm>> -> memref<1x4096xi32, #tpu.memory_space<hbm>>
      %dma_start3A_265 = tpu.memref_squeeze %dma_start3A_264 : memref<1x4096xi32, #tpu.memory_space<hbm>> -> memref<4096xi32, #tpu.memory_space<hbm>>
      tpu.enqueue_dma source(%dma_start3A_265 : memref<4096xi32, #tpu.memory_space<hbm>>) target(%dma_start3A_262 : memref<4096xi32, #tpu.memory_space<vmem>>) target_semaphore(%arg12 : memref<!tpu.dma_semaphore, #tpu.memory_space<semaphore_mem>>)
      %scan3A_266 = arith.constant 0 : i32
      %scan3A_267 = arith.constant 256 : i32
      %scan3A_268 = arith.addi %scan3A_266, %scan3A_267 : i32
      %scan3A_269 = arith.constant 8 : i32
      scf.for %scan3A_289 = %scan3A_266 to %scan3A_268 step %scan3A_269  : i32 {
        %mul3A_290 = arith.constant 1 : i32
        %mul3A_291 = arith.muli %scan3A_289, %mul3A_290 : i32
        %add3A_292 = arith.constant 0 : i32
        %add3A_293 = arith.addi %add3A_292, %mul3A_291 : i32
        %mul3A_294 = arith.constant 16 : i32
        %mul3A_295 = arith.muli %add3A_293, %mul3A_294 : i32
        %get3A = arith.constant 0 : i32
        %get3A_296 = arith.index_cast %get3A : i32 to index
        %get3A_297 = arith.index_cast %mul3A_295 : i32 to index
        %get3A_298 = tpu.vector_load %arg7[%get3A_296, %get3A_297] {strides = array<i32>} : memref<2x4096xi32, #tpu.memory_space<vmem>>, vector<16xi32>,
        %ge3A = arith.constant 50048 : i32
        %ge3A_299 = vector.broadcast %ge3A : i32 to vector<16xi32>
        %ge3A_300 = arith.cmpi sge, %get3A_298, %ge3A_299 : vector<16xi32>
        %sub3A = arith.constant 50048 : i32
        %sub3A_301 = vector.broadcast %sub3A : i32 to vector<16xi32>
        %sub3A_302 = arith.subi %get3A_298, %sub3A_301 : vector<16xi32>
        %max3A = arith.constant 0 : i32
        %max3A_303 = vector.broadcast %max3A : i32 to vector<16xi32>
        %max3A_304 = arith.maxsi %sub3A_302, %max3A_303 : vector<16xi32>
        %gather3A = tpu.vector_load_idx %arg6[%max3A_304] : memref<49952xf32, #tpu.memory_space<vmem>>[vector<16xi32>], vector<16xf32>,
        %jit3A = arith.constant 0.000000e+00 : f32
        %broadcast_in_dim3A_305 = vector.broadcast %jit3A : f32 to vector<16xf32>
        %select_n3A = arith.select %ge3A_300, %gather3A, %broadcast_in_dim3A_305 : vector<16xi1>, vector<16xf32>
        %mul3A_306 = arith.constant 16 : i32
        %mul3A_307 = arith.muli %add3A_293, %mul3A_306 : i32
        %add3A_308 = arith.constant 8192 : i32
        %add3A_309 = arith.addi %add3A_308, %mul3A_307 : i32
        %swap3A = arith.index_cast %add3A_309 : i32 to index
        %swap3A_310 = tpu.vector_load %arg8[%swap3A] {strides = array<i32>} : memref<16384xf32, #tpu.memory_space<vmem>>, vector<16xf32>,
        tpu.vector_store %arg8[%swap3A], %select_n3A {add = true, strides = array<i32>} : memref<16384xf32, #tpu.memory_space<vmem>>, vector<16xf32>,
        %scan3A_311 = arith.constant 1 : i32
        %scan3A_312 = arith.addi %scan3A_289, %scan3A_311 : i32
        %mul3A_313 = arith.constant 1 : i32
        %mul3A_314 = arith.muli %scan3A_312, %mul3A_313 : i32
        %add3A_315 = arith.constant 0 : i32
        %add3A_316 = arith.addi %add3A_315, %mul3A_314 : i32
        %mul3A_317 = arith.constant 16 : i32
        %mul3A_318 = arith.muli %add3A_316, %mul3A_317 : i32
        %get3A_319 = arith.constant 0 : i32
        %get3A_320 = arith.index_cast %get3A_319 : i32 to index
        %get3A_321 = arith.index_cast %mul3A_318 : i32 to index
        %get3A_322 = tpu.vector_load %arg7[%get3A_320, %get3A_321] {strides = array<i32>} : memref<2x4096xi32, #tpu.memory_space<vmem>>, vector<16xi32>,
        %ge3A_323 = arith.constant 50048 : i32
        %ge3A_324 = vector.broadcast %ge3A_323 : i32 to vector<16xi32>
        %ge3A_325 = arith.cmpi sge, %get3A_322, %ge3A_324 : vector<16xi32>
        %sub3A_326 = arith.constant 50048 : i32
        %sub3A_327 = vector.broadcast %sub3A_326 : i32 to vector<16xi32>
        %sub3A_328 = arith.subi %get3A_322, %sub3A_327 : vector<16xi32>
        %max3A_329 = arith.constant 0 : i32
        %max3A_330 = vector.broadcast %max3A_329 : i32 to vector<16xi32>
        %max3A_331 = arith.maxsi %sub3A_328, %max3A_330 : vector<16xi32>
        %gather3A_332 = tpu.vector_load_idx %arg6[%max3A_331] : memref<49952xf32, #tpu.memory_space<vmem>>[vector<16xi32>], vector<16xf32>,
        %jit3A_333 = arith.constant 0.000000e+00 : f32
        %broadcast_in_dim3A_334 = vector.broadcast %jit3A_333 : f32 to vector<16xf32>
        %select_n3A_335 = arith.select %ge3A_325, %gather3A_332, %broadcast_in_dim3A_334 : vector<16xi1>, vector<16xf32>
        %mul3A_336 = arith.constant 16 : i32
        %mul3A_337 = arith.muli %add3A_316, %mul3A_336 : i32
        %add3A_338 = arith.constant 8192 : i32
        %add3A_339 = arith.addi %add3A_338, %mul3A_337 : i32
        %swap3A_340 = arith.index_cast %add3A_339 : i32 to index
        %swap3A_341 = tpu.vector_load %arg8[%swap3A_340] {strides = array<i32>} : memref<16384xf32, #tpu.memory_space<vmem>>, vector<16xf32>,
        tpu.vector_store %arg8[%swap3A_340], %select_n3A_335 {add = true, strides = array<i32>} : memref<16384xf32, #tpu.memory_space<vmem>>, vector<16xf32>,
        %scan3A_342 = arith.constant 2 : i32
        %scan3A_343 = arith.addi %scan3A_289, %scan3A_342 : i32
        %mul3A_344 = arith.constant 1 : i32
        %mul3A_345 = arith.muli %scan3A_343, %mul3A_344 : i32
        %add3A_346 = arith.constant 0 : i32
        %add3A_347 = arith.addi %add3A_346, %mul3A_345 : i32
        %mul3A_348 = arith.constant 16 : i32
        %mul3A_349 = arith.muli %add3A_347, %mul3A_348 : i32
        %get3A_350 = arith.constant 0 : i32
        %get3A_351 = arith.index_cast %get3A_350 : i32 to index
        %get3A_352 = arith.index_cast %mul3A_349 : i32 to index
        %get3A_353 = tpu.vector_load %arg7[%get3A_351, %get3A_352] {strides = array<i32>} : memref<2x4096xi32, #tpu.memory_space<vmem>>, vector<16xi32>,
        %ge3A_354 = arith.constant 50048 : i32
        %ge3A_355 = vector.broadcast %ge3A_354 : i32 to vector<16xi32>
        %ge3A_356 = arith.cmpi sge, %get3A_353, %ge3A_355 : vector<16xi32>
        %sub3A_357 = arith.constant 50048 : i32
        %sub3A_358 = vector.broadcast %sub3A_357 : i32 to vector<16xi32>
        %sub3A_359 = arith.subi %get3A_353, %sub3A_358 : vector<16xi32>
        %max3A_360 = arith.constant 0 : i32
        %max3A_361 = vector.broadcast %max3A_360 : i32 to vector<16xi32>
        %max3A_362 = arith.maxsi %sub3A_359, %max3A_361 : vector<16xi32>
        %gather3A_363 = tpu.vector_load_idx %arg6[%max3A_362] : memref<49952xf32, #tpu.memory_space<vmem>>[vector<16xi32>], vector<16xf32>,
        %jit3A_364 = arith.constant 0.000000e+00 : f32
        %broadcast_in_dim3A_365 = vector.broadcast %jit3A_364 : f32 to vector<16xf32>
        %select_n3A_366 = arith.select %ge3A_356, %gather3A_363, %broadcast_in_dim3A_365 : vector<16xi1>, vector<16xf32>
        %mul3A_367 = arith.constant 16 : i32
        %mul3A_368 = arith.muli %add3A_347, %mul3A_367 : i32
        %add3A_369 = arith.constant 8192 : i32
        %add3A_370 = arith.addi %add3A_369, %mul3A_368 : i32
        %swap3A_371 = arith.index_cast %add3A_370 : i32 to index
        %swap3A_372 = tpu.vector_load %arg8[%swap3A_371] {strides = array<i32>} : memref<16384xf32, #tpu.memory_space<vmem>>, vector<16xf32>,
        tpu.vector_store %arg8[%swap3A_371], %select_n3A_366 {add = true, strides = array<i32>} : memref<16384xf32, #tpu.memory_space<vmem>>, vector<16xf32>,
        %scan3A_373 = arith.constant 3 : i32
        %scan3A_374 = arith.addi %scan3A_289, %scan3A_373 : i32
        %mul3A_375 = arith.constant 1 : i32
        %mul3A_376 = arith.muli %scan3A_374, %mul3A_375 : i32
        %add3A_377 = arith.constant 0 : i32
        %add3A_378 = arith.addi %add3A_377, %mul3A_376 : i32
        %mul3A_379 = arith.constant 16 : i32
        %mul3A_380 = arith.muli %add3A_378, %mul3A_379 : i32
        %get3A_381 = arith.constant 0 : i32
        %get3A_382 = arith.index_cast %get3A_381 : i32 to index
        %get3A_383 = arith.index_cast %mul3A_380 : i32 to index
        %get3A_384 = tpu.vector_load %arg7[%get3A_382, %get3A_383] {strides = array<i32>} : memref<2x4096xi32, #tpu.memory_space<vmem>>, vector<16xi32>,
        %ge3A_385 = arith.constant 50048 : i32
        %ge3A_386 = vector.broadcast %ge3A_385 : i32 to vector<16xi32>
        %ge3A_387 = arith.cmpi sge, %get3A_384, %ge3A_386 : vector<16xi32>
        %sub3A_388 = arith.constant 50048 : i32
        %sub3A_389 = vector.broadcast %sub3A_388 : i32 to vector<16xi32>
        %sub3A_390 = arith.subi %get3A_384, %sub3A_389 : vector<16xi32>
        %max3A_391 = arith.constant 0 : i32
        %max3A_392 = vector.broadcast %max3A_391 : i32 to vector<16xi32>
        %max3A_393 = arith.maxsi %sub3A_390, %max3A_392 : vector<16xi32>
        %gather3A_394 = tpu.vector_load_idx %arg6[%max3A_393] : memref<49952xf32, #tpu.memory_space<vmem>>[vector<16xi32>], vector<16xf32>,
        %jit3A_395 = arith.constant 0.000000e+00 : f32
        %broadcast_in_dim3A_396 = vector.broadcast %jit3A_395 : f32 to vector<16xf32>
        %select_n3A_397 = arith.select %ge3A_387, %gather3A_394, %broadcast_in_dim3A_396 : vector<16xi1>, vector<16xf32>
        %mul3A_398 = arith.constant 16 : i32
        %mul3A_399 = arith.muli %add3A_378, %mul3A_398 : i32
        %add3A_400 = arith.constant 8192 : i32
        %add3A_401 = arith.addi %add3A_400, %mul3A_399 : i32
        %swap3A_402 = arith.index_cast %add3A_401 : i32 to index
        %swap3A_403 = tpu.vector_load %arg8[%swap3A_402] {strides = array<i32>} : memref<16384xf32, #tpu.memory_space<vmem>>, vector<16xf32>,
        tpu.vector_store %arg8[%swap3A_402], %select_n3A_397 {add = true, strides = array<i32>} : memref<16384xf32, #tpu.memory_space<vmem>>, vector<16xf32>,
        %scan3A_404 = arith.constant 4 : i32
        %scan3A_405 = arith.addi %scan3A_289, %scan3A_404 : i32
        %mul3A_406 = arith.constant 1 : i32
        %mul3A_407 = arith.muli %scan3A_405, %mul3A_406 : i32
        %add3A_408 = arith.constant 0 : i32
        %add3A_409 = arith.addi %add3A_408, %mul3A_407 : i32
        %mul3A_410 = arith.constant 16 : i32
        %mul3A_411 = arith.muli %add3A_409, %mul3A_410 : i32
        %get3A_412 = arith.constant 0 : i32
        %get3A_413 = arith.index_cast %get3A_412 : i32 to index
        %get3A_414 = arith.index_cast %mul3A_411 : i32 to index
        %get3A_415 = tpu.vector_load %arg7[%get3A_413, %get3A_414] {strides = array<i32>} : memref<2x4096xi32, #tpu.memory_space<vmem>>, vector<16xi32>,
        %ge3A_416 = arith.constant 50048 : i32
        %ge3A_417 = vector.broadcast %ge3A_416 : i32 to vector<16xi32>
        %ge3A_418 = arith.cmpi sge, %get3A_415, %ge3A_417 : vector<16xi32>
        %sub3A_419 = arith.constant 50048 : i32
        %sub3A_420 = vector.broadcast %sub3A_419 : i32 to vector<16xi32>
        %sub3A_421 = arith.subi %get3A_415, %sub3A_420 : vector<16xi32>
        %max3A_422 = arith.constant 0 : i32
        %max3A_423 = vector.broadcast %max3A_422 : i32 to vector<16xi32>
        %max3A_424 = arith.maxsi %sub3A_421, %max3A_423 : vector<16xi32>
        %gather3A_425 = tpu.vector_load_idx %arg6[%max3A_424] : memref<49952xf32, #tpu.memory_space<vmem>>[vector<16xi32>], vector<16xf32>,
        %jit3A_426 = arith.constant 0.000000e+00 : f32
        %broadcast_in_dim3A_427 = vector.broadcast %jit3A_426 : f32 to vector<16xf32>
        %select_n3A_428 = arith.select %ge3A_418, %gather3A_425, %broadcast_in_dim3A_427 : vector<16xi1>, vector<16xf32>
        %mul3A_429 = arith.constant 16 : i32
        %mul3A_430 = arith.muli %add3A_409, %mul3A_429 : i32
        %add3A_431 = arith.constant 8192 : i32
        %add3A_432 = arith.addi %add3A_431, %mul3A_430 : i32
        %swap3A_433 = arith.index_cast %add3A_432 : i32 to index
        %swap3A_434 = tpu.vector_load %arg8[%swap3A_433] {strides = array<i32>} : memref<16384xf32, #tpu.memory_space<vmem>>, vector<16xf32>,
        tpu.vector_store %arg8[%swap3A_433], %select_n3A_428 {add = true, strides = array<i32>} : memref<16384xf32, #tpu.memory_space<vmem>>, vector<16xf32>,
        %scan3A_435 = arith.constant 5 : i32
        %scan3A_436 = arith.addi %scan3A_289, %scan3A_435 : i32
        %mul3A_437 = arith.constant 1 : i32
        %mul3A_438 = arith.muli %scan3A_436, %mul3A_437 : i32
        %add3A_439 = arith.constant 0 : i32
        %add3A_440 = arith.addi %add3A_439, %mul3A_438 : i32
        %mul3A_441 = arith.constant 16 : i32
        %mul3A_442 = arith.muli %add3A_440, %mul3A_441 : i32
        %get3A_443 = arith.constant 0 : i32
        %get3A_444 = arith.index_cast %get3A_443 : i32 to index
        %get3A_445 = arith.index_cast %mul3A_442 : i32 to index
        %get3A_446 = tpu.vector_load %arg7[%get3A_444, %get3A_445] {strides = array<i32>} : memref<2x4096xi32, #tpu.memory_space<vmem>>, vector<16xi32>,
        %ge3A_447 = arith.constant 50048 : i32
        %ge3A_448 = vector.broadcast %ge3A_447 : i32 to vector<16xi32>
        %ge3A_449 = arith.cmpi sge, %get3A_446, %ge3A_448 : vector<16xi32>
        %sub3A_450 = arith.constant 50048 : i32
        %sub3A_451 = vector.broadcast %sub3A_450 : i32 to vector<16xi32>
        %sub3A_452 = arith.subi %get3A_446, %sub3A_451 : vector<16xi32>
        %max3A_453 = arith.constant 0 : i32
        %max3A_454 = vector.broadcast %max3A_453 : i32 to vector<16xi32>
        %max3A_455 = arith.maxsi %sub3A_452, %max3A_454 : vector<16xi32>
        %gather3A_456 = tpu.vector_load_idx %arg6[%max3A_455] : memref<49952xf32, #tpu.memory_space<vmem>>[vector<16xi32>], vector<16xf32>,
        %jit3A_457 = arith.constant 0.000000e+00 : f32
        %broadcast_in_dim3A_458 = vector.broadcast %jit3A_457 : f32 to vector<16xf32>
        %select_n3A_459 = arith.select %ge3A_449, %gather3A_456, %broadcast_in_dim3A_458 : vector<16xi1>, vector<16xf32>
        %mul3A_460 = arith.constant 16 : i32
        %mul3A_461 = arith.muli %add3A_440, %mul3A_460 : i32
        %add3A_462 = arith.constant 8192 : i32
        %add3A_463 = arith.addi %add3A_462, %mul3A_461 : i32
        %swap3A_464 = arith.index_cast %add3A_463 : i32 to index
        %swap3A_465 = tpu.vector_load %arg8[%swap3A_464] {strides = array<i32>} : memref<16384xf32, #tpu.memory_space<vmem>>, vector<16xf32>,
        tpu.vector_store %arg8[%swap3A_464], %select_n3A_459 {add = true, strides = array<i32>} : memref<16384xf32, #tpu.memory_space<vmem>>, vector<16xf32>,
        %scan3A_466 = arith.constant 6 : i32
        %scan3A_467 = arith.addi %scan3A_289, %scan3A_466 : i32
        %mul3A_468 = arith.constant 1 : i32
        %mul3A_469 = arith.muli %scan3A_467, %mul3A_468 : i32
        %add3A_470 = arith.constant 0 : i32
        %add3A_471 = arith.addi %add3A_470, %mul3A_469 : i32
        %mul3A_472 = arith.constant 16 : i32
        %mul3A_473 = arith.muli %add3A_471, %mul3A_472 : i32
        %get3A_474 = arith.constant 0 : i32
        %get3A_475 = arith.index_cast %get3A_474 : i32 to index
        %get3A_476 = arith.index_cast %mul3A_473 : i32 to index
        %get3A_477 = tpu.vector_load %arg7[%get3A_475, %get3A_476] {strides = array<i32>} : memref<2x4096xi32, #tpu.memory_space<vmem>>, vector<16xi32>,
        %ge3A_478 = arith.constant 50048 : i32
        %ge3A_479 = vector.broadcast %ge3A_478 : i32 to vector<16xi32>
        %ge3A_480 = arith.cmpi sge, %get3A_477, %ge3A_479 : vector<16xi32>
        %sub3A_481 = arith.constant 50048 : i32
        %sub3A_482 = vector.broadcast %sub3A_481 : i32 to vector<16xi32>
        %sub3A_483 = arith.subi %get3A_477, %sub3A_482 : vector<16xi32>
        %max3A_484 = arith.constant 0 : i32
        %max3A_485 = vector.broadcast %max3A_484 : i32 to vector<16xi32>
        %max3A_486 = arith.maxsi %sub3A_483, %max3A_485 : vector<16xi32>
        %gather3A_487 = tpu.vector_load_idx %arg6[%max3A_486] : memref<49952xf32, #tpu.memory_space<vmem>>[vector<16xi32>], vector<16xf32>,
        %jit3A_488 = arith.constant 0.000000e+00 : f32
        %broadcast_in_dim3A_489 = vector.broadcast %jit3A_488 : f32 to vector<16xf32>
        %select_n3A_490 = arith.select %ge3A_480, %gather3A_487, %broadcast_in_dim3A_489 : vector<16xi1>, vector<16xf32>
        %mul3A_491 = arith.constant 16 : i32
        %mul3A_492 = arith.muli %add3A_471, %mul3A_491 : i32
        %add3A_493 = arith.constant 8192 : i32
        %add3A_494 = arith.addi %add3A_493, %mul3A_492 : i32
        %swap3A_495 = arith.index_cast %add3A_494 : i32 to index
        %swap3A_496 = tpu.vector_load %arg8[%swap3A_495] {strides = array<i32>} : memref<16384xf32, #tpu.memory_space<vmem>>, vector<16xf32>,
        tpu.vector_store %arg8[%swap3A_495], %select_n3A_490 {add = true, strides = array<i32>} : memref<16384xf32, #tpu.memory_space<vmem>>, vector<16xf32>,
        %scan3A_497 = arith.constant 7 : i32
        %scan3A_498 = arith.addi %scan3A_289, %scan3A_497 : i32
        %mul3A_499 = arith.constant 1 : i32
        %mul3A_500 = arith.muli %scan3A_498, %mul3A_499 : i32
        %add3A_501 = arith.constant 0 : i32
        %add3A_502 = arith.addi %add3A_501, %mul3A_500 : i32
        %mul3A_503 = arith.constant 16 : i32
        %mul3A_504 = arith.muli %add3A_502, %mul3A_503 : i32
        %get3A_505 = arith.constant 0 : i32
        %get3A_506 = arith.index_cast %get3A_505 : i32 to index
        %get3A_507 = arith.index_cast %mul3A_504 : i32 to index
        %get3A_508 = tpu.vector_load %arg7[%get3A_506, %get3A_507] {strides = array<i32>} : memref<2x4096xi32, #tpu.memory_space<vmem>>, vector<16xi32>,
        %ge3A_509 = arith.constant 50048 : i32
        %ge3A_510 = vector.broadcast %ge3A_509 : i32 to vector<16xi32>
        %ge3A_511 = arith.cmpi sge, %get3A_508, %ge3A_510 : vector<16xi32>
        %sub3A_512 = arith.constant 50048 : i32
        %sub3A_513 = vector.broadcast %sub3A_512 : i32 to vector<16xi32>
        %sub3A_514 = arith.subi %get3A_508, %sub3A_513 : vector<16xi32>
        %max3A_515 = arith.constant 0 : i32
        %max3A_516 = vector.broadcast %max3A_515 : i32 to vector<16xi32>
        %max3A_517 = arith.maxsi %sub3A_514, %max3A_516 : vector<16xi32>
        %gather3A_518 = tpu.vector_load_idx %arg6[%max3A_517] : memref<49952xf32, #tpu.memory_space<vmem>>[vector<16xi32>], vector<16xf32>,
        %jit3A_519 = arith.constant 0.000000e+00 : f32
        %broadcast_in_dim3A_520 = vector.broadcast %jit3A_519 : f32 to vector<16xf32>
        %select_n3A_521 = arith.select %ge3A_511, %gather3A_518, %broadcast_in_dim3A_520 : vector<16xi1>, vector<16xf32>
        %mul3A_522 = arith.constant 16 : i32
        %mul3A_523 = arith.muli %add3A_502, %mul3A_522 : i32
        %add3A_524 = arith.constant 8192 : i32
        %add3A_525 = arith.addi %add3A_524, %mul3A_523 : i32
        %swap3A_526 = arith.index_cast %add3A_525 : i32 to index
        %swap3A_527 = tpu.vector_load %arg8[%swap3A_526] {strides = array<i32>} : memref<16384xf32, #tpu.memory_space<vmem>>, vector<16xf32>,
        tpu.vector_store %arg8[%swap3A_526], %select_n3A_521 {add = true, strides = array<i32>} : memref<16384xf32, #tpu.memory_space<vmem>>, vector<16xf32>,
      }
      %scan3A_270 = arith.constant 256 : i32
      %dma_wait3A_271 = arith.constant 1 : i32
      %dma_wait3A_272 = arith.constant 0 : i32
      %dma_wait3A_273 = tpu.memref_slice %arg7[%dma_wait3A_271, %dma_wait3A_272] : memref<2x4096xi32, #tpu.memory_space<vmem>> -> memref<1x4096xi32, #tpu.memory_space<vmem>>
      %dma_wait3A_274 = tpu.memref_squeeze %dma_wait3A_273 : memref<1x4096xi32, #tpu.memory_space<vmem>> -> memref<4096xi32, #tpu.memory_space<vmem>>
      %dma_wait3A_275 = arith.constant 12288 : i32
      %dma_wait3A_276 = tpu.memref_slice %arg2[%add3A_21, %dma_wait3A_275] : memref<26x16384xi32, #tpu.memory_space<hbm>> -> memref<1x4096xi32, #tpu.memory_space<hbm>>
      %dma_wait3A_277 = tpu.memref_squeeze %dma_wait3A_276 : memref<1x4096xi32, #tpu.memory_space<hbm>> -> memref<4096xi32, #tpu.memory_space<hbm>>
      %dma_wait3A_278 = arith.constant 0 : i32
      %dma_wait3A_279 = tpu.memref_slice %arg7[%dma_wait3A_271, %dma_wait3A_278] : memref<2x4096xi32, #tpu.memory_space<vmem>> -> memref<1x4096xi32, #tpu.memory_space<vmem>>
      %dma_wait3A_280 = tpu.memref_squeeze %dma_wait3A_279 : memref<1x4096xi32, #tpu.memory_space<vmem>> -> memref<4096xi32, #tpu.memory_space<vmem>>
      %dma_wait3A_281 = arith.constant 12288 : i32
      %dma_wait3A_282 = tpu.memref_slice %arg2[%add3A_21, %dma_wait3A_281] : memref<26x16384xi32, #tpu.memory_space<hbm>> -> memref<1x4096xi32, #tpu.memory_space<hbm>>
      %dma_wait3A_283 = tpu.memref_squeeze %dma_wait3A_282 : memref<1x4096xi32, #tpu.memory_space<hbm>> -> memref<4096xi32, #tpu.memory_space<hbm>>
      tpu.wait_dma2 semaphore(%arg12 : memref<!tpu.dma_semaphore, #tpu.memory_space<semaphore_mem>>) src(%dma_wait3A_283 : memref<4096xi32, #tpu.memory_space<hbm>>) dst(%dma_wait3A_280 : memref<4096xi32, #tpu.memory_space<vmem>>)
      %scan3A_284 = arith.constant 0 : i32
      %scan3A_285 = arith.constant 256 : i32
      %scan3A_286 = arith.addi %scan3A_284, %scan3A_285 : i32
      %scan3A_287 = arith.constant 8 : i32
      scf.for %scan3A_289 = %scan3A_284 to %scan3A_286 step %scan3A_287  : i32 {
        %mul3A_290 = arith.constant 1 : i32
        %mul3A_291 = arith.muli %scan3A_289, %mul3A_290 : i32
        %add3A_292 = arith.constant 0 : i32
        %add3A_293 = arith.addi %add3A_292, %mul3A_291 : i32
        %mul3A_294 = arith.constant 16 : i32
        %mul3A_295 = arith.muli %add3A_293, %mul3A_294 : i32
        %get3A = arith.constant 1 : i32
        %get3A_296 = arith.index_cast %get3A : i32 to index
        %get3A_297 = arith.index_cast %mul3A_295 : i32 to index
        %get3A_298 = tpu.vector_load %arg7[%get3A_296, %get3A_297] {strides = array<i32>} : memref<2x4096xi32, #tpu.memory_space<vmem>>, vector<16xi32>,
        %ge3A = arith.constant 50048 : i32
        %ge3A_299 = vector.broadcast %ge3A : i32 to vector<16xi32>
        %ge3A_300 = arith.cmpi sge, %get3A_298, %ge3A_299 : vector<16xi32>
        %sub3A = arith.constant 50048 : i32
        %sub3A_301 = vector.broadcast %sub3A : i32 to vector<16xi32>
        %sub3A_302 = arith.subi %get3A_298, %sub3A_301 : vector<16xi32>
        %max3A = arith.constant 0 : i32
        %max3A_303 = vector.broadcast %max3A : i32 to vector<16xi32>
        %max3A_304 = arith.maxsi %sub3A_302, %max3A_303 : vector<16xi32>
        %gather3A = tpu.vector_load_idx %arg6[%max3A_304] : memref<49952xf32, #tpu.memory_space<vmem>>[vector<16xi32>], vector<16xf32>,
        %jit3A = arith.constant 0.000000e+00 : f32
        %broadcast_in_dim3A_305 = vector.broadcast %jit3A : f32 to vector<16xf32>
        %select_n3A = arith.select %ge3A_300, %gather3A, %broadcast_in_dim3A_305 : vector<16xi1>, vector<16xf32>
        %mul3A_306 = arith.constant 16 : i32
        %mul3A_307 = arith.muli %add3A_293, %mul3A_306 : i32
        %add3A_308 = arith.constant 12288 : i32
        %add3A_309 = arith.addi %add3A_308, %mul3A_307 : i32
        %swap3A = arith.index_cast %add3A_309 : i32 to index
        %swap3A_310 = tpu.vector_load %arg8[%swap3A] {strides = array<i32>} : memref<16384xf32, #tpu.memory_space<vmem>>, vector<16xf32>,
        tpu.vector_store %arg8[%swap3A], %select_n3A {add = true, strides = array<i32>} : memref<16384xf32, #tpu.memory_space<vmem>>, vector<16xf32>,
        %scan3A_311 = arith.constant 1 : i32
        %scan3A_312 = arith.addi %scan3A_289, %scan3A_311 : i32
        %mul3A_313 = arith.constant 1 : i32
        %mul3A_314 = arith.muli %scan3A_312, %mul3A_313 : i32
        %add3A_315 = arith.constant 0 : i32
        %add3A_316 = arith.addi %add3A_315, %mul3A_314 : i32
        %mul3A_317 = arith.constant 16 : i32
        %mul3A_318 = arith.muli %add3A_316, %mul3A_317 : i32
        %get3A_319 = arith.constant 1 : i32
        %get3A_320 = arith.index_cast %get3A_319 : i32 to index
        %get3A_321 = arith.index_cast %mul3A_318 : i32 to index
        %get3A_322 = tpu.vector_load %arg7[%get3A_320, %get3A_321] {strides = array<i32>} : memref<2x4096xi32, #tpu.memory_space<vmem>>, vector<16xi32>,
        %ge3A_323 = arith.constant 50048 : i32
        %ge3A_324 = vector.broadcast %ge3A_323 : i32 to vector<16xi32>
        %ge3A_325 = arith.cmpi sge, %get3A_322, %ge3A_324 : vector<16xi32>
        %sub3A_326 = arith.constant 50048 : i32
        %sub3A_327 = vector.broadcast %sub3A_326 : i32 to vector<16xi32>
        %sub3A_328 = arith.subi %get3A_322, %sub3A_327 : vector<16xi32>
        %max3A_329 = arith.constant 0 : i32
        %max3A_330 = vector.broadcast %max3A_329 : i32 to vector<16xi32>
        %max3A_331 = arith.maxsi %sub3A_328, %max3A_330 : vector<16xi32>
        %gather3A_332 = tpu.vector_load_idx %arg6[%max3A_331] : memref<49952xf32, #tpu.memory_space<vmem>>[vector<16xi32>], vector<16xf32>,
        %jit3A_333 = arith.constant 0.000000e+00 : f32
        %broadcast_in_dim3A_334 = vector.broadcast %jit3A_333 : f32 to vector<16xf32>
        %select_n3A_335 = arith.select %ge3A_325, %gather3A_332, %broadcast_in_dim3A_334 : vector<16xi1>, vector<16xf32>
        %mul3A_336 = arith.constant 16 : i32
        %mul3A_337 = arith.muli %add3A_316, %mul3A_336 : i32
        %add3A_338 = arith.constant 12288 : i32
        %add3A_339 = arith.addi %add3A_338, %mul3A_337 : i32
        %swap3A_340 = arith.index_cast %add3A_339 : i32 to index
        %swap3A_341 = tpu.vector_load %arg8[%swap3A_340] {strides = array<i32>} : memref<16384xf32, #tpu.memory_space<vmem>>, vector<16xf32>,
        tpu.vector_store %arg8[%swap3A_340], %select_n3A_335 {add = true, strides = array<i32>} : memref<16384xf32, #tpu.memory_space<vmem>>, vector<16xf32>,
        %scan3A_342 = arith.constant 2 : i32
        %scan3A_343 = arith.addi %scan3A_289, %scan3A_342 : i32
        %mul3A_344 = arith.constant 1 : i32
        %mul3A_345 = arith.muli %scan3A_343, %mul3A_344 : i32
        %add3A_346 = arith.constant 0 : i32
        %add3A_347 = arith.addi %add3A_346, %mul3A_345 : i32
        %mul3A_348 = arith.constant 16 : i32
        %mul3A_349 = arith.muli %add3A_347, %mul3A_348 : i32
        %get3A_350 = arith.constant 1 : i32
        %get3A_351 = arith.index_cast %get3A_350 : i32 to index
        %get3A_352 = arith.index_cast %mul3A_349 : i32 to index
        %get3A_353 = tpu.vector_load %arg7[%get3A_351, %get3A_352] {strides = array<i32>} : memref<2x4096xi32, #tpu.memory_space<vmem>>, vector<16xi32>,
        %ge3A_354 = arith.constant 50048 : i32
        %ge3A_355 = vector.broadcast %ge3A_354 : i32 to vector<16xi32>
        %ge3A_356 = arith.cmpi sge, %get3A_353, %ge3A_355 : vector<16xi32>
        %sub3A_357 = arith.constant 50048 : i32
        %sub3A_358 = vector.broadcast %sub3A_357 : i32 to vector<16xi32>
        %sub3A_359 = arith.subi %get3A_353, %sub3A_358 : vector<16xi32>
        %max3A_360 = arith.constant 0 : i32
        %max3A_361 = vector.broadcast %max3A_360 : i32 to vector<16xi32>
        %max3A_362 = arith.maxsi %sub3A_359, %max3A_361 : vector<16xi32>
        %gather3A_363 = tpu.vector_load_idx %arg6[%max3A_362] : memref<49952xf32, #tpu.memory_space<vmem>>[vector<16xi32>], vector<16xf32>,
        %jit3A_364 = arith.constant 0.000000e+00 : f32
        %broadcast_in_dim3A_365 = vector.broadcast %jit3A_364 : f32 to vector<16xf32>
        %select_n3A_366 = arith.select %ge3A_356, %gather3A_363, %broadcast_in_dim3A_365 : vector<16xi1>, vector<16xf32>
        %mul3A_367 = arith.constant 16 : i32
        %mul3A_368 = arith.muli %add3A_347, %mul3A_367 : i32
        %add3A_369 = arith.constant 12288 : i32
        %add3A_370 = arith.addi %add3A_369, %mul3A_368 : i32
        %swap3A_371 = arith.index_cast %add3A_370 : i32 to index
        %swap3A_372 = tpu.vector_load %arg8[%swap3A_371] {strides = array<i32>} : memref<16384xf32, #tpu.memory_space<vmem>>, vector<16xf32>,
        tpu.vector_store %arg8[%swap3A_371], %select_n3A_366 {add = true, strides = array<i32>} : memref<16384xf32, #tpu.memory_space<vmem>>, vector<16xf32>,
        %scan3A_373 = arith.constant 3 : i32
        %scan3A_374 = arith.addi %scan3A_289, %scan3A_373 : i32
        %mul3A_375 = arith.constant 1 : i32
        %mul3A_376 = arith.muli %scan3A_374, %mul3A_375 : i32
        %add3A_377 = arith.constant 0 : i32
        %add3A_378 = arith.addi %add3A_377, %mul3A_376 : i32
        %mul3A_379 = arith.constant 16 : i32
        %mul3A_380 = arith.muli %add3A_378, %mul3A_379 : i32
        %get3A_381 = arith.constant 1 : i32
        %get3A_382 = arith.index_cast %get3A_381 : i32 to index
        %get3A_383 = arith.index_cast %mul3A_380 : i32 to index
        %get3A_384 = tpu.vector_load %arg7[%get3A_382, %get3A_383] {strides = array<i32>} : memref<2x4096xi32, #tpu.memory_space<vmem>>, vector<16xi32>,
        %ge3A_385 = arith.constant 50048 : i32
        %ge3A_386 = vector.broadcast %ge3A_385 : i32 to vector<16xi32>
        %ge3A_387 = arith.cmpi sge, %get3A_384, %ge3A_386 : vector<16xi32>
        %sub3A_388 = arith.constant 50048 : i32
        %sub3A_389 = vector.broadcast %sub3A_388 : i32 to vector<16xi32>
        %sub3A_390 = arith.subi %get3A_384, %sub3A_389 : vector<16xi32>
        %max3A_391 = arith.constant 0 : i32
        %max3A_392 = vector.broadcast %max3A_391 : i32 to vector<16xi32>
        %max3A_393 = arith.maxsi %sub3A_390, %max3A_392 : vector<16xi32>
        %gather3A_394 = tpu.vector_load_idx %arg6[%max3A_393] : memref<49952xf32, #tpu.memory_space<vmem>>[vector<16xi32>], vector<16xf32>,
        %jit3A_395 = arith.constant 0.000000e+00 : f32
        %broadcast_in_dim3A_396 = vector.broadcast %jit3A_395 : f32 to vector<16xf32>
        %select_n3A_397 = arith.select %ge3A_387, %gather3A_394, %broadcast_in_dim3A_396 : vector<16xi1>, vector<16xf32>
        %mul3A_398 = arith.constant 16 : i32
        %mul3A_399 = arith.muli %add3A_378, %mul3A_398 : i32
        %add3A_400 = arith.constant 12288 : i32
        %add3A_401 = arith.addi %add3A_400, %mul3A_399 : i32
        %swap3A_402 = arith.index_cast %add3A_401 : i32 to index
        %swap3A_403 = tpu.vector_load %arg8[%swap3A_402] {strides = array<i32>} : memref<16384xf32, #tpu.memory_space<vmem>>, vector<16xf32>,
        tpu.vector_store %arg8[%swap3A_402], %select_n3A_397 {add = true, strides = array<i32>} : memref<16384xf32, #tpu.memory_space<vmem>>, vector<16xf32>,
        %scan3A_404 = arith.constant 4 : i32
        %scan3A_405 = arith.addi %scan3A_289, %scan3A_404 : i32
        %mul3A_406 = arith.constant 1 : i32
        %mul3A_407 = arith.muli %scan3A_405, %mul3A_406 : i32
        %add3A_408 = arith.constant 0 : i32
        %add3A_409 = arith.addi %add3A_408, %mul3A_407 : i32
        %mul3A_410 = arith.constant 16 : i32
        %mul3A_411 = arith.muli %add3A_409, %mul3A_410 : i32
        %get3A_412 = arith.constant 1 : i32
        %get3A_413 = arith.index_cast %get3A_412 : i32 to index
        %get3A_414 = arith.index_cast %mul3A_411 : i32 to index
        %get3A_415 = tpu.vector_load %arg7[%get3A_413, %get3A_414] {strides = array<i32>} : memref<2x4096xi32, #tpu.memory_space<vmem>>, vector<16xi32>,
        %ge3A_416 = arith.constant 50048 : i32
        %ge3A_417 = vector.broadcast %ge3A_416 : i32 to vector<16xi32>
        %ge3A_418 = arith.cmpi sge, %get3A_415, %ge3A_417 : vector<16xi32>
        %sub3A_419 = arith.constant 50048 : i32
        %sub3A_420 = vector.broadcast %sub3A_419 : i32 to vector<16xi32>
        %sub3A_421 = arith.subi %get3A_415, %sub3A_420 : vector<16xi32>
        %max3A_422 = arith.constant 0 : i32
        %max3A_423 = vector.broadcast %max3A_422 : i32 to vector<16xi32>
        %max3A_424 = arith.maxsi %sub3A_421, %max3A_423 : vector<16xi32>
        %gather3A_425 = tpu.vector_load_idx %arg6[%max3A_424] : memref<49952xf32, #tpu.memory_space<vmem>>[vector<16xi32>], vector<16xf32>,
        %jit3A_426 = arith.constant 0.000000e+00 : f32
        %broadcast_in_dim3A_427 = vector.broadcast %jit3A_426 : f32 to vector<16xf32>
        %select_n3A_428 = arith.select %ge3A_418, %gather3A_425, %broadcast_in_dim3A_427 : vector<16xi1>, vector<16xf32>
        %mul3A_429 = arith.constant 16 : i32
        %mul3A_430 = arith.muli %add3A_409, %mul3A_429 : i32
        %add3A_431 = arith.constant 12288 : i32
        %add3A_432 = arith.addi %add3A_431, %mul3A_430 : i32
        %swap3A_433 = arith.index_cast %add3A_432 : i32 to index
        %swap3A_434 = tpu.vector_load %arg8[%swap3A_433] {strides = array<i32>} : memref<16384xf32, #tpu.memory_space<vmem>>, vector<16xf32>,
        tpu.vector_store %arg8[%swap3A_433], %select_n3A_428 {add = true, strides = array<i32>} : memref<16384xf32, #tpu.memory_space<vmem>>, vector<16xf32>,
        %scan3A_435 = arith.constant 5 : i32
        %scan3A_436 = arith.addi %scan3A_289, %scan3A_435 : i32
        %mul3A_437 = arith.constant 1 : i32
        %mul3A_438 = arith.muli %scan3A_436, %mul3A_437 : i32
        %add3A_439 = arith.constant 0 : i32
        %add3A_440 = arith.addi %add3A_439, %mul3A_438 : i32
        %mul3A_441 = arith.constant 16 : i32
        %mul3A_442 = arith.muli %add3A_440, %mul3A_441 : i32
        %get3A_443 = arith.constant 1 : i32
        %get3A_444 = arith.index_cast %get3A_443 : i32 to index
        %get3A_445 = arith.index_cast %mul3A_442 : i32 to index
        %get3A_446 = tpu.vector_load %arg7[%get3A_444, %get3A_445] {strides = array<i32>} : memref<2x4096xi32, #tpu.memory_space<vmem>>, vector<16xi32>,
        %ge3A_447 = arith.constant 50048 : i32
        %ge3A_448 = vector.broadcast %ge3A_447 : i32 to vector<16xi32>
        %ge3A_449 = arith.cmpi sge, %get3A_446, %ge3A_448 : vector<16xi32>
        %sub3A_450 = arith.constant 50048 : i32
        %sub3A_451 = vector.broadcast %sub3A_450 : i32 to vector<16xi32>
        %sub3A_452 = arith.subi %get3A_446, %sub3A_451 : vector<16xi32>
        %max3A_453 = arith.constant 0 : i32
        %max3A_454 = vector.broadcast %max3A_453 : i32 to vector<16xi32>
        %max3A_455 = arith.maxsi %sub3A_452, %max3A_454 : vector<16xi32>
        %gather3A_456 = tpu.vector_load_idx %arg6[%max3A_455] : memref<49952xf32, #tpu.memory_space<vmem>>[vector<16xi32>], vector<16xf32>,
        %jit3A_457 = arith.constant 0.000000e+00 : f32
        %broadcast_in_dim3A_458 = vector.broadcast %jit3A_457 : f32 to vector<16xf32>
        %select_n3A_459 = arith.select %ge3A_449, %gather3A_456, %broadcast_in_dim3A_458 : vector<16xi1>, vector<16xf32>
        %mul3A_460 = arith.constant 16 : i32
        %mul3A_461 = arith.muli %add3A_440, %mul3A_460 : i32
        %add3A_462 = arith.constant 12288 : i32
        %add3A_463 = arith.addi %add3A_462, %mul3A_461 : i32
        %swap3A_464 = arith.index_cast %add3A_463 : i32 to index
        %swap3A_465 = tpu.vector_load %arg8[%swap3A_464] {strides = array<i32>} : memref<16384xf32, #tpu.memory_space<vmem>>, vector<16xf32>,
        tpu.vector_store %arg8[%swap3A_464], %select_n3A_459 {add = true, strides = array<i32>} : memref<16384xf32, #tpu.memory_space<vmem>>, vector<16xf32>,
        %scan3A_466 = arith.constant 6 : i32
        %scan3A_467 = arith.addi %scan3A_289, %scan3A_466 : i32
        %mul3A_468 = arith.constant 1 : i32
        %mul3A_469 = arith.muli %scan3A_467, %mul3A_468 : i32
        %add3A_470 = arith.constant 0 : i32
        %add3A_471 = arith.addi %add3A_470, %mul3A_469 : i32
        %mul3A_472 = arith.constant 16 : i32
        %mul3A_473 = arith.muli %add3A_471, %mul3A_472 : i32
        %get3A_474 = arith.constant 1 : i32
        %get3A_475 = arith.index_cast %get3A_474 : i32 to index
        %get3A_476 = arith.index_cast %mul3A_473 : i32 to index
        %get3A_477 = tpu.vector_load %arg7[%get3A_475, %get3A_476] {strides = array<i32>} : memref<2x4096xi32, #tpu.memory_space<vmem>>, vector<16xi32>,
        %ge3A_478 = arith.constant 50048 : i32
        %ge3A_479 = vector.broadcast %ge3A_478 : i32 to vector<16xi32>
        %ge3A_480 = arith.cmpi sge, %get3A_477, %ge3A_479 : vector<16xi32>
        %sub3A_481 = arith.constant 50048 : i32
        %sub3A_482 = vector.broadcast %sub3A_481 : i32 to vector<16xi32>
        %sub3A_483 = arith.subi %get3A_477, %sub3A_482 : vector<16xi32>
        %max3A_484 = arith.constant 0 : i32
        %max3A_485 = vector.broadcast %max3A_484 : i32 to vector<16xi32>
        %max3A_486 = arith.maxsi %sub3A_483, %max3A_485 : vector<16xi32>
        %gather3A_487 = tpu.vector_load_idx %arg6[%max3A_486] : memref<49952xf32, #tpu.memory_space<vmem>>[vector<16xi32>], vector<16xf32>,
        %jit3A_488 = arith.constant 0.000000e+00 : f32
        %broadcast_in_dim3A_489 = vector.broadcast %jit3A_488 : f32 to vector<16xf32>
        %select_n3A_490 = arith.select %ge3A_480, %gather3A_487, %broadcast_in_dim3A_489 : vector<16xi1>, vector<16xf32>
        %mul3A_491 = arith.constant 16 : i32
        %mul3A_492 = arith.muli %add3A_471, %mul3A_491 : i32
        %add3A_493 = arith.constant 12288 : i32
        %add3A_494 = arith.addi %add3A_493, %mul3A_492 : i32
        %swap3A_495 = arith.index_cast %add3A_494 : i32 to index
        %swap3A_496 = tpu.vector_load %arg8[%swap3A_495] {strides = array<i32>} : memref<16384xf32, #tpu.memory_space<vmem>>, vector<16xf32>,
        tpu.vector_store %arg8[%swap3A_495], %select_n3A_490 {add = true, strides = array<i32>} : memref<16384xf32, #tpu.memory_space<vmem>>, vector<16xf32>,
        %scan3A_497 = arith.constant 7 : i32
        %scan3A_498 = arith.addi %scan3A_289, %scan3A_497 : i32
        %mul3A_499 = arith.constant 1 : i32
        %mul3A_500 = arith.muli %scan3A_498, %mul3A_499 : i32
        %add3A_501 = arith.constant 0 : i32
        %add3A_502 = arith.addi %add3A_501, %mul3A_500 : i32
        %mul3A_503 = arith.constant 16 : i32
        %mul3A_504 = arith.muli %add3A_502, %mul3A_503 : i32
        %get3A_505 = arith.constant 1 : i32
        %get3A_506 = arith.index_cast %get3A_505 : i32 to index
        %get3A_507 = arith.index_cast %mul3A_504 : i32 to index
        %get3A_508 = tpu.vector_load %arg7[%get3A_506, %get3A_507] {strides = array<i32>} : memref<2x4096xi32, #tpu.memory_space<vmem>>, vector<16xi32>,
        %ge3A_509 = arith.constant 50048 : i32
        %ge3A_510 = vector.broadcast %ge3A_509 : i32 to vector<16xi32>
        %ge3A_511 = arith.cmpi sge, %get3A_508, %ge3A_510 : vector<16xi32>
        %sub3A_512 = arith.constant 50048 : i32
        %sub3A_513 = vector.broadcast %sub3A_512 : i32 to vector<16xi32>
        %sub3A_514 = arith.subi %get3A_508, %sub3A_513 : vector<16xi32>
        %max3A_515 = arith.constant 0 : i32
        %max3A_516 = vector.broadcast %max3A_515 : i32 to vector<16xi32>
        %max3A_517 = arith.maxsi %sub3A_514, %max3A_516 : vector<16xi32>
        %gather3A_518 = tpu.vector_load_idx %arg6[%max3A_517] : memref<49952xf32, #tpu.memory_space<vmem>>[vector<16xi32>], vector<16xf32>,
        %jit3A_519 = arith.constant 0.000000e+00 : f32
        %broadcast_in_dim3A_520 = vector.broadcast %jit3A_519 : f32 to vector<16xf32>
        %select_n3A_521 = arith.select %ge3A_511, %gather3A_518, %broadcast_in_dim3A_520 : vector<16xi1>, vector<16xf32>
        %mul3A_522 = arith.constant 16 : i32
        %mul3A_523 = arith.muli %add3A_502, %mul3A_522 : i32
        %add3A_524 = arith.constant 12288 : i32
        %add3A_525 = arith.addi %add3A_524, %mul3A_523 : i32
        %swap3A_526 = arith.index_cast %add3A_525 : i32 to index
        %swap3A_527 = tpu.vector_load %arg8[%swap3A_526] {strides = array<i32>} : memref<16384xf32, #tpu.memory_space<vmem>>, vector<16xf32>,
        tpu.vector_store %arg8[%swap3A_526], %select_n3A_521 {add = true, strides = array<i32>} : memref<16384xf32, #tpu.memory_space<vmem>>, vector<16xf32>,
      }
      %scan3A_288 = arith.constant 256 : i32
    }
    %scan3A_16 = arith.constant 26 : i32
    "tpu.region"() ({
      %run_scoped3A = tpu.sem_alloc : memref<!tpu.dma_semaphore, #tpu.memory_space<semaphore_mem>>
      %dma_start3A_17 = arith.constant 0 : i32
      %dma_start3A_18 = tpu.memref_slice %arg4[%add3A, %dma_start3A_17] : memref<32x16384xf32, #tpu.memory_space<hbm>> -> memref<1x16384xf32, #tpu.memory_space<hbm>>
      %dma_start3A_19 = tpu.memref_squeeze %dma_start3A_18 : memref<1x16384xf32, #tpu.memory_space<hbm>> -> memref<16384xf32, #tpu.memory_space<hbm>>
      %dma_start3A_20 = arith.constant 0 : i32
      %dma_start3A_21 = tpu.memref_slice %arg4[%add3A, %dma_start3A_20] : memref<32x16384xf32, #tpu.memory_space<hbm>> -> memref<1x16384xf32, #tpu.memory_space<hbm>>
      %dma_start3A_22 = tpu.memref_squeeze %dma_start3A_21 : memref<1x16384xf32, #tpu.memory_space<hbm>> -> memref<16384xf32, #tpu.memory_space<hbm>>
      tpu.enqueue_dma source(%arg8 : memref<16384xf32, #tpu.memory_space<vmem>>) target(%dma_start3A_22 : memref<16384xf32, #tpu.memory_space<hbm>>) target_semaphore(%run_scoped3A : memref<!tpu.dma_semaphore, #tpu.memory_space<semaphore_mem>>)
      %dma_wait3A = arith.constant 0 : i32
      %dma_wait3A_23 = tpu.memref_slice %arg4[%add3A, %dma_wait3A] : memref<32x16384xf32, #tpu.memory_space<hbm>> -> memref<1x16384xf32, #tpu.memory_space<hbm>>
      %dma_wait3A_24 = tpu.memref_squeeze %dma_wait3A_23 : memref<1x16384xf32, #tpu.memory_space<hbm>> -> memref<16384xf32, #tpu.memory_space<hbm>>
      %dma_wait3A_25 = arith.constant 0 : i32
      %dma_wait3A_26 = tpu.memref_slice %arg4[%add3A, %dma_wait3A_25] : memref<32x16384xf32, #tpu.memory_space<hbm>> -> memref<1x16384xf32, #tpu.memory_space<hbm>>
      %dma_wait3A_27 = tpu.memref_squeeze %dma_wait3A_26 : memref<1x16384xf32, #tpu.memory_space<hbm>> -> memref<16384xf32, #tpu.memory_space<hbm>>
      tpu.wait_dma2 semaphore(%run_scoped3A : memref<!tpu.dma_semaphore, #tpu.memory_space<semaphore_mem>>) src(%arg8 : memref<16384xf32, #tpu.memory_space<vmem>>) dst(%dma_wait3A_27 : memref<16384xf32, #tpu.memory_space<hbm>>)
      tpu.yield
    }) : () -> ()
    return
  }
}

</mosaic_0001>

<sc_bundles>
// kernel: kernel.3.cloned.1.call-start
scs
__scs_entry_jumppad:
0x0: {  	(pc) =	sbr.rel $0x88, $3  }
0x1: {  	(tag) =	ssettag $0x0;
	lr =	simm.s32 $0x1  }
0x2: {  	[smem:$0x3F9F] =	sst lr;
	_ =	strace $0xD0000000  }
0x3: {  	_ = 	snop  }
0x4: {  	_ = 	snop  }
0x5: {  	_ = 	snop  }
0x6: {  	_ = 	snop  }
0x7: {  	_ = 	snop  }
__scs_overlays_trampoline_lowered:
0x8: {  	[smem:$0x3FAE] =	sst s0  }
0x9: {  	[smem:$0x3FAF] =	sst s1  }
0xa: {  	[smem:$0x3FB0] =	sst s2  }
0xb: {  	[smem:$0x3FB1] =	sst s3  }
0xc: {  	[smem:$0x3FB2] =	sst s4  }
0xd: {  	[smem:$0x3FB3] =	sst s5  }
0xe: {  	[smem:$0x3FB4] =	sst s6  }
0xf: {  	[smem:$0x3FB5] =	sst s7  }
0x10: {  	[smem:$0x3FB6] =	sst s8  }
0x11: {  	[smem:$0x3FB7] =	sst s9;
	s0 =	simm.s32 @!p0 $0x0  }
0x12: {  	s1 =	sld [smem:$0x3F9D];
	s0 =	simm.s32 @p0 $0x1  }
0x13: {  	[smem:$0x3FB8] =	sst s0;
	s0 =	simm.s32 @!p1 $0x0  }
0x14: {  	s2 =	sld [smem:$0x3F9C];
	s0 =	simm.s32 @p1 $0x1  }
0x15: {  	[smem:$0x3FB9] =	sst s0;
	s0 =	simm.s32 @!p2 $0x0  }
0x16: {  	s3 =	sld [smem:$0x3FDB];
	s0 =	simm.s32 @p2 $0x1  }
0x17: {  	s4 =	simm.s32 $0x1BF5;
	[smem:$0x3FBB] =	sst s0  }
0x18: {  	s0 =	sld [smem:$0x3F9E];
	_ =	swait.ge [sflag:s4], $0x0  }
0x19: {  	s7 =	sld [smem:$0x3F9F]  }
0x1a: {  	s8 =	sadd.s32 $0xFFFFE003, lr  }
0x1b: {  	s9 =	sadd.s32 $0xFFFFFEF7, lr;
	s5 =	simm.s32 $0xFFFFFFFF;
	p2 =	slt.u32 s8, $0xFFFFF086  }
0x1c: {  	p1 =	slt.u32 s9, $0xF7A;
	s5 =	simm.s32 @!p2 $0x0  }
0x1d: {  	s5 =	simm.s32 @p1 $0x1;
	p0 =	seq.s32 s7, s2  }
0x1e: {  	s7 =	smul.u32 @!p0 $0xF7A, s2;
	p2 =	seq.s32 @!p0 s5, $0x0  }
0x1f: {  	s9 =	smul.u32 $0xF7A, s1;
	s8 =	simm.s32 @!p0 $0x1BF5;
	p2 =	por !p2, p0  }
0x20: {  	[sflag:s8] =	ssyncset.s32 @!p0 $0xFFFFF086;
	s6 =	sadd.s32 @!p0 s3, s7;
	s7 =	simm.s32 @!p0 $0x108  }
0x21: {  	s3 =	sadd.s32 s3, s9;
	s6 =	sadd.s32 @!p0 $0x88, s6;
	s7 =	simm.s32 @p2 $0x1082  }
0x22: {  	[simem:s7], [sflag:s8] =	dma.local @!p0 [hbm:s6], $0xF7A  }
0x23: {  	s9 =	sor.u32 $0xD0000000, s2;
	s6 =	simm.s32 $0x108;
	_ =	swait.ge @!p0 [sflag:s8], $0x0  }
0x24: {  	s3 =	sadd.s32 $0x88, s3;
	s6 =	simm.s32 @!p1 $0x1082;
	[sflag:s4] =	ssyncset.s32 $0xFFFFF086  }
0x25: {  	[simem:s6], [sflag:s4] =	dma.local [hbm:s3], $0xF7A  }
0x26: {  	[smem:$0x3F9F] =	sst s1;
	(tag) =	ssettag s2;
	_ =	strace s9  }
0x27: {  	s1 =	sld [smem:$0x3FAF]  }
0x28: {  	s2 =	sld [smem:$0x3FB0]  }
0x29: {  	s4 =	sld [smem:$0x3FB2]  }
0x2a: {  	p0 =	seq.s32 s5, $0x0;
	s5 =	sld [smem:$0x3FB3]  }
0x2b: {  	s6 =	sld [smem:$0x3FB4]  }
0x2c: {  	s7 =	sld [smem:$0x3FB5]  }
0x2d: {  	s3 =	simm.s32 $0x108;
	s8 =	sld [smem:$0x3FB6]  }
0x2e: {  	s3 =	simm.s32 @!p0 $0x1082;
	s9 =	sld [smem:$0x3FB7]  }
0x2f: {  	lr =	sadd.s32 s0, s3;
	s0 =	sld [smem:$0x3FAE]  }
0x30: {  	s3 =	sld [smem:$0x3FB1]  }
0x31: {  	[smem:$0x3FBA] =	sst s10  }
0x32: {  	s10 =	sld [smem:$0x3FB8];
	_ =	sdelay $0x3  }
0x33: {  	p0 =	seq.s32 s10, $0x1;
	s10 =	sld [smem:$0x3FBA];
	_ =	sdelay $0x3  }
0x34: {  	[smem:$0x3FBA] =	sst s10  }
0x35: {  	s10 =	sld [smem:$0x3FB9];
	_ =	sdelay $0x3  }
0x36: {  	p1 =	seq.s32 s10, $0x1;
	s10 =	sld [smem:$0x3FBA];
	_ =	sdelay $0x3  }
0x37: {  	[smem:$0x3FBA] =	sst s10  }
0x38: {  	s10 =	sld [smem:$0x3FBB]  }
0x39: {  	_ = 	snop;
	(pc) =	sbr.ind lr, $3  }
0x3a: {  	_ = 	snop  }
0x3b: {  	_ = 	snop  }
0x3c: {  	p2 =	seq.s32 s10, $0x1;
	s10 =	sld [smem:$0x3FBA]  }
0x3d: {  	_ =	shalt  }
0x3e: {  	_ =	shalt  }
0x3f: {  	_ =	shalt  }
0x40: {  	_ =	shalt  }
0x41: {  	_ =	shalt  }
0x42: {  	_ =	shalt  }
0x43: {  	_ =	shalt  }
0x44: {  	_ =	shalt  }
0x45: {  	_ =	shalt  }
0x46: {  	_ =	shalt  }
0x47: {  	_ =	shalt  }
0x48: {  	_ =	shalt  }
0x49: {  	_ =	shalt  }
0x4a: {  	_ =	shalt  }
0x4b: {  	_ =	shalt  }
0x4c: {  	_ =	shalt  }
0x4d: {  	_ =	shalt  }
0x4e: {  	_ =	shalt  }
0x4f: {  	_ =	shalt  }
0x50: {  	_ =	shalt  }
0x51: {  	_ =	shalt  }
0x52: {  	_ =	shalt  }
0x53: {  	_ =	shalt  }
0x54: {  	_ =	shalt  }
0x55: {  	_ =	shalt  }
0x56: {  	_ =	shalt  }
0x57: {  	_ =	shalt  }
0x58: {  	_ =	shalt  }
0x59: {  	_ =	shalt  }
0x5a: {  	_ =	shalt  }
0x5b: {  	_ =	shalt  }
0x5c: {  	_ =	shalt  }
0x5d: {  	_ =	shalt  }
0x5e: {  	_ =	shalt  }
0x5f: {  	_ =	shalt  }
0x60: {  	_ =	shalt  }
0x61: {  	_ =	shalt  }
0x62: {  	_ =	shalt  }
0x63: {  	_ =	shalt  }
0x64: {  	_ =	shalt  }
0x65: {  	_ =	shalt  }
0x66: {  	_ =	shalt  }
0x67: {  	_ =	shalt  }
0x68: {  	_ =	shalt  }
0x69: {  	_ =	shalt  }
0x6a: {  	_ =	shalt  }
0x6b: {  	_ =	shalt  }
0x6c: {  	_ =	shalt  }
0x6d: {  	_ =	shalt  }
0x6e: {  	_ =	shalt  }
0x6f: {  	_ =	shalt  }
0x70: {  	_ =	shalt  }
0x71: {  	_ =	shalt  }
0x72: {  	_ =	shalt  }
0x73: {  	_ =	shalt  }
0x74: {  	_ =	shalt  }
0x75: {  	_ =	shalt  }
0x76: {  	_ =	shalt  }
0x77: {  	_ =	shalt  }
0x78: {  	_ =	shalt  }
0x79: {  	_ =	shalt  }
0x7a: {  	_ =	shalt  }
0x7b: {  	_ =	shalt  }
0x7c: {  	_ =	shalt  }
0x7d: {  	_ =	shalt  }
0x7e: {  	_ =	shalt  }
0x7f: {  	_ =	shalt  }
0x80: {  	_ =	shalt  }
0x81: {  	_ =	shalt  }
0x82: {  	_ =	shalt  }
0x83: {  	_ =	shalt  }
0x84: {  	_ =	shalt  }
0x85: {  	_ =	shalt  }
0x86: {  	_ =	shalt  }
0x87: {  	_ =	shalt  }
.Lfunc_end0:
.L_simem_size_0:
called_computation_lowered:
.L_overlay_start_0:
0x88: {  	s2 =	sld [smem:$0x3FD9]  }
0x89: {  	s3 =	sld [smem:$0x3FFE];
	_ =	sdelay $0x1  }
0x8a: {  	s1 =	srdreg.scid  }
0x8b: {  	s0 =	sand.u32 $0x1, s1  }
0x8c: {  	s18 =	sshll.u32 s0, $0xA;
	s2 =	sadd.s32 s3, s2  }
0x8d: {  	s2 =	sadd.s32 s2, s18  }
0x8e: {  	[smem:$0x3FC6] =	sst s2  }
0x8f: {  	_ = 	snop  }
0x90: {  	s2 =	sld [smem:$0x3FC9]  }
0x91: {  	s19 =	sld [smem:$0x3FC8]  }
0x92: {  	s4 =	sld [smem:$0x3FD0];
	(tm) =	ssettm $0x1  }
0x93: {  	s5 =	sld [smem:$0x3FFB];
	_ =	sdelay $0x3  }
0x94: {  	_ =	strace s5  }
0x95: {  	s5 =	sld [smem:$0x3FFC];
	_ =	sdelay $0x3  }
0x96: {  	_ =	strace s5  }
0x97: {  	s5 =	sld [smem:$0x3FFD];
	_ =	sdelay $0x3  }
0x98: {  	_ =	strace s5  }
0x99: {  	_ =	strace $0x8FFFFFFF  }
0x9a: {  	s20 =	sld [smem:$0x3FDB];
	_ =	sdelay $0x1  }
0x9b: {  	s6 =	simm.s32 $_scs_section_size  }
0x9c: {  	s7 =	simm.s32 $_size__tile_overlayer_lowered;
	s8 =	simm.s32 $_tile_overlayer_lowered  }
0x9d: {  	s23 =	simm.s32 $0x1BFF;
	s22 =	sshll.u32 s8, $0x1;
	s5 =	sadd.s32 s6, s20  }
0x9e: {  	s9 =	simm.s32 $0x0;
	s21 =	sshll.u32 s7, $0x1;
	s7 =	sadd.s32 s22, s5  }
0x9f: {  	[timem:s9], [sflag:s23] =	dma.local [hbm:s7], s21  }
0xa0: {  	_ =	swait.ge [sflag:s23], s21  }
0xa1: {  	s6 =	ssub.s32 $0x0, s21;
	[sflag:s23] =	ssyncset.done $0x0  }
0xa2: {  	[sflag:s23] =	ssyncadd.s32 s6;
	_ =	sdelay $0x1  }
0xa3: {  	s24 =	simm.s32 $0x1B8B  }
0xa4: {  	_ =	swait.ge [sflag:s24], $0x1  }
0xa5: {  	[sflag:s24] =	ssyncset.done $0x0  }
0xa6: {  	s25 =	simm.s32 $0x1B8E;
	[sflag:s24] =	ssyncadd.s32 $0xFFFFFFFF  }
0xa7: {  	s26 =	simm.s32 $execute0_lowered;
	[smem:$0x3FD2] =	sst s25  }
0xa8: {  	s6 =	sshll.u32 s26, $0x1;
	_ =	strace $0x80000046;
	[dreg:$0x1] =	wrdreg $0xFFFFFFFF  }
0xa9: {  	s28 =	simm.s32 $_size_execute0_lowered;
	s5 =	sadd.s32 s5, s6;
	[dreg:$0x0] =	wrdreg $0x0  }
0xaa: {  	s6 =	sshll.u32 s28, $0x1;
	[dreg:$0x2] =	wrdreg s5  }
0xab: {  	[dreg:$0x3] =	wrdreg s6  }
0xac: {  	[dreg:$0x4] =	wrdreg $0xC0  }
0xad: {  	_ =	task [dreg:s9], $0x5FFFF  }
0xae: {  	[dreg:$0x1] =	wrdreg $0xFFFFFFFF  }
0xaf: {  	[dreg:$0x0] =	wrdreg $0x60  }
0xb0: {  	[dreg:$0x2] =	wrdreg s2  }
0xb1: {  	[dreg:$0x3] =	wrdreg s19  }
0xb2: {  	[dreg:$0x4] =	wrdreg s4  }
0xb3: {  	[dreg:$0x5] =	wrdreg $0x9  }
0xb4: {  	_ =	task.clear_ibuf [dreg:s9], $0x6FFFF;
	_ =	strace $0x90000046  }
0xb5: {  	s29 =	simm.s32 $0x9;
	_ =	strace $0x80000048  }
0xb6: {  	_ =	swait.ge [sflag:s29], $0x1  }
0xb7: {  	[sflag:s29] =	ssyncadd.s32 $0xFFFFFFFF  }
0xb8: {  	_ =	strace $0x90000048  }
0xb9: {  	_ =	sfence  }
0xba: {  	s30 =	sld [smem:$0x0];
	_ =	sdelay $0x2  }
0xbb: {  	s31 =	sshll.u32 s1, $0xD;
	s1 =	sshrl.u32 s1, $0x2  }
0xbc: {  	s3 =	sand.u32 $0x4000, s31;
	s1 =	sadd.s32 s1, s30  }
0xbd: {  	s0 =	sor.u32 s3, s0;
	s1 =	sshll.u32 s1, $0x11  }
0xbe: {  	s0 =	sor.u32 s1, s0  }
0xbf: {  	s0 =	sadd.s32 $0x8F2B, s0  }
0xc0: {  	[sflag:s0] =	ssyncadd.remote.s32 $0x1  }
0xc1: {  	_ =	sfence.sel $0xFFFF  }
0xc2: {  	[dreg:$0x0] =	wrdreg $0xFFFFFFFF;
	(pc) =	sbr.abs _section_cstart, $3  }
0xc3: {  	[dreg:$0x1] =	wrdreg $0xFFFFFFFF  }
0xc4: {  	_ =	task.clear_ibuf [dreg:s9], $0x2FFFF;
	_ =	strace $0x9FFFFFFF  }
0xc5: {  	(tm) =	ssettm $0x7FFFFFFF  }
tec
execute0_lowered:
.L_overlay_start_1:
0x0: {  	(tag) =	ssettag $0x1  }
0x1: {  	s1 =	rddreg [dreg:$0x0]  }
0x2: {  	s3 =	rddreg [dreg:$0x1]  }
0x3: {  	s0 =	rddreg [dreg:$0x2]  }
0x4: {  	s4 =	srdreg.scid;
	s2 =	stileid.u32  }
0x5: {  	s13 =	simm.s32 $0x80;
	s14 =	simm.s32 $0x400;
	s15 =	simm.s32 $0x1  }
0x6: {  	s16 =	simm.s32 $0xC380;
	s17 =	simm.s32 $0x3;
	s18 =	simm.s32 $0x4  }
0x7: {  	s19 =	simm.s32 $0x2;
	s20 =	simm.s32 $0x1A700;
	s21 =	simm.s32 $0x5  }
0x8: {  	s22 =	simm.s32 $0x0;
	s5 =	sand.u32 $0x1, s4;
	s7 =	sshrl.u32 s2, $0x2  }
0x9: {  	s29 =	sshll.u32 s2, $0x8;
	s4 =	simm.s32 $0x0;
	s6 =	smul.u32 $0xC3800, s7  }
0xa: {  	s8 =	sshll.u32 s5, $0x7;
	s9 =	sand.u32 $0x300, s29;
	s5 =	ssub.s32 $0x2, s5  }
0xb: {  	[smem:$0x7FF] =	sst s4;
	s11 =	sshll.u32 s7, $0x11;
	s7 =	sadd.s32 $0x1000, s1  }
0xc: {  	s9 =	sor.u32 s8, s9;
	s30 =	sshrl.u32 s5, $0x1;
	_ =	strace $0x80000047  }
0xd: {  	s8 =	sadd.s32 $0x2000, s1;
	s10 =	sor.u32 s6, s9;
	s12 =	ssub.s32 s5, s30  }
0xe: {  	s11 =	sor.u32 s11, s9;
	s9 =	sadd.s32 $0x3000, s1;
	s31 =	sshrl.u32 s10, $0x3  }
0xf: {  	s6 =	sadd.s32 $0x61C00, s10;
	s10 =	sadd.s32 $0x30E000, s10;
	s11 =	sshrl.u32 s11, $0x3  }
0x10: {  	v0 =	vimm.f32 $0.0e+00;
	s12 =	smax.u32 s12, $0x1;
	s5 =	sadd.s32 s3, s31;
	s11 =	sadd.s32 s0, s11  }
.LBB2_1:
0x11: {  	s0 =	simm.s32 $0x1A740  }
0x12: {  	[tilespmem:s0+$0xFFFFFFC0] =	vst v0  }
0x13: {  	[tilespmem:s0+$0x30] =	vst v0  }
0x14: {  	[tilespmem:s0+$0x20] =	vst v0  }
0x15: {  	[tilespmem:s0+$0x10] =	vst v0  }
0x16: {  	[tilespmem:s0+$0x0] =	vst v0  }
0x17: {  	[tilespmem:s0+$0xFFFFFFF0] =	vst v0  }
0x18: {  	s23 =	simm.s32 $0x0;
	[tilespmem:s0+$0xFFFFFFE0] =	vst v0  }
.LBB2_2:
0x19: {  	s23 =	sadd.s32 $0x8, s23;
	[tilespmem:s0+$0xFFFFFFD0] =	vst v0;
	s0 =	sadd.s32 $0x80, s0  }
0x1a: {  	[tilespmem:s0+$0xFFFFFFC0] =	vst v0;
	p0 =	slt.u32 s23, $0x3F8  }
0x1b: {  	[tilespmem:s0+$0x30] =	vst v0  }
.Ltmp0:
0x1c: {  	[tilespmem:s0+$0x20] =	vst v0;
	(pc) =	sbr.rel @p0 .LBB2_2-.Ltmp0, $4  }
0x1d: {  	[tilespmem:s0+$0x10] =	vst v0  }
0x1e: {  	[tilespmem:s0+$0x0] =	vst v0  }
0x1f: {  	[tilespmem:s0+$0xFFFFFFF0] =	vst v0  }
0x20: {  	[tilespmem:s0+$0xFFFFFFE0] =	vst v0  }
0x21: {  	[tilespmem:s0+$0xFFFFFFD0] =	vst v0;
	s23 =	simm.s32 $0x0  }
0x22: {  	[tilespmem:s23], [sflag:$0x1] =	stream.strided.gather [hbm4b:s5+s13], $0xC380, s14, s13, $0x38;
	[tilespmem:$0x1E700] =	vst v63  }
.LBB2_4:
0x23: {  	s29 =	smul.u32 $0x30E000, s23;
	_ =	sdelay $0x1  }
0x24: {  	_ =	swait.ge [sflag:s15], $0xC380;
	s0 =	sadd.s32 s29, s6  }
0x25: {  	s31 =	sshll.u32 s23, $0xB;
	[sflag:s15] =	ssyncset.done $0x0;
	s0 =	sshrl.u32 s0, $0x3  }
0x26: {  	s24 =	sshll.u32 s23, $0x4;
	[sflag:s15] =	ssyncadd.s32 $0xFFFF3C80;
	s0 =	sadd.s32 s3, s0  }
0x27: {  	[tilespmem:s16], [sflag:$0x2] =	stream.strided.gather [hbm4b:s0+s13], $0xC380, s14, s13, $0x38;
	[tilespmem:$0x1E700] =	vst v63  }
0x28: {  	s24 =	sand.u32 $0x70, s24;
	s0 =	sand.u32 $0xC000, s31  }
0x29: {  	s24 =	sor.u32 s24, s0  }
0x2a: {  	s26 =	simm.s32 $0x80;
	s25 =	sadd.s32 s1, s24  }
0x2b: {  	s28 =	simm.s32 $0x18800;
	s0 =	simm.s32 $0x18700;
	s30 =	sadd.s32 $0x0, s25  }
.LBB2_5:
0x2c: {  	[tilespmem:s0], [sflag:$0x3] =	stream.linear.gather [hbm4b:s30+s4], $0x80, $0x38;
	[tilespmem:$0x1E700] =	vst v63  }
0x2d: {  	s30 =	smov.u32 s26;
	s0 =	smov.u32 s28;
	p0 =	sne.s32 s26, $0xF80  }
.Ltmp1:
0x2e: {  	s26 =	sadd.s32 $0x80, s26;
	(pc) =	sbr.rel @p0 .LBB2_5-.Ltmp1, $2  }
0x2f: {  	_ =	sdelay $0x2  }
0x30: {  	s28 =	sadd.s32 $0x100, s28;
	s30 =	sadd.s32 s30, s25  }
0x31: {  	[tilespmem:s0], [sflag:$0x3] =	stream.linear.gather [hbm4b:s30+s4], $0x80, $0x38;
	[tilespmem:$0x1E700] =	vst v63  }
0x32: {  	_ =	swait.ge [sflag:s17], $0x1000  }
0x33: {  	s28 =	sadd.s32 s24, s7;
	[sflag:s17] =	ssyncset.done $0x0  }
0x34: {  	s0 =	simm.s32 $0x0;
	s26 =	simm.s32 $0x18780;
	[sflag:s17] =	ssyncadd.s32 $0xFFFFF000  }
.LBB2_7:
0x35: {  	p0 =	sne.s32 s0, $0xF80  }
.Ltmp2:
0x36: {  	_ = 	snop;
	(pc) =	sbr.rel @p0 .LBB2_7-.Ltmp2, $4  }
0x37: {  	_ = 	snop  }
0x38: {  	s30 =	sadd.s32 s0, s28  }
0x39: {  	[tilespmem:s26], [sflag:$0x4] =	stream.linear.gather [hbm4b:s30+s4], $0x80, $0x38;
	[tilespmem:$0x1E700] =	vst v63  }
0x3a: {  	s0 =	sadd.s32 $0x80, s0;
	s26 =	sadd.s32 $0x100, s26  }
0x3b: {  	s26 =	simm.s32 $0xFFFFFFF8;
	s30 =	simm.s32 $0x1A770;
	s31 =	simm.s32 $0x18740  }
.LBB2_9:
0x3c: {  	v1 =	vld [tilespmem:s31+$0xFFFFFFC0];
	_ =	sdelay $0x4  }
0x3d: {  	vm0 =	vlt.s32 v1, $0xC37F  }
0x3e: {  	v2 =	vnsel vm0, $0xC37F, v1;
	_ =	sdelay $0x4  }
0x3f: {  	v2 =	vld.idx.msk [tilespmem:v2+s4+$0x0], $0xffff;
	_ =	sdelay $0x3  }
0x40: {  	vm13 =	vlt.s32 v1, $0xC380  }
0x41: {  	v1 =	vnsel vm13, $0x0, v2  }
0x42: {  	[tilespmem:s30+$0xFFFFFF90] =	vst.add.f32.msk $0xffff, v1  }
0x43: {  	v1 =	vld [tilespmem:s31+$0xFFFFFFD0];
	_ =	sdelay $0x4  }
0x44: {  	vm14 =	vlt.s32 v1, $0xC37F  }
0x45: {  	v2 =	vnsel vm14, $0xC37F, v1;
	_ =	sdelay $0x4  }
0x46: {  	v2 =	vld.idx.msk [tilespmem:v2+s4+$0x0], $0xffff;
	_ =	sdelay $0x3  }
0x47: {  	vm15 =	vlt.s32 v1, $0xC380  }
0x48: {  	v1 =	vnsel vm15, $0x0, v2  }
0x49: {  	[tilespmem:s30+$0xFFFFFFA0] =	vst.add.f32.msk $0xffff, v1  }
0x4a: {  	v1 =	vld [tilespmem:s31+$0xFFFFFFE0];
	_ =	sdelay $0x4  }
0x4b: {  	vm4 =	vlt.s32 v1, $0xC37F  }
0x4c: {  	v2 =	vnsel vm4, $0xC37F, v1;
	_ =	sdelay $0x4  }
0x4d: {  	v2 =	vld.idx.msk [tilespmem:v2+s4+$0x0], $0xffff;
	_ =	sdelay $0x3  }
0x4e: {  	vm5 =	vlt.s32 v1, $0xC380  }
0x4f: {  	v1 =	vnsel vm5, $0x0, v2  }
0x50: {  	[tilespmem:s30+$0xFFFFFFB0] =	vst.add.f32.msk $0xffff, v1  }
0x51: {  	v1 =	vld [tilespmem:s31+$0xFFFFFFF0];
	_ =	sdelay $0x4  }
0x52: {  	vm6 =	vlt.s32 v1, $0xC37F  }
0x53: {  	v2 =	vnsel vm6, $0xC37F, v1;
	_ =	sdelay $0x4  }
0x54: {  	v2 =	vld.idx.msk [tilespmem:v2+s4+$0x0], $0xffff;
	_ =	sdelay $0x3  }
0x55: {  	vm7 =	vlt.s32 v1, $0xC380  }
0x56: {  	v1 =	vnsel vm7, $0x0, v2  }
0x57: {  	[tilespmem:s30+$0xFFFFFFC0] =	vst.add.f32.msk $0xffff, v1  }
0x58: {  	v1 =	vld [tilespmem:s31+$0x0];
	_ =	sdelay $0x4  }
0x59: {  	vm8 =	vlt.s32 v1, $0xC37F  }
0x5a: {  	v2 =	vnsel vm8, $0xC37F, v1;
	_ =	sdelay $0x4  }
0x5b: {  	v2 =	vld.idx.msk [tilespmem:v2+s4+$0x0], $0xffff;
	_ =	sdelay $0x3  }
0x5c: {  	vm9 =	vlt.s32 v1, $0xC380  }
0x5d: {  	v1 =	vnsel vm9, $0x0, v2  }
0x5e: {  	[tilespmem:s30+$0xFFFFFFD0] =	vst.add.f32.msk $0xffff, v1  }
0x5f: {  	v1 =	vld [tilespmem:s31+$0x10];
	_ =	sdelay $0x4  }
0x60: {  	vm10 =	vlt.s32 v1, $0xC37F  }
0x61: {  	v2 =	vnsel vm10, $0xC37F, v1;
	_ =	sdelay $0x4  }
0x62: {  	v2 =	vld.idx.msk [tilespmem:v2+s4+$0x0], $0xffff;
	_ =	sdelay $0x3  }
0x63: {  	vm11 =	vlt.s32 v1, $0xC380  }
0x64: {  	v1 =	vnsel vm11, $0x0, v2  }
0x65: {  	[tilespmem:s30+$0xFFFFFFE0] =	vst.add.f32.msk $0xffff, v1  }
0x66: {  	v1 =	vld [tilespmem:s31+$0x20];
	_ =	sdelay $0x4  }
0x67: {  	vm12 =	vlt.s32 v1, $0xC37F  }
0x68: {  	v2 =	vnsel vm12, $0xC37F, v1;
	_ =	sdelay $0x4  }
0x69: {  	v2 =	vld.idx.msk [tilespmem:v2+s4+$0x0], $0xffff;
	_ =	sdelay $0x3  }
0x6a: {  	vm13 =	vlt.s32 v1, $0xC380  }
0x6b: {  	v1 =	vnsel vm13, $0x0, v2  }
0x6c: {  	[tilespmem:s30+$0xFFFFFFF0] =	vst.add.f32.msk $0xffff, v1  }
0x6d: {  	v1 =	vld [tilespmem:s31+$0x30];
	_ =	sdelay $0x4  }
0x6e: {  	vm14 =	vlt.s32 v1, $0xC37F  }
0x6f: {  	v2 =	vnsel vm14, $0xC37F, v1;
	_ =	sdelay $0x4  }
0x70: {  	s26 =	sadd.s32 $0x8, s26;
	v2 =	vld.idx.msk [tilespmem:v2+s4+$0x0], $0xffff  }
0x71: {  	p0 =	slt.u32 s26, $0xF8  }
.Ltmp3:
0x72: {  	_ = 	snop;
	(pc) =	sbr.rel @p0 .LBB2_9-.Ltmp3, $4  }
0x73: {  	_ = 	snop  }
0x74: {  	vm15 =	vlt.s32 v1, $0xC380  }
0x75: {  	v1 =	vnsel vm15, $0x0, v2  }
0x76: {  	s31 =	sadd.s32 $0x100, s31;
	[tilespmem:s30+$0x0] =	vst.add.f32.msk $0xffff, v1;
	s30 =	sadd.s32 $0x80, s30  }
0x77: {  	_ =	swait.ge [sflag:s18], $0x1000  }
0x78: {  	s26 =	sadd.s32 s24, s8;
	[sflag:s18] =	ssyncset.done $0x0  }
0x79: {  	s0 =	simm.s32 $0x0;
	s30 =	simm.s32 $0x18700;
	[sflag:s18] =	ssyncadd.s32 $0xFFFFF000  }
.LBB2_11:
0x7a: {  	p0 =	sne.s32 s0, $0xF80  }
.Ltmp4:
0x7b: {  	_ = 	snop;
	(pc) =	sbr.rel @p0 .LBB2_11-.Ltmp4, $4  }
0x7c: {  	_ = 	snop  }
0x7d: {  	s31 =	sadd.s32 s0, s26  }
0x7e: {  	[tilespmem:s30], [sflag:$0x3] =	stream.linear.gather [hbm4b:s31+s4], $0x80, $0x38;
	[tilespmem:$0x1E700] =	vst v63  }
0x7f: {  	s0 =	sadd.s32 $0x80, s0;
	s30 =	sadd.s32 $0x100, s30  }
0x80: {  	s30 =	simm.s32 $0xFFFFFFF8;
	s31 =	simm.s32 $0x1B770;
	s0 =	simm.s32 $0x187F0  }
.LBB2_13:
0x81: {  	v1 =	vld [tilespmem:s0+$0xFFFFFF90];
	_ =	sdelay $0x4  }
0x82: {  	vm0 =	vlt.s32 v1, $0xC37F  }
0x83: {  	v2 =	vnsel vm0, $0xC37F, v1;
	_ =	sdelay $0x4  }
0x84: {  	v2 =	vld.idx.msk [tilespmem:v2+s4+$0x0], $0xffff;
	_ =	sdelay $0x3  }
0x85: {  	vm13 =	vlt.s32 v1, $0xC380  }
0x86: {  	v1 =	vnsel vm13, $0x0, v2  }
0x87: {  	[tilespmem:s31+$0xFFFFFF90] =	vst.add.f32.msk $0xffff, v1  }
0x88: {  	v1 =	vld [tilespmem:s0+$0xFFFFFFA0];
	_ =	sdelay $0x4  }
0x89: {  	vm14 =	vlt.s32 v1, $0xC37F  }
0x8a: {  	v2 =	vnsel vm14, $0xC37F, v1;
	_ =	sdelay $0x4  }
0x8b: {  	v2 =	vld.idx.msk [tilespmem:v2+s4+$0x0], $0xffff;
	_ =	sdelay $0x3  }
0x8c: {  	vm15 =	vlt.s32 v1, $0xC380  }
0x8d: {  	v1 =	vnsel vm15, $0x0, v2  }
0x8e: {  	[tilespmem:s31+$0xFFFFFFA0] =	vst.add.f32.msk $0xffff, v1  }
0x8f: {  	v1 =	vld [tilespmem:s0+$0xFFFFFFB0];
	_ =	sdelay $0x4  }
0x90: {  	vm4 =	vlt.s32 v1, $0xC37F  }
0x91: {  	v2 =	vnsel vm4, $0xC37F, v1;
	_ =	sdelay $0x4  }
0x92: {  	v2 =	vld.idx.msk [tilespmem:v2+s4+$0x0], $0xffff;
	_ =	sdelay $0x3  }
0x93: {  	vm5 =	vlt.s32 v1, $0xC380  }
0x94: {  	v1 =	vnsel vm5, $0x0, v2  }
0x95: {  	[tilespmem:s31+$0xFFFFFFB0] =	vst.add.f32.msk $0xffff, v1  }
0x96: {  	v1 =	vld [tilespmem:s0+$0xFFFFFFC0];
	_ =	sdelay $0x4  }
0x97: {  	vm6 =	vlt.s32 v1, $0xC37F  }
0x98: {  	v2 =	vnsel vm6, $0xC37F, v1;
	_ =	sdelay $0x4  }
0x99: {  	v2 =	vld.idx.msk [tilespmem:v2+s4+$0x0], $0xffff;
	_ =	sdelay $0x3  }
0x9a: {  	vm7 =	vlt.s32 v1, $0xC380  }
0x9b: {  	v1 =	vnsel vm7, $0x0, v2  }
0x9c: {  	[tilespmem:s31+$0xFFFFFFC0] =	vst.add.f32.msk $0xffff, v1  }
0x9d: {  	v1 =	vld [tilespmem:s0+$0xFFFFFFD0];
	_ =	sdelay $0x4  }
0x9e: {  	vm8 =	vlt.s32 v1, $0xC37F  }
0x9f: {  	v2 =	vnsel vm8, $0xC37F, v1;
	_ =	sdelay $0x4  }
0xa0: {  	v2 =	vld.idx.msk [tilespmem:v2+s4+$0x0], $0xffff;
	_ =	sdelay $0x3  }
0xa1: {  	vm9 =	vlt.s32 v1, $0xC380  }
0xa2: {  	v1 =	vnsel vm9, $0x0, v2  }
0xa3: {  	[tilespmem:s31+$0xFFFFFFD0] =	vst.add.f32.msk $0xffff, v1  }
0xa4: {  	v1 =	vld [tilespmem:s0+$0xFFFFFFE0];
	_ =	sdelay $0x4  }
0xa5: {  	vm10 =	vlt.s32 v1, $0xC37F  }
0xa6: {  	v2 =	vnsel vm10, $0xC37F, v1;
	_ =	sdelay $0x4  }
0xa7: {  	v2 =	vld.idx.msk [tilespmem:v2+s4+$0x0], $0xffff;
	_ =	sdelay $0x3  }
0xa8: {  	vm11 =	vlt.s32 v1, $0xC380  }
0xa9: {  	v1 =	vnsel vm11, $0x0, v2  }
0xaa: {  	[tilespmem:s31+$0xFFFFFFE0] =	vst.add.f32.msk $0xffff, v1  }
0xab: {  	v1 =	vld [tilespmem:s0+$0xFFFFFFF0];
	_ =	sdelay $0x4  }
0xac: {  	vm12 =	vlt.s32 v1, $0xC37F  }
0xad: {  	v2 =	vnsel vm12, $0xC37F, v1;
	_ =	sdelay $0x4  }
0xae: {  	v2 =	vld.idx.msk [tilespmem:v2+s4+$0x0], $0xffff;
	_ =	sdelay $0x3  }
0xaf: {  	vm13 =	vlt.s32 v1, $0xC380  }
0xb0: {  	v1 =	vnsel vm13, $0x0, v2  }
0xb1: {  	[tilespmem:s31+$0xFFFFFFF0] =	vst.add.f32.msk $0xffff, v1  }
0xb2: {  	v1 =	vld [tilespmem:s0+$0x0];
	_ =	sdelay $0x4  }
0xb3: {  	vm14 =	vlt.s32 v1, $0xC37F  }
0xb4: {  	v2 =	vnsel vm14, $0xC37F, v1;
	_ =	sdelay $0x4  }
0xb5: {  	s30 =	sadd.s32 $0x8, s30;
	v2 =	vld.idx.msk [tilespmem:v2+s4+$0x0], $0xffff  }
0xb6: {  	p0 =	slt.u32 s30, $0xF8  }
.Ltmp5:
0xb7: {  	_ = 	snop;
	(pc) =	sbr.rel @p0 .LBB2_13-.Ltmp5, $4  }
0xb8: {  	_ = 	snop  }
0xb9: {  	vm15 =	vlt.s32 v1, $0xC380  }
0xba: {  	v1 =	vnsel vm15, $0x0, v2  }
0xbb: {  	s0 =	sadd.s32 $0x100, s0;
	[tilespmem:s31+$0x0] =	vst.add.f32.msk $0xffff, v1;
	s31 =	sadd.s32 $0x80, s31  }
0xbc: {  	_ =	swait.ge [sflag:s17], $0x1000  }
0xbd: {  	s24 =	sadd.s32 s24, s9;
	[sflag:s17] =	ssyncset.done $0x0  }
0xbe: {  	s0 =	simm.s32 $0x0;
	s30 =	simm.s32 $0x18780;
	[sflag:s17] =	ssyncadd.s32 $0xFFFFF000  }
.LBB2_15:
0xbf: {  	p0 =	sne.s32 s0, $0xF80  }
.Ltmp6:
0xc0: {  	_ = 	snop;
	(pc) =	sbr.rel @p0 .LBB2_15-.Ltmp6, $4  }
0xc1: {  	_ = 	snop  }
0xc2: {  	s31 =	sadd.s32 s0, s24  }
0xc3: {  	[tilespmem:s30], [sflag:$0x4] =	stream.linear.gather [hbm4b:s31+s4], $0x80, $0x38;
	[tilespmem:$0x1E700] =	vst v63  }
0xc4: {  	s0 =	sadd.s32 $0x80, s0;
	s30 =	sadd.s32 $0x100, s30  }
0xc5: {  	s30 =	simm.s32 $0xFFFFFFF8;
	s31 =	simm.s32 $0x1C770;
	s0 =	simm.s32 $0x18740  }
.LBB2_17:
0xc6: {  	v1 =	vld [tilespmem:s0+$0xFFFFFFC0];
	_ =	sdelay $0x4  }
0xc7: {  	vm0 =	vlt.s32 v1, $0xC37F  }
0xc8: {  	v2 =	vnsel vm0, $0xC37F, v1;
	_ =	sdelay $0x4  }
0xc9: {  	v2 =	vld.idx.msk [tilespmem:v2+s4+$0x0], $0xffff;
	_ =	sdelay $0x3  }
0xca: {  	vm13 =	vlt.s32 v1, $0xC380  }
0xcb: {  	v1 =	vnsel vm13, $0x0, v2  }
0xcc: {  	[tilespmem:s31+$0xFFFFFF90] =	vst.add.f32.msk $0xffff, v1  }
0xcd: {  	v1 =	vld [tilespmem:s0+$0xFFFFFFD0];
	_ =	sdelay $0x4  }
0xce: {  	vm14 =	vlt.s32 v1, $0xC37F  }
0xcf: {  	v2 =	vnsel vm14, $0xC37F, v1;
	_ =	sdelay $0x4  }
0xd0: {  	v2 =	vld.idx.msk [tilespmem:v2+s4+$0x0], $0xffff;
	_ =	sdelay $0x3  }
0xd1: {  	vm15 =	vlt.s32 v1, $0xC380  }
0xd2: {  	v1 =	vnsel vm15, $0x0, v2  }
0xd3: {  	[tilespmem:s31+$0xFFFFFFA0] =	vst.add.f32.msk $0xffff, v1  }
0xd4: {  	v1 =	vld [tilespmem:s0+$0xFFFFFFE0];
	_ =	sdelay $0x4  }
0xd5: {  	vm4 =	vlt.s32 v1, $0xC37F  }
0xd6: {  	v2 =	vnsel vm4, $0xC37F, v1;
	_ =	sdelay $0x4  }
0xd7: {  	v2 =	vld.idx.msk [tilespmem:v2+s4+$0x0], $0xffff;
	_ =	sdelay $0x3  }
0xd8: {  	vm5 =	vlt.s32 v1, $0xC380  }
0xd9: {  	v1 =	vnsel vm5, $0x0, v2  }
0xda: {  	[tilespmem:s31+$0xFFFFFFB0] =	vst.add.f32.msk $0xffff, v1  }
0xdb: {  	v1 =	vld [tilespmem:s0+$0xFFFFFFF0];
	_ =	sdelay $0x4  }
0xdc: {  	vm6 =	vlt.s32 v1, $0xC37F  }
0xdd: {  	v2 =	vnsel vm6, $0xC37F, v1;
	_ =	sdelay $0x4  }
0xde: {  	v2 =	vld.idx.msk [tilespmem:v2+s4+$0x0], $0xffff;
	_ =	sdelay $0x3  }
0xdf: {  	vm7 =	vlt.s32 v1, $0xC380  }
0xe0: {  	v1 =	vnsel vm7, $0x0, v2  }
0xe1: {  	[tilespmem:s31+$0xFFFFFFC0] =	vst.add.f32.msk $0xffff, v1  }
0xe2: {  	v1 =	vld [tilespmem:s0+$0x0];
	_ =	sdelay $0x4  }
0xe3: {  	vm8 =	vlt.s32 v1, $0xC37F  }
0xe4: {  	v2 =	vnsel vm8, $0xC37F, v1;
	_ =	sdelay $0x4  }
0xe5: {  	v2 =	vld.idx.msk [tilespmem:v2+s4+$0x0], $0xffff;
	_ =	sdelay $0x3  }
0xe6: {  	vm9 =	vlt.s32 v1, $0xC380  }
0xe7: {  	v1 =	vnsel vm9, $0x0, v2  }
0xe8: {  	[tilespmem:s31+$0xFFFFFFD0] =	vst.add.f32.msk $0xffff, v1  }
0xe9: {  	v1 =	vld [tilespmem:s0+$0x10];
	_ =	sdelay $0x4  }
0xea: {  	vm10 =	vlt.s32 v1, $0xC37F  }
0xeb: {  	v2 =	vnsel vm10, $0xC37F, v1;
	_ =	sdelay $0x4  }
0xec: {  	v2 =	vld.idx.msk [tilespmem:v2+s4+$0x0], $0xffff;
	_ =	sdelay $0x3  }
0xed: {  	vm11 =	vlt.s32 v1, $0xC380  }
0xee: {  	v1 =	vnsel vm11, $0x0, v2  }
0xef: {  	[tilespmem:s31+$0xFFFFFFE0] =	vst.add.f32.msk $0xffff, v1  }
0xf0: {  	v1 =	vld [tilespmem:s0+$0x20];
	_ =	sdelay $0x4  }
0xf1: {  	vm12 =	vlt.s32 v1, $0xC37F  }
0xf2: {  	v2 =	vnsel vm12, $0xC37F, v1;
	_ =	sdelay $0x4  }
0xf3: {  	v2 =	vld.idx.msk [tilespmem:v2+s4+$0x0], $0xffff;
	_ =	sdelay $0x3  }
0xf4: {  	vm13 =	vlt.s32 v1, $0xC380  }
0xf5: {  	v1 =	vnsel vm13, $0x0, v2  }
0xf6: {  	[tilespmem:s31+$0xFFFFFFF0] =	vst.add.f32.msk $0xffff, v1  }
0xf7: {  	v1 =	vld [tilespmem:s0+$0x30];
	_ =	sdelay $0x4  }
0xf8: {  	vm14 =	vlt.s32 v1, $0xC37F  }
0xf9: {  	v2 =	vnsel vm14, $0xC37F, v1;
	_ =	sdelay $0x4  }
0xfa: {  	s30 =	sadd.s32 $0x8, s30;
	v2 =	vld.idx.msk [tilespmem:v2+s4+$0x0], $0xffff  }
0xfb: {  	p0 =	slt.u32 s30, $0xF8  }
.Ltmp7:
0xfc: {  	_ = 	snop;
	(pc) =	sbr.rel @p0 .LBB2_17-.Ltmp7, $4  }
0xfd: {  	_ = 	snop  }
0xfe: {  	vm15 =	vlt.s32 v1, $0xC380  }
0xff: {  	v1 =	vnsel vm15, $0x0, v2  }
0x100: {  	s0 =	sadd.s32 $0x100, s0;
	[tilespmem:s31+$0x0] =	vst.add.f32.msk $0xffff, v1;
	s31 =	sadd.s32 $0x80, s31  }
0x101: {  	_ =	swait.ge [sflag:s18], $0x1000  }
0x102: {  	s30 =	simm.s32 $0xFFFFFFF8;
	[sflag:s18] =	ssyncset.done $0x0  }
0x103: {  	s31 =	simm.s32 $0x1D770;
	s0 =	simm.s32 $0x187F0;
	[sflag:s18] =	ssyncadd.s32 $0xFFFFF000  }
.LBB2_19:
0x104: {  	v1 =	vld [tilespmem:s0+$0xFFFFFF90];
	_ =	sdelay $0x4  }
0x105: {  	vm0 =	vlt.s32 v1, $0xC37F  }
0x106: {  	v2 =	vnsel vm0, $0xC37F, v1;
	_ =	sdelay $0x4  }
0x107: {  	v2 =	vld.idx.msk [tilespmem:v2+s4+$0x0], $0xffff;
	_ =	sdelay $0x3  }
0x108: {  	vm13 =	vlt.s32 v1, $0xC380  }
0x109: {  	v1 =	vnsel vm13, $0x0, v2  }
0x10a: {  	[tilespmem:s31+$0xFFFFFF90] =	vst.add.f32.msk $0xffff, v1  }
0x10b: {  	v1 =	vld [tilespmem:s0+$0xFFFFFFA0];
	_ =	sdelay $0x4  }
0x10c: {  	vm14 =	vlt.s32 v1, $0xC37F  }
0x10d: {  	v2 =	vnsel vm14, $0xC37F, v1;
	_ =	sdelay $0x4  }
0x10e: {  	v2 =	vld.idx.msk [tilespmem:v2+s4+$0x0], $0xffff;
	_ =	sdelay $0x3  }
0x10f: {  	vm15 =	vlt.s32 v1, $0xC380  }
0x110: {  	v1 =	vnsel vm15, $0x0, v2  }
0x111: {  	[tilespmem:s31+$0xFFFFFFA0] =	vst.add.f32.msk $0xffff, v1  }
0x112: {  	v1 =	vld [tilespmem:s0+$0xFFFFFFB0];
	_ =	sdelay $0x4  }
0x113: {  	vm4 =	vlt.s32 v1, $0xC37F  }
0x114: {  	v2 =	vnsel vm4, $0xC37F, v1;
	_ =	sdelay $0x4  }
0x115: {  	v2 =	vld.idx.msk [tilespmem:v2+s4+$0x0], $0xffff;
	_ =	sdelay $0x3  }
0x116: {  	vm5 =	vlt.s32 v1, $0xC380  }
0x117: {  	v1 =	vnsel vm5, $0x0, v2  }
0x118: {  	[tilespmem:s31+$0xFFFFFFB0] =	vst.add.f32.msk $0xffff, v1  }
0x119: {  	v1 =	vld [tilespmem:s0+$0xFFFFFFC0];
	_ =	sdelay $0x4  }
0x11a: {  	vm6 =	vlt.s32 v1, $0xC37F  }
0x11b: {  	v2 =	vnsel vm6, $0xC37F, v1;
	_ =	sdelay $0x4  }
0x11c: {  	v2 =	vld.idx.msk [tilespmem:v2+s4+$0x0], $0xffff;
	_ =	sdelay $0x3  }
0x11d: {  	vm7 =	vlt.s32 v1, $0xC380  }
0x11e: {  	v1 =	vnsel vm7, $0x0, v2  }
0x11f: {  	[tilespmem:s31+$0xFFFFFFC0] =	vst.add.f32.msk $0xffff, v1  }
0x120: {  	v1 =	vld [tilespmem:s0+$0xFFFFFFD0];
	_ =	sdelay $0x4  }
0x121: {  	vm8 =	vlt.s32 v1, $0xC37F  }
0x122: {  	v2 =	vnsel vm8, $0xC37F, v1;
	_ =	sdelay $0x4  }
0x123: {  	v2 =	vld.idx.msk [tilespmem:v2+s4+$0x0], $0xffff;
	_ =	sdelay $0x3  }
0x124: {  	vm9 =	vlt.s32 v1, $0xC380  }
0x125: {  	v1 =	vnsel vm9, $0x0, v2  }
0x126: {  	[tilespmem:s31+$0xFFFFFFD0] =	vst.add.f32.msk $0xffff, v1  }
0x127: {  	v1 =	vld [tilespmem:s0+$0xFFFFFFE0];
	_ =	sdelay $0x4  }
0x128: {  	vm10 =	vlt.s32 v1, $0xC37F  }
0x129: {  	v2 =	vnsel vm10, $0xC37F, v1;
	_ =	sdelay $0x4  }
0x12a: {  	v2 =	vld.idx.msk [tilespmem:v2+s4+$0x0], $0xffff;
	_ =	sdelay $0x3  }
0x12b: {  	vm11 =	vlt.s32 v1, $0xC380  }
0x12c: {  	v1 =	vnsel vm11, $0x0, v2  }
0x12d: {  	[tilespmem:s31+$0xFFFFFFE0] =	vst.add.f32.msk $0xffff, v1  }
0x12e: {  	v1 =	vld [tilespmem:s0+$0xFFFFFFF0];
	_ =	sdelay $0x4  }
0x12f: {  	vm12 =	vlt.s32 v1, $0xC37F  }
0x130: {  	v2 =	vnsel vm12, $0xC37F, v1;
	_ =	sdelay $0x4  }
0x131: {  	v2 =	vld.idx.msk [tilespmem:v2+s4+$0x0], $0xffff;
	_ =	sdelay $0x3  }
0x132: {  	vm13 =	vlt.s32 v1, $0xC380  }
0x133: {  	v1 =	vnsel vm13, $0x0, v2  }
0x134: {  	[tilespmem:s31+$0xFFFFFFF0] =	vst.add.f32.msk $0xffff, v1  }
0x135: {  	v1 =	vld [tilespmem:s0+$0x0];
	_ =	sdelay $0x4  }
0x136: {  	vm14 =	vlt.s32 v1, $0xC37F  }
0x137: {  	v2 =	vnsel vm14, $0xC37F, v1;
	_ =	sdelay $0x4  }
0x138: {  	s30 =	sadd.s32 $0x8, s30;
	v2 =	vld.idx.msk [tilespmem:v2+s4+$0x0], $0xffff  }
0x139: {  	p0 =	slt.u32 s30, $0xF8  }
.Ltmp8:
0x13a: {  	_ = 	snop;
	(pc) =	sbr.rel @p0 .LBB2_19-.Ltmp8, $4  }
0x13b: {  	_ = 	snop  }
0x13c: {  	vm15 =	vlt.s32 v1, $0xC380  }
0x13d: {  	v1 =	vnsel vm15, $0x0, v2  }
0x13e: {  	s0 =	sadd.s32 $0x100, s0;
	[tilespmem:s31+$0x0] =	vst.add.f32.msk $0xffff, v1;
	s31 =	sadd.s32 $0x80, s31  }
0x13f: {  	p0 =	seq.s32 s23, $0x19;
	_ =	swait.ge [sflag:s19], $0xC380  }
0x140: {  	s0 =	sadd.s32 @!p0 s29, s10;
	[sflag:s19] =	ssyncset.done $0x0  }
0x141: {  	s29 =	simm.s32 @!p0 $0x80;
	s30 =	simm.s32 @!p0 $0x400;
	s0 =	sshrl.u32 @!p0 s0, $0x3  }
0x142: {  	s31 =	simm.s32 @!p0 $0x0;
	[sflag:s19] =	ssyncadd.s32 $0xFFFF3C80;
	s0 =	sadd.s32 @!p0 s3, s0  }
0x143: {  	[tilespmem:s31], [sflag:$0x1] =	stream.strided.gather @!p0 [hbm4b:s0+s29], $0xC380, s30, s29, $0x38;
	[tilespmem:$0x1E700] =	vst v63  }
0x144: {  	s0 =	simm.s32 $0x18700  }
0x145: {  	s29 =	simm.s32 $0x80;
	s31 =	sadd.s32 $0x0, s25;
	s30 =	simm.s32 $0x18800  }
.LBB2_21:
0x146: {  	[tilespmem:s0], [sflag:$0x3] =	stream.linear.gather [hbm4b:s31+s4], $0x80, $0x38;
	[tilespmem:$0x1E700] =	vst v63  }
0x147: {  	s31 =	smov.u32 s29;
	s0 =	smov.u32 s30;
	p0 =	sne.s32 s29, $0xF80  }
.Ltmp9:
0x148: {  	s29 =	sadd.s32 $0x80, s29;
	(pc) =	sbr.rel @p0 .LBB2_21-.Ltmp9, $2  }
0x149: {  	_ =	sdelay $0x2  }
0x14a: {  	s30 =	sadd.s32 $0x100, s30;
	s31 =	sadd.s32 s31, s25  }
0x14b: {  	[tilespmem:s0], [sflag:$0x3] =	stream.linear.gather [hbm4b:s31+s4], $0x80, $0x38;
	[tilespmem:$0x1E700] =	vst v63  }
0x14c: {  	_ =	swait.ge [sflag:s17], $0x1000  }
0x14d: {  	[sflag:s17] =	ssyncset.done $0x0  }
0x14e: {  	s0 =	simm.s32 $0x0;
	s25 =	simm.s32 $0x18780;
	[sflag:s17] =	ssyncadd.s32 $0xFFFFF000  }
.LBB2_23:
0x14f: {  	p0 =	sne.s32 s0, $0xF80  }
.Ltmp10:
0x150: {  	_ = 	snop;
	(pc) =	sbr.rel @p0 .LBB2_23-.Ltmp10, $4  }
0x151: {  	_ = 	snop  }
0x152: {  	s29 =	sadd.s32 s0, s28  }
0x153: {  	[tilespmem:s25], [sflag:$0x4] =	stream.linear.gather [hbm4b:s29+s4], $0x80, $0x38;
	[tilespmem:$0x1E700] =	vst v63  }
0x154: {  	s0 =	sadd.s32 $0x80, s0;
	s25 =	sadd.s32 $0x100, s25  }
0x155: {  	s25 =	simm.s32 $0xFFFFFFF8;
	s28 =	simm.s32 $0x1A770;
	s29 =	simm.s32 $0x18740  }
.LBB2_25:
0x156: {  	v1 =	vld [tilespmem:s29+$0xFFFFFFC0];
	_ =	sdelay $0x4  }
0x157: {  	v2 =	vadd.s32 $0xFFFF3C80, v1  }
0x158: {  	vm0 =	vgt.s32 v2, $0x0  }
0x159: {  	v2 =	vnsel vm0, $0x0, v2;
	_ =	sdelay $0x4  }
0x15a: {  	v2 =	vld.idx.msk [tilespmem:v2+s16+$0x0], $0xffff;
	_ =	sdelay $0x3  }
0x15b: {  	vm13 =	vgt.s32 v1, $0xC37F  }
0x15c: {  	v1 =	vnsel vm13, $0x0, v2  }
0x15d: {  	[tilespmem:s28+$0xFFFFFF90] =	vst.add.f32.msk $0xffff, v1  }
0x15e: {  	v1 =	vld [tilespmem:s29+$0xFFFFFFD0];
	_ =	sdelay $0x4  }
0x15f: {  	v2 =	vadd.s32 $0xFFFF3C80, v1  }
0x160: {  	vm14 =	vgt.s32 v2, $0x0  }
0x161: {  	v2 =	vnsel vm14, $0x0, v2;
	_ =	sdelay $0x4  }
0x162: {  	v2 =	vld.idx.msk [tilespmem:v2+s16+$0x0], $0xffff;
	_ =	sdelay $0x3  }
0x163: {  	vm15 =	vgt.s32 v1, $0xC37F  }
0x164: {  	v1 =	vnsel vm15, $0x0, v2  }
0x165: {  	[tilespmem:s28+$0xFFFFFFA0] =	vst.add.f32.msk $0xffff, v1  }
0x166: {  	v1 =	vld [tilespmem:s29+$0xFFFFFFE0];
	_ =	sdelay $0x4  }
0x167: {  	v2 =	vadd.s32 $0xFFFF3C80, v1  }
0x168: {  	vm4 =	vgt.s32 v2, $0x0  }
0x169: {  	v2 =	vnsel vm4, $0x0, v2;
	_ =	sdelay $0x4  }
0x16a: {  	v2 =	vld.idx.msk [tilespmem:v2+s16+$0x0], $0xffff;
	_ =	sdelay $0x3  }
0x16b: {  	vm5 =	vgt.s32 v1, $0xC37F  }
0x16c: {  	v1 =	vnsel vm5, $0x0, v2  }
0x16d: {  	[tilespmem:s28+$0xFFFFFFB0] =	vst.add.f32.msk $0xffff, v1  }
0x16e: {  	v1 =	vld [tilespmem:s29+$0xFFFFFFF0];
	_ =	sdelay $0x4  }
0x16f: {  	v2 =	vadd.s32 $0xFFFF3C80, v1  }
0x170: {  	vm6 =	vgt.s32 v2, $0x0  }
0x171: {  	v2 =	vnsel vm6, $0x0, v2;
	_ =	sdelay $0x4  }
0x172: {  	v2 =	vld.idx.msk [tilespmem:v2+s16+$0x0], $0xffff;
	_ =	sdelay $0x3  }
0x173: {  	vm7 =	vgt.s32 v1, $0xC37F  }
0x174: {  	v1 =	vnsel vm7, $0x0, v2  }
0x175: {  	[tilespmem:s28+$0xFFFFFFC0] =	vst.add.f32.msk $0xffff, v1  }
0x176: {  	v1 =	vld [tilespmem:s29+$0x0];
	_ =	sdelay $0x4  }
0x177: {  	v2 =	vadd.s32 $0xFFFF3C80, v1  }
0x178: {  	vm8 =	vgt.s32 v2, $0x0  }
0x179: {  	v2 =	vnsel vm8, $0x0, v2;
	_ =	sdelay $0x4  }
0x17a: {  	v2 =	vld.idx.msk [tilespmem:v2+s16+$0x0], $0xffff;
	_ =	sdelay $0x3  }
0x17b: {  	vm9 =	vgt.s32 v1, $0xC37F  }
0x17c: {  	v1 =	vnsel vm9, $0x0, v2  }
0x17d: {  	[tilespmem:s28+$0xFFFFFFD0] =	vst.add.f32.msk $0xffff, v1  }
0x17e: {  	v1 =	vld [tilespmem:s29+$0x10];
	_ =	sdelay $0x4  }
0x17f: {  	v2 =	vadd.s32 $0xFFFF3C80, v1  }
0x180: {  	vm10 =	vgt.s32 v2, $0x0  }
0x181: {  	v2 =	vnsel vm10, $0x0, v2;
	_ =	sdelay $0x4  }
0x182: {  	v2 =	vld.idx.msk [tilespmem:v2+s16+$0x0], $0xffff;
	_ =	sdelay $0x3  }
0x183: {  	vm11 =	vgt.s32 v1, $0xC37F  }
0x184: {  	v1 =	vnsel vm11, $0x0, v2  }
0x185: {  	[tilespmem:s28+$0xFFFFFFE0] =	vst.add.f32.msk $0xffff, v1  }
0x186: {  	v1 =	vld [tilespmem:s29+$0x20];
	_ =	sdelay $0x4  }
0x187: {  	v2 =	vadd.s32 $0xFFFF3C80, v1  }
0x188: {  	vm12 =	vgt.s32 v2, $0x0  }
0x189: {  	v2 =	vnsel vm12, $0x0, v2;
	_ =	sdelay $0x4  }
0x18a: {  	v2 =	vld.idx.msk [tilespmem:v2+s16+$0x0], $0xffff;
	_ =	sdelay $0x3  }
0x18b: {  	vm13 =	vgt.s32 v1, $0xC37F  }
0x18c: {  	v1 =	vnsel vm13, $0x0, v2  }
0x18d: {  	[tilespmem:s28+$0xFFFFFFF0] =	vst.add.f32.msk $0xffff, v1  }
0x18e: {  	v1 =	vld [tilespmem:s29+$0x30];
	_ =	sdelay $0x4  }
0x18f: {  	v2 =	vadd.s32 $0xFFFF3C80, v1  }
0x190: {  	vm14 =	vgt.s32 v2, $0x0  }
0x191: {  	v2 =	vnsel vm14, $0x0, v2;
	_ =	sdelay $0x4  }
0x192: {  	s25 =	sadd.s32 $0x8, s25;
	v2 =	vld.idx.msk [tilespmem:v2+s16+$0x0], $0xffff  }
0x193: {  	p0 =	slt.u32 s25, $0xF8  }
.Ltmp11:
0x194: {  	_ = 	snop;
	(pc) =	sbr.rel @p0 .LBB2_25-.Ltmp11, $4  }
0x195: {  	_ = 	snop  }
0x196: {  	vm15 =	vgt.s32 v1, $0xC37F  }
0x197: {  	v1 =	vnsel vm15, $0x0, v2  }
0x198: {  	s29 =	sadd.s32 $0x100, s29;
	[tilespmem:s28+$0x0] =	vst.add.f32.msk $0xffff, v1;
	s28 =	sadd.s32 $0x80, s28  }
0x199: {  	_ =	swait.ge [sflag:s18], $0x1000  }
0x19a: {  	[sflag:s18] =	ssyncset.done $0x0  }
0x19b: {  	s0 =	simm.s32 $0x0;
	s25 =	simm.s32 $0x18700;
	[sflag:s18] =	ssyncadd.s32 $0xFFFFF000  }
.LBB2_27:
0x19c: {  	p0 =	sne.s32 s0, $0xF80  }
.Ltmp12:
0x19d: {  	_ = 	snop;
	(pc) =	sbr.rel @p0 .LBB2_27-.Ltmp12, $4  }
0x19e: {  	_ = 	snop  }
0x19f: {  	s28 =	sadd.s32 s0, s26  }
0x1a0: {  	[tilespmem:s25], [sflag:$0x3] =	stream.linear.gather [hbm4b:s28+s4], $0x80, $0x38;
	[tilespmem:$0x1E700] =	vst v63  }
0x1a1: {  	s0 =	sadd.s32 $0x80, s0;
	s25 =	sadd.s32 $0x100, s25  }
0x1a2: {  	s25 =	simm.s32 $0xFFFFFFF8;
	s26 =	simm.s32 $0x1B770;
	s28 =	simm.s32 $0x187F0  }
.LBB2_29:
0x1a3: {  	v1 =	vld [tilespmem:s28+$0xFFFFFF90];
	_ =	sdelay $0x4  }
0x1a4: {  	v2 =	vadd.s32 $0xFFFF3C80, v1  }
0x1a5: {  	vm0 =	vgt.s32 v2, $0x0  }
0x1a6: {  	v2 =	vnsel vm0, $0x0, v2;
	_ =	sdelay $0x4  }
0x1a7: {  	v2 =	vld.idx.msk [tilespmem:v2+s16+$0x0], $0xffff;
	_ =	sdelay $0x3  }
0x1a8: {  	vm13 =	vgt.s32 v1, $0xC37F  }
0x1a9: {  	v1 =	vnsel vm13, $0x0, v2  }
0x1aa: {  	[tilespmem:s26+$0xFFFFFF90] =	vst.add.f32.msk $0xffff, v1  }
0x1ab: {  	v1 =	vld [tilespmem:s28+$0xFFFFFFA0];
	_ =	sdelay $0x4  }
0x1ac: {  	v2 =	vadd.s32 $0xFFFF3C80, v1  }
0x1ad: {  	vm14 =	vgt.s32 v2, $0x0  }
0x1ae: {  	v2 =	vnsel vm14, $0x0, v2;
	_ =	sdelay $0x4  }
0x1af: {  	v2 =	vld.idx.msk [tilespmem:v2+s16+$0x0], $0xffff;
	_ =	sdelay $0x3  }
0x1b0: {  	vm15 =	vgt.s32 v1, $0xC37F  }
0x1b1: {  	v1 =	vnsel vm15, $0x0, v2  }
0x1b2: {  	[tilespmem:s26+$0xFFFFFFA0] =	vst.add.f32.msk $0xffff, v1  }
0x1b3: {  	v1 =	vld [tilespmem:s28+$0xFFFFFFB0];
	_ =	sdelay $0x4  }
0x1b4: {  	v2 =	vadd.s32 $0xFFFF3C80, v1  }
0x1b5: {  	vm4 =	vgt.s32 v2, $0x0  }
0x1b6: {  	v2 =	vnsel vm4, $0x0, v2;
	_ =	sdelay $0x4  }
0x1b7: {  	v2 =	vld.idx.msk [tilespmem:v2+s16+$0x0], $0xffff;
	_ =	sdelay $0x3  }
0x1b8: {  	vm5 =	vgt.s32 v1, $0xC37F  }
0x1b9: {  	v1 =	vnsel vm5, $0x0, v2  }
0x1ba: {  	[tilespmem:s26+$0xFFFFFFB0] =	vst.add.f32.msk $0xffff, v1  }
0x1bb: {  	v1 =	vld [tilespmem:s28+$0xFFFFFFC0];
	_ =	sdelay $0x4  }
0x1bc: {  	v2 =	vadd.s32 $0xFFFF3C80, v1  }
0x1bd: {  	vm6 =	vgt.s32 v2, $0x0  }
0x1be: {  	v2 =	vnsel vm6, $0x0, v2;
	_ =	sdelay $0x4  }
0x1bf: {  	v2 =	vld.idx.msk [tilespmem:v2+s16+$0x0], $0xffff;
	_ =	sdelay $0x3  }
0x1c0: {  	vm7 =	vgt.s32 v1, $0xC37F  }
0x1c1: {  	v1 =	vnsel vm7, $0x0, v2  }
0x1c2: {  	[tilespmem:s26+$0xFFFFFFC0] =	vst.add.f32.msk $0xffff, v1  }
0x1c3: {  	v1 =	vld [tilespmem:s28+$0xFFFFFFD0];
	_ =	sdelay $0x4  }
0x1c4: {  	v2 =	vadd.s32 $0xFFFF3C80, v1  }
0x1c5: {  	vm8 =	vgt.s32 v2, $0x0  }
0x1c6: {  	v2 =	vnsel vm8, $0x0, v2;
	_ =	sdelay $0x4  }
0x1c7: {  	v2 =	vld.idx.msk [tilespmem:v2+s16+$0x0], $0xffff;
	_ =	sdelay $0x3  }
0x1c8: {  	vm9 =	vgt.s32 v1, $0xC37F  }
0x1c9: {  	v1 =	vnsel vm9, $0x0, v2  }
0x1ca: {  	[tilespmem:s26+$0xFFFFFFD0] =	vst.add.f32.msk $0xffff, v1  }
0x1cb: {  	v1 =	vld [tilespmem:s28+$0xFFFFFFE0];
	_ =	sdelay $0x4  }
0x1cc: {  	v2 =	vadd.s32 $0xFFFF3C80, v1  }
0x1cd: {  	vm10 =	vgt.s32 v2, $0x0  }
0x1ce: {  	v2 =	vnsel vm10, $0x0, v2;
	_ =	sdelay $0x4  }
0x1cf: {  	v2 =	vld.idx.msk [tilespmem:v2+s16+$0x0], $0xffff;
	_ =	sdelay $0x3  }
0x1d0: {  	vm11 =	vgt.s32 v1, $0xC37F  }
0x1d1: {  	v1 =	vnsel vm11, $0x0, v2  }
0x1d2: {  	[tilespmem:s26+$0xFFFFFFE0] =	vst.add.f32.msk $0xffff, v1  }
0x1d3: {  	v1 =	vld [tilespmem:s28+$0xFFFFFFF0];
	_ =	sdelay $0x4  }
0x1d4: {  	v2 =	vadd.s32 $0xFFFF3C80, v1  }
0x1d5: {  	vm12 =	vgt.s32 v2, $0x0  }
0x1d6: {  	v2 =	vnsel vm12, $0x0, v2;
	_ =	sdelay $0x4  }
0x1d7: {  	v2 =	vld.idx.msk [tilespmem:v2+s16+$0x0], $0xffff;
	_ =	sdelay $0x3  }
0x1d8: {  	vm13 =	vgt.s32 v1, $0xC37F  }
0x1d9: {  	v1 =	vnsel vm13, $0x0, v2  }
0x1da: {  	[tilespmem:s26+$0xFFFFFFF0] =	vst.add.f32.msk $0xffff, v1  }
0x1db: {  	v1 =	vld [tilespmem:s28+$0x0];
	_ =	sdelay $0x4  }
0x1dc: {  	v2 =	vadd.s32 $0xFFFF3C80, v1  }
0x1dd: {  	vm14 =	vgt.s32 v2, $0x0  }
0x1de: {  	v2 =	vnsel vm14, $0x0, v2;
	_ =	sdelay $0x4  }
0x1df: {  	s25 =	sadd.s32 $0x8, s25;
	v2 =	vld.idx.msk [tilespmem:v2+s16+$0x0], $0xffff  }
0x1e0: {  	p0 =	slt.u32 s25, $0xF8  }
.Ltmp13:
0x1e1: {  	_ = 	snop;
	(pc) =	sbr.rel @p0 .LBB2_29-.Ltmp13, $4  }
0x1e2: {  	_ = 	snop  }
0x1e3: {  	vm15 =	vgt.s32 v1, $0xC37F  }
0x1e4: {  	v1 =	vnsel vm15, $0x0, v2  }
0x1e5: {  	s28 =	sadd.s32 $0x100, s28;
	[tilespmem:s26+$0x0] =	vst.add.f32.msk $0xffff, v1;
	s26 =	sadd.s32 $0x80, s26  }
0x1e6: {  	_ =	swait.ge [sflag:s17], $0x1000  }
0x1e7: {  	[sflag:s17] =	ssyncset.done $0x0  }
0x1e8: {  	s0 =	simm.s32 $0x0;
	s25 =	simm.s32 $0x18780;
	[sflag:s17] =	ssyncadd.s32 $0xFFFFF000  }
.LBB2_31:
0x1e9: {  	p0 =	sne.s32 s0, $0xF80  }
.Ltmp14:
0x1ea: {  	_ = 	snop;
	(pc) =	sbr.rel @p0 .LBB2_31-.Ltmp14, $4  }
0x1eb: {  	_ = 	snop  }
0x1ec: {  	s26 =	sadd.s32 s0, s24  }
0x1ed: {  	[tilespmem:s25], [sflag:$0x4] =	stream.linear.gather [hbm4b:s26+s4], $0x80, $0x38;
	[tilespmem:$0x1E700] =	vst v63  }
0x1ee: {  	s0 =	sadd.s32 $0x80, s0;
	s25 =	sadd.s32 $0x100, s25  }
0x1ef: {  	s24 =	simm.s32 $0xFFFFFFF8;
	s25 =	simm.s32 $0x1C770;
	s26 =	simm.s32 $0x18740  }
.LBB2_33:
0x1f0: {  	v1 =	vld [tilespmem:s26+$0xFFFFFFC0];
	_ =	sdelay $0x4  }
0x1f1: {  	v2 =	vadd.s32 $0xFFFF3C80, v1  }
0x1f2: {  	vm0 =	vgt.s32 v2, $0x0  }
0x1f3: {  	v2 =	vnsel vm0, $0x0, v2;
	_ =	sdelay $0x4  }
0x1f4: {  	v2 =	vld.idx.msk [tilespmem:v2+s16+$0x0], $0xffff;
	_ =	sdelay $0x3  }
0x1f5: {  	vm13 =	vgt.s32 v1, $0xC37F  }
0x1f6: {  	v1 =	vnsel vm13, $0x0, v2  }
0x1f7: {  	[tilespmem:s25+$0xFFFFFF90] =	vst.add.f32.msk $0xffff, v1  }
0x1f8: {  	v1 =	vld [tilespmem:s26+$0xFFFFFFD0];
	_ =	sdelay $0x4  }
0x1f9: {  	v2 =	vadd.s32 $0xFFFF3C80, v1  }
0x1fa: {  	vm14 =	vgt.s32 v2, $0x0  }
0x1fb: {  	v2 =	vnsel vm14, $0x0, v2;
	_ =	sdelay $0x4  }
0x1fc: {  	v2 =	vld.idx.msk [tilespmem:v2+s16+$0x0], $0xffff;
	_ =	sdelay $0x3  }
0x1fd: {  	vm15 =	vgt.s32 v1, $0xC37F  }
0x1fe: {  	v1 =	vnsel vm15, $0x0, v2  }
0x1ff: {  	[tilespmem:s25+$0xFFFFFFA0] =	vst.add.f32.msk $0xffff, v1  }
0x200: {  	v1 =	vld [tilespmem:s26+$0xFFFFFFE0];
	_ =	sdelay $0x4  }
0x201: {  	v2 =	vadd.s32 $0xFFFF3C80, v1  }
0x202: {  	vm4 =	vgt.s32 v2, $0x0  }
0x203: {  	v2 =	vnsel vm4, $0x0, v2;
	_ =	sdelay $0x4  }
0x204: {  	v2 =	vld.idx.msk [tilespmem:v2+s16+$0x0], $0xffff;
	_ =	sdelay $0x3  }
0x205: {  	vm5 =	vgt.s32 v1, $0xC37F  }
0x206: {  	v1 =	vnsel vm5, $0x0, v2  }
0x207: {  	[tilespmem:s25+$0xFFFFFFB0] =	vst.add.f32.msk $0xffff, v1  }
0x208: {  	v1 =	vld [tilespmem:s26+$0xFFFFFFF0];
	_ =	sdelay $0x4  }
0x209: {  	v2 =	vadd.s32 $0xFFFF3C80, v1  }
0x20a: {  	vm6 =	vgt.s32 v2, $0x0  }
0x20b: {  	v2 =	vnsel vm6, $0x0, v2;
	_ =	sdelay $0x4  }
0x20c: {  	v2 =	vld.idx.msk [tilespmem:v2+s16+$0x0], $0xffff;
	_ =	sdelay $0x3  }
0x20d: {  	vm7 =	vgt.s32 v1, $0xC37F  }
0x20e: {  	v1 =	vnsel vm7, $0x0, v2  }
0x20f: {  	[tilespmem:s25+$0xFFFFFFC0] =	vst.add.f32.msk $0xffff, v1  }
0x210: {  	v1 =	vld [tilespmem:s26+$0x0];
	_ =	sdelay $0x4  }
0x211: {  	v2 =	vadd.s32 $0xFFFF3C80, v1  }
0x212: {  	vm8 =	vgt.s32 v2, $0x0  }
0x213: {  	v2 =	vnsel vm8, $0x0, v2;
	_ =	sdelay $0x4  }
0x214: {  	v2 =	vld.idx.msk [tilespmem:v2+s16+$0x0], $0xffff;
	_ =	sdelay $0x3  }
0x215: {  	vm9 =	vgt.s32 v1, $0xC37F  }
0x216: {  	v1 =	vnsel vm9, $0x0, v2  }
0x217: {  	[tilespmem:s25+$0xFFFFFFD0] =	vst.add.f32.msk $0xffff, v1  }
0x218: {  	v1 =	vld [tilespmem:s26+$0x10];
	_ =	sdelay $0x4  }
0x219: {  	v2 =	vadd.s32 $0xFFFF3C80, v1  }
0x21a: {  	vm10 =	vgt.s32 v2, $0x0  }
0x21b: {  	v2 =	vnsel vm10, $0x0, v2;
	_ =	sdelay $0x4  }
0x21c: {  	v2 =	vld.idx.msk [tilespmem:v2+s16+$0x0], $0xffff;
	_ =	sdelay $0x3  }
0x21d: {  	vm11 =	vgt.s32 v1, $0xC37F  }
0x21e: {  	v1 =	vnsel vm11, $0x0, v2  }
0x21f: {  	[tilespmem:s25+$0xFFFFFFE0] =	vst.add.f32.msk $0xffff, v1  }
0x220: {  	v1 =	vld [tilespmem:s26+$0x20];
	_ =	sdelay $0x4  }
0x221: {  	v2 =	vadd.s32 $0xFFFF3C80, v1  }
0x222: {  	vm12 =	vgt.s32 v2, $0x0  }
0x223: {  	v2 =	vnsel vm12, $0x0, v2;
	_ =	sdelay $0x4  }
0x224: {  	v2 =	vld.idx.msk [tilespmem:v2+s16+$0x0], $0xffff;
	_ =	sdelay $0x3  }
0x225: {  	vm13 =	vgt.s32 v1, $0xC37F  }
0x226: {  	v1 =	vnsel vm13, $0x0, v2  }
0x227: {  	[tilespmem:s25+$0xFFFFFFF0] =	vst.add.f32.msk $0xffff, v1  }
0x228: {  	v1 =	vld [tilespmem:s26+$0x30];
	_ =	sdelay $0x4  }
0x229: {  	v2 =	vadd.s32 $0xFFFF3C80, v1  }
0x22a: {  	vm14 =	vgt.s32 v2, $0x0  }
0x22b: {  	v2 =	vnsel vm14, $0x0, v2;
	_ =	sdelay $0x4  }
0x22c: {  	s24 =	sadd.s32 $0x8, s24;
	v2 =	vld.idx.msk [tilespmem:v2+s16+$0x0], $0xffff  }
0x22d: {  	p0 =	slt.u32 s24, $0xF8  }
.Ltmp15:
0x22e: {  	_ = 	snop;
	(pc) =	sbr.rel @p0 .LBB2_33-.Ltmp15, $4  }
0x22f: {  	_ = 	snop  }
0x230: {  	vm15 =	vgt.s32 v1, $0xC37F  }
0x231: {  	v1 =	vnsel vm15, $0x0, v2  }
0x232: {  	s26 =	sadd.s32 $0x100, s26;
	[tilespmem:s25+$0x0] =	vst.add.f32.msk $0xffff, v1;
	s25 =	sadd.s32 $0x80, s25  }
0x233: {  	_ =	swait.ge [sflag:s18], $0x1000  }
0x234: {  	s24 =	simm.s32 $0xFFFFFFF8;
	[sflag:s18] =	ssyncset.done $0x0  }
0x235: {  	s25 =	simm.s32 $0x1D770;
	s26 =	simm.s32 $0x187F0;
	[sflag:s18] =	ssyncadd.s32 $0xFFFFF000  }
.LBB2_35:
0x236: {  	v1 =	vld [tilespmem:s26+$0xFFFFFF90];
	_ =	sdelay $0x4  }
0x237: {  	v2 =	vadd.s32 $0xFFFF3C80, v1  }
0x238: {  	vm0 =	vgt.s32 v2, $0x0  }
0x239: {  	v2 =	vnsel vm0, $0x0, v2;
	_ =	sdelay $0x4  }
0x23a: {  	v2 =	vld.idx.msk [tilespmem:v2+s16+$0x0], $0xffff;
	_ =	sdelay $0x3  }
0x23b: {  	vm13 =	vgt.s32 v1, $0xC37F  }
0x23c: {  	v1 =	vnsel vm13, $0x0, v2  }
0x23d: {  	[tilespmem:s25+$0xFFFFFF90] =	vst.add.f32.msk $0xffff, v1  }
0x23e: {  	v1 =	vld [tilespmem:s26+$0xFFFFFFA0];
	_ =	sdelay $0x4  }
0x23f: {  	v2 =	vadd.s32 $0xFFFF3C80, v1  }
0x240: {  	vm14 =	vgt.s32 v2, $0x0  }
0x241: {  	v2 =	vnsel vm14, $0x0, v2;
	_ =	sdelay $0x4  }
0x242: {  	v2 =	vld.idx.msk [tilespmem:v2+s16+$0x0], $0xffff;
	_ =	sdelay $0x3  }
0x243: {  	vm15 =	vgt.s32 v1, $0xC37F  }
0x244: {  	v1 =	vnsel vm15, $0x0, v2  }
0x245: {  	[tilespmem:s25+$0xFFFFFFA0] =	vst.add.f32.msk $0xffff, v1  }
0x246: {  	v1 =	vld [tilespmem:s26+$0xFFFFFFB0];
	_ =	sdelay $0x4  }
0x247: {  	v2 =	vadd.s32 $0xFFFF3C80, v1  }
0x248: {  	vm4 =	vgt.s32 v2, $0x0  }
0x249: {  	v2 =	vnsel vm4, $0x0, v2;
	_ =	sdelay $0x4  }
0x24a: {  	v2 =	vld.idx.msk [tilespmem:v2+s16+$0x0], $0xffff;
	_ =	sdelay $0x3  }
0x24b: {  	vm5 =	vgt.s32 v1, $0xC37F  }
0x24c: {  	v1 =	vnsel vm5, $0x0, v2  }
0x24d: {  	[tilespmem:s25+$0xFFFFFFB0] =	vst.add.f32.msk $0xffff, v1  }
0x24e: {  	v1 =	vld [tilespmem:s26+$0xFFFFFFC0];
	_ =	sdelay $0x4  }
0x24f: {  	v2 =	vadd.s32 $0xFFFF3C80, v1  }
0x250: {  	vm6 =	vgt.s32 v2, $0x0  }
0x251: {  	v2 =	vnsel vm6, $0x0, v2;
	_ =	sdelay $0x4  }
0x252: {  	v2 =	vld.idx.msk [tilespmem:v2+s16+$0x0], $0xffff;
	_ =	sdelay $0x3  }
0x253: {  	vm7 =	vgt.s32 v1, $0xC37F  }
0x254: {  	v1 =	vnsel vm7, $0x0, v2  }
0x255: {  	[tilespmem:s25+$0xFFFFFFC0] =	vst.add.f32.msk $0xffff, v1  }
0x256: {  	v1 =	vld [tilespmem:s26+$0xFFFFFFD0];
	_ =	sdelay $0x4  }
0x257: {  	v2 =	vadd.s32 $0xFFFF3C80, v1  }
0x258: {  	vm8 =	vgt.s32 v2, $0x0  }
0x259: {  	v2 =	vnsel vm8, $0x0, v2;
	_ =	sdelay $0x4  }
0x25a: {  	v2 =	vld.idx.msk [tilespmem:v2+s16+$0x0], $0xffff;
	_ =	sdelay $0x3  }
0x25b: {  	vm9 =	vgt.s32 v1, $0xC37F  }
0x25c: {  	v1 =	vnsel vm9, $0x0, v2  }
0x25d: {  	[tilespmem:s25+$0xFFFFFFD0] =	vst.add.f32.msk $0xffff, v1  }
0x25e: {  	v1 =	vld [tilespmem:s26+$0xFFFFFFE0];
	_ =	sdelay $0x4  }
0x25f: {  	v2 =	vadd.s32 $0xFFFF3C80, v1  }
0x260: {  	vm10 =	vgt.s32 v2, $0x0  }
0x261: {  	v2 =	vnsel vm10, $0x0, v2;
	_ =	sdelay $0x4  }
0x262: {  	v2 =	vld.idx.msk [tilespmem:v2+s16+$0x0], $0xffff;
	_ =	sdelay $0x3  }
0x263: {  	vm11 =	vgt.s32 v1, $0xC37F  }
0x264: {  	v1 =	vnsel vm11, $0x0, v2  }
0x265: {  	[tilespmem:s25+$0xFFFFFFE0] =	vst.add.f32.msk $0xffff, v1  }
0x266: {  	v1 =	vld [tilespmem:s26+$0xFFFFFFF0];
	_ =	sdelay $0x4  }
0x267: {  	v2 =	vadd.s32 $0xFFFF3C80, v1  }
0x268: {  	vm12 =	vgt.s32 v2, $0x0  }
0x269: {  	v2 =	vnsel vm12, $0x0, v2;
	_ =	sdelay $0x4  }
0x26a: {  	v2 =	vld.idx.msk [tilespmem:v2+s16+$0x0], $0xffff;
	_ =	sdelay $0x3  }
0x26b: {  	vm13 =	vgt.s32 v1, $0xC37F  }
0x26c: {  	v1 =	vnsel vm13, $0x0, v2  }
0x26d: {  	[tilespmem:s25+$0xFFFFFFF0] =	vst.add.f32.msk $0xffff, v1  }
0x26e: {  	v1 =	vld [tilespmem:s26+$0x0];
	_ =	sdelay $0x4  }
0x26f: {  	v2 =	vadd.s32 $0xFFFF3C80, v1  }
0x270: {  	vm14 =	vgt.s32 v2, $0x0  }
0x271: {  	v2 =	vnsel vm14, $0x0, v2;
	_ =	sdelay $0x4  }
0x272: {  	s24 =	sadd.s32 $0x8, s24;
	v2 =	vld.idx.msk [tilespmem:v2+s16+$0x0], $0xffff  }
0x273: {  	p0 =	slt.u32 s24, $0xF8  }
.Ltmp16:
0x274: {  	_ = 	snop;
	(pc) =	sbr.rel @p0 .LBB2_35-.Ltmp16, $4  }
0x275: {  	_ = 	snop  }
0x276: {  	vm15 =	vgt.s32 v1, $0xC37F  }
0x277: {  	v1 =	vnsel vm15, $0x0, v2  }
0x278: {  	s26 =	sadd.s32 $0x100, s26;
	[tilespmem:s25+$0x0] =	vst.add.f32.msk $0xffff, v1;
	s25 =	sadd.s32 $0x80, s25  }
0x279: {  	s23 =	sadd.s32 $0x1, s23  }
0x27a: {  	p0 =	sne.s32 s23, $0x1A  }
.Ltmp17:
0x27b: {  	_ = 	snop;
	(pc) =	sbr.rel @p0 .LBB2_4-.Ltmp17, $1  }
0x27c: {  	_ =	sdelay $0x3  }
0x27d: {  	s22 =	sadd.s32 $0x1, s22  }
0x27e: {  	p0 =	sne.s32 s22, s12  }
.Ltmp18:
0x27f: {  	_ = 	snop;
	(pc) =	sbr.rel @p0 .LBB2_1-.Ltmp18, $4  }
0x280: {  	[hbm4b:s11+s13] =	stream.strided.scatter [tilespmem:s20], [sflag:$0x5], $0x4000, s14, s13, $0x38;
	[tilespmem:$0x1E700] =	vst v63  }
0x281: {  	_ =	swait.ge [sflag:s21], $0x4000  }
0x282: {  	[sflag:s21] =	ssyncset.done $0x0  }
0x283: {  	[sflag:s21] =	ssyncadd.s32 $0xFFFFC000  }
0x284: {  	_ =	sfence.sel $0x180000  }
0x285: {  	[bflag:$0x0] =	sbarrier.arrive $0xFFFF  }
0x286: {  	_ =	strace $0x90000047  }
0x287: {  	[bflag:$0x2] =	sbarrier.arrive $0xFFFF  }
0x288: {  	p0 =	sne.s32 s2, $0x0;
	s0 =	rddreg [dreg:$0x3]  }
0x289: {  	s0 =	sadd.s32 @!p0 $0x100000, s0  }
0x28a: {  	[sflag:s0] =	ssyncadd.tile.s32 @!p0 $0x1;
	_ =	shalt  }
.Lfunc_end2:
_tile_overlayer_lowered:
.L_overlay_start_2:
0x28b: {  	(tag) =	ssettag $0x2  }
0x28c: {  	s0 =	rddreg [dreg:$0x0];
	s2 =	stileid.u32  }
0x28d: {  	s1 =	rddreg [dreg:$0x1];
	p0 =	sne.s32 s2, $0x0  }
0x28e: {  	s3 =	rddreg [dreg:$0x2];
	[bflag:$0x3] =	sbarrier.arrive $0xFFFF;
	s2 =	simm.s32 @!p0 $0x1C05  }
0x28f: {  	[timem:s3], [sflag:s2] =	dma.local @!p0 [hbm:s0], s1  }
0x290: {  	s0 =	simm.s32 @!p0 $0x5  }
0x291: {  	_ =	swait.ge @!p0 [sflag:s0], s1  }
0x292: {  	s1 =	ssub.s32 @!p0 $0x0, s1;
	[sflag:s0] =	ssyncset.done @!p0 $0x0  }
0x293: {  	[sflag:s0] =	ssyncadd.s32 @!p0 s1  }
0x294: {  	[bflag:$0x3] =	sbarrier.arrive $0xFFFF  }
0x295: {  	_ =	shalt  }

</sc_bundles>
